<compile_context>
chip_gen: v7x
topology: tpu7x:2x2x1
jax: 0.10.2.dev20260603
libtpu: 0.0.44.dev20260713+nightly
codegen_flags: <defaults>
</compile_context>

<pallas_src>
import functools

import jax
import jax.numpy as jnp
from jax import lax
from jax.experimental import pallas as pl
from jax.experimental.pallas import tpu as pltpu
from jax.experimental.pallas import tpu_sc as plsc

D = 128
_EPS = 1e-5

_CARD0 = 0
_MASKED = 52
_LEVEL0 = 56
_RUN0 = 72
_TROWS = 96

_NC = 2
_NS = 16
_NW = _NC * _NS
_CH = 128
_CTX_G = 1024


def _ln_rows(x, g, b):
    mu = jnp.mean(x, axis=-1, keepdims=True)
    var = jnp.mean((x - mu) ** 2, axis=-1, keepdims=True)
    return (x - mu) / jnp.sqrt(var + _EPS) * g + b


def _table_kernel(rank_ref, suit_ref, level_ref, pwt_ref, pb_ref,
                  rg_ref, rb_ref, hg_ref, hb_ref, out_ref):
    hg = hg_ref[0:1, :]
    hb = hb_ref[0:1, :]
    card = jnp.concatenate(
        [rank_ref[:, :] + suit_ref[s:s + 1, :] for s in range(4)], axis=0)
    card_ln = _ln_rows(card, hg, hb)
    masked = jnp.broadcast_to(hb, (4, D))
    level = level_ref[:, :]
    ii = lax.broadcasted_iota(jnp.int32, (20, D), 0)
    h = (ii // 4).astype(jnp.float32)
    d = (ii % 4).astype(jnp.float32)
    x = h * pwt_ref[0:1, :] + d * pwt_ref[1:2, :] + pb_ref[0:1, :]
    run_ln = _ln_rows(x, rg_ref[0:1, :], rb_ref[0:1, :])
    pad = jnp.zeros((4, D), jnp.float32)
    tbl = jnp.concatenate([card_ln, masked, level, run_ln, pad], axis=0)
    out_ref[:, :] = tbl


def _build_table(rank_emb, suit_emb, level_emb, pwt, pb, rg, rb, hg, hb):
    return pl.pallas_call(
        _table_kernel,
        out_shape=jax.ShapeDtypeStruct((_TROWS, D), jnp.float32),
    )(rank_emb, suit_emb, level_emb, pwt, pb, rg, rb, hg, hb)


def _ctx_kernel(xidxt_ref, tblt_ref, out_ref):
    nt1, g, _ = out_ref.shape
    tblt = tblt_ref[:, :]
    sub_iota = lax.broadcasted_iota(jnp.int32, (_TROWS, D), 0)
    for j in range(nt1):
        for c in range(g // D):
            idx_chunk = xidxt_ref[j:j + 1, c * D:(c + 1) * D]
            oht = jnp.where(
                sub_iota == jnp.broadcast_to(idx_chunk, (_TROWS, D)),
                1.0, 0.0)
            rows_t = jax.lax.dot_general(
                tblt, oht, (((1,), (0,)), ((), ())),
                preferred_element_type=jnp.float32,
                precision=jax.lax.Precision.DEFAULT)
            out_ref[j, pl.ds(c * D, D), :] = rows_t.T


@functools.cache
def _make_ctx(B, nt1):
    return pl.pallas_call(
        _ctx_kernel,
        grid=(B // _CTX_G,),
        in_specs=[
            pl.BlockSpec((nt1, _CTX_G), lambda i: (0, i)),
            pl.BlockSpec((D, _TROWS), lambda i: (0, 0)),
        ],
        out_specs=pl.BlockSpec((nt1, _CTX_G, D), lambda i: (0, i, 0)),
        out_shape=jax.ShapeDtypeStruct((nt1, B, D), jnp.float32),
    )


@functools.cache
def _make_gather(hand_rows):
    hand_ch = hand_rows // (_NW * _CH)
    mesh = plsc.VectorSubcoreMesh(core_axis_name="c", subcore_axis_name="s")

    @functools.partial(
        pl.kernel,
        mesh=mesh,
        out_type=jax.ShapeDtypeStruct((hand_rows, D), jnp.float32),
        scratch_types=[
            pltpu.VMEM((hand_ch * _CH,), jnp.int32),
            pltpu.VMEM_SHARED((_TROWS, D), jnp.float32),
            pltpu.VMEM((2, _CH, D), jnp.float32),
            pltpu.SemaphoreType.DMA,
            pltpu.SemaphoreType.DMA,
            pltpu.SemaphoreType.DMA,
            pltpu.SemaphoreType.DMA,
        ],
    )
    def gather(table_hbm, cidx_hbm, hand_hbm, cidx_v, tbl_v, bufs,
               g0, g1, o0, o1):
        wid = lax.axis_index("s") * _NC + lax.axis_index("c")
        gsem = (g0, g1)
        osem = (o0, o1)

        @pl.when(lax.axis_index("s") == 0)
        def _load_table():
            pltpu.sync_copy(table_hbm, tbl_v)

        plsc.subcore_barrier()
        pltpu.sync_copy(
            cidx_hbm.at[pl.ds(pl.multiple_of(wid * (hand_ch * _CH), 8),
                              hand_ch * _CH)], cidx_v)

        def run(idx_v, out_hbm, nch):
            base = wid * nch * _CH

            def out_slice(c):
                return out_hbm.at[
                    pl.ds(pl.multiple_of(base + c * _CH, 8), _CH)]

            def idx_slice(c):
                return idx_v.at[pl.ds(pl.multiple_of(c * _CH, 8), _CH)]

            def g_start(c, b):
                pltpu.async_copy(tbl_v.at[idx_slice(c)], bufs.at[b],
                                 gsem[b])

            def g_wait(c, b):
                pltpu.make_async_copy(tbl_v.at[idx_slice(c)], bufs.at[b],
                                      gsem[b]).wait()

            def s_start(c, b):
                pltpu.async_copy(bufs.at[b], out_slice(c), osem[b])

            def s_wait(c, b):
                pltpu.make_async_copy(bufs.at[b], out_slice(c),
                                      osem[b]).wait()

            g_start(0, 0)
            g_start(1, 1)
            g_wait(0, 0)
            s_start(0, 0)

            def body(g, carry):
                for u in range(2):
                    c = 1 + g * 2 + u
                    b = (1 + u) % 2
                    s_wait(c - 1, 1 - b)
                    g_start(c + 1, 1 - b)
                    g_wait(c, b)
                    s_start(c, b)
                return carry

            lax.fori_loop(0, (nch - 2) // 2, body, 0)
            c = nch - 1
            b = c % 2
            g_wait(c, b)
            s_start(c, b)
            s_wait(c - 1, 1 - b)
            s_wait(c, b)

        run(cidx_v, hand_hbm, hand_ch)

    return gather


def kernel(hand_card_ids, hand_card_mask, hands_remaining, discards_remaining,
           hand_levels, rank_emb, suit_emb, proj_w, proj_b,
           run_ln_g, run_ln_b, hand_ln_g, hand_ln_b, level_emb):
    B, H = hand_card_ids.shape
    NT = hand_levels.shape[1]
    row = lambda v: v.astype(jnp.float32).reshape(1, D)
    table = _build_table(
        rank_emb.astype(jnp.float32), suit_emb.astype(jnp.float32),
        level_emb.astype(jnp.float32), proj_w.astype(jnp.float32).T,
        row(proj_b), row(run_ln_g), row(run_ln_b),
        row(hand_ln_g), row(hand_ln_b))

    ids = hand_card_ids.astype(jnp.int32)
    cidx = jnp.where(hand_card_mask, ids, _MASKED).astype(jnp.int32)
    cidx = cidx.reshape(B * H)
    run_idx = (_RUN0 + 4 * hands_remaining.astype(jnp.int32)
               + discards_remaining.astype(jnp.int32))
    xidxt = jnp.concatenate(
        [hand_levels.astype(jnp.int32).T + _LEVEL0, run_idx.T], axis=0)

    hand_flat = _make_gather(B * H)(table, cidx)
    ctx_planes = _make_ctx(B, NT + 1)(xidxt, table.T)
    ctx_seq = ctx_planes.transpose(1, 0, 2)
    hand_toks = hand_flat.reshape(B, H, D)
    mask = hand_card_mask.astype(bool)
    ctx_mask = jnp.ones((B, NT + 1), dtype=bool)
    return hand_toks, mask, ctx_seq, ctx_mask

# --- scband reference (transcript-rebuilt; emitter-appended) ---
"""Pipeline reference for scband-minimal-combat-embeddings-52587579572933 (READ-ONLY COPY).

The authoritative reference and input builder live on the scoring server;
editing this copy changes nothing except your own understanding.
"""

import jax, jax.numpy as jnp
import numpy as np

B = 16384
H = 8
D = 128
NUM_RANKS = 13
NUM_SUITS = 4
HAND_TYPE_COUNT = 12
LEVEL_VOCAB = 16


def _ln(x, g, b, eps=1e-5):
    mu = jnp.mean(x, axis=-1, keepdims=True)
    var = jnp.mean((x - mu) ** 2, axis=-1, keepdims=True)
    return (x - mu) / jnp.sqrt(var + eps) * g + b


def setup_inputs(seed: int = 0) -> dict:
    key = jax.random.key(seed)
    ks = jax.random.split(key, 10)
    hand_card_ids = jax.random.randint(ks[0], (B, H), 0, 52)
    hand_card_mask = jnp.ones((B, H), dtype=bool)
    hands_remaining = jax.random.randint(ks[1], (B, 1), 0, 5)
    discards_remaining = jax.random.randint(ks[2], (B, 1), 0, 4)
    hand_levels = jax.random.randint(ks[3], (B, HAND_TYPE_COUNT), 0, LEVEL_VOCAB)
    rank_emb = jax.random.normal(ks[4], (NUM_RANKS, D), dtype=jnp.float32) * 0.02
    suit_emb = jax.random.normal(ks[5], (NUM_SUITS, D), dtype=jnp.float32) * 0.02
    proj_w = jax.random.normal(ks[6], (D, 2), dtype=jnp.float32) * (1.0 / np.sqrt(2.0))
    proj_b = jnp.zeros((D,), dtype=jnp.float32)
    run_ln_g = jnp.ones((D,), dtype=jnp.float32)
    run_ln_b = jnp.zeros((D,), dtype=jnp.float32)
    hand_ln_g = jnp.ones((D,), dtype=jnp.float32)
    hand_ln_b = jnp.zeros((D,), dtype=jnp.float32)
    level_emb = jax.random.normal(ks[7], (LEVEL_VOCAB, D), dtype=jnp.float32) * 0.02
    return {
        "hand_card_ids": hand_card_ids,
        "hand_card_mask": hand_card_mask,
        "hands_remaining": hands_remaining,
        "discards_remaining": discards_remaining,
        "hand_levels": hand_levels,
        "rank_emb": rank_emb,
        "suit_emb": suit_emb,
        "proj_w": proj_w,
        "proj_b": proj_b,
        "run_ln_g": run_ln_g,
        "run_ln_b": run_ln_b,
        "hand_ln_g": hand_ln_g,
        "hand_ln_b": hand_ln_b,
        "level_emb": level_emb,
    }


def reference(hand_card_ids, hand_card_mask, hands_remaining, discards_remaining,
              hand_levels, rank_emb, suit_emb, proj_w, proj_b,
              run_ln_g, run_ln_b, hand_ln_g, hand_ln_b, level_emb):
    # SimpleCardEmbedding: rank + suit embedding, masked
    rank = hand_card_ids % NUM_RANKS
    suit = hand_card_ids // NUM_RANKS
    toks = jnp.take(rank_emb, rank, axis=0) + jnp.take(suit_emb, suit, axis=0)
    mask = hand_card_mask.astype(bool)
    toks = toks * mask[..., None].astype(jnp.float32)
    hand_toks = _ln(toks, hand_ln_g, hand_ln_b)
    # MinimalRunStateEmbedding: two scalars -> one (B,1,D) token
    feats = jnp.stack([
        hands_remaining.astype(jnp.float32).squeeze(-1),
        discards_remaining.astype(jnp.float32).squeeze(-1),
    ], axis=-1)
    run_tok = _ln(feats @ proj_w.T + proj_b, run_ln_g, run_ln_b)[:, None, :]
    # HandLevelEmbedding: per-hand-type level lookup -> (B, HAND_TYPE_COUNT, D)
    hl_toks = jnp.take(level_emb, hand_levels, axis=0)
    ctx_seq = jnp.concatenate([hl_toks, run_tok], axis=1)
    b = hand_toks.shape[0]
    ctx_mask = jnp.ones((b, HAND_TYPE_COUNT + 1), dtype=bool)
    return hand_toks, mask, ctx_seq, ctx_mask

if __name__ == "__main__":
    import jax
    _d = setup_inputs()
    print(jax.jit(kernel)(*tuple(_d.values())))

</pallas_src>

<mosaic_0001>
#map = affine_map<(d0, d1) -> (0, 0)>
#map1 = affine_map<(d0, d1) -> (0)>
module attributes {stable_mosaic.version = 14 : i64} {
  func.func @gather(%arg0: i32, %arg1: i32, %arg2: memref<96x128xf32, #tpu.memory_space<hbm>>, %arg3: memref<131072xi32, #tpu.memory_space<hbm>>, %arg4: memref<131072x128xf32, #tpu.memory_space<hbm>>, %arg5: memref<4096xi32, #tpu.memory_space<vmem>>, %arg6: memref<96x128xf32, #tpu.memory_space<vmem_shared>>, %arg7: memref<2x128x128xf32, #tpu.memory_space<vmem>>, %arg8: memref<!tpu.dma_semaphore, #tpu.memory_space<semaphore_mem>>, %arg9: memref<!tpu.dma_semaphore, #tpu.memory_space<semaphore_mem>>, %arg10: memref<!tpu.dma_semaphore, #tpu.memory_space<semaphore_mem>>, %arg11: memref<!tpu.dma_semaphore, #tpu.memory_space<semaphore_mem>>) attributes {dimension_semantics = [#tpu.dimension_semantics<core_parallel>, #tpu.dimension_semantics<subcore_parallel>], iteration_bounds = array<i64: 2, 16>, scalar_prefetch = 0 : i64, scratch_operands = 7 : i64, tpu.core_type = #tpu.core_type<sc_vector_subcore>, window_params = [{transform_indices = #map}, {transform_indices = #map1}, {transform_indices = #map}]} {
    %mul3A = arith.constant 2 : i32
    %mul3A_0 = arith.muli %arg1, %mul3A : i32
    %add3A = arith.addi %mul3A_0, %arg0 : i32
    %eq3A = arith.constant 0 : i32
    %eq3A_1 = arith.cmpi eq, %arg1, %eq3A : i32
    %convert_element_type3A = arith.extui %eq3A_1 : i1 to i32
    %cond3A = arith.constant 0 : i32
    %cond3A_2 = arith.cmpi ne, %convert_element_type3A, %cond3A : i32
    scf.if %cond3A_2 {
      "tpu.region"() ({
        %run_scoped3A = tpu.sem_alloc : memref<!tpu.dma_semaphore, #tpu.memory_space<semaphore_mem>>
        tpu.enqueue_dma source(%arg2 : memref<96x128xf32, #tpu.memory_space<hbm>>) target(%arg6 : memref<96x128xf32, #tpu.memory_space<vmem_shared>>) target_semaphore(%run_scoped3A : memref<!tpu.dma_semaphore, #tpu.memory_space<semaphore_mem>>)
        tpu.wait_dma2 semaphore(%run_scoped3A : memref<!tpu.dma_semaphore, #tpu.memory_space<semaphore_mem>>) src(%arg2 : memref<96x128xf32, #tpu.memory_space<hbm>>) dst(%arg6 : memref<96x128xf32, #tpu.memory_space<vmem_shared>>)
        tpu.yield
      }) : () -> ()
    } else {
    }
    %barrier3A = arith.constant 0 : index
    tpu.barrier barrier_id(%barrier3A)
    %mul3A_3 = arith.constant 4096 : i32
    %mul3A_4 = arith.muli %add3A, %mul3A_3 : i32
    %multiple_of3A = tpu.assume_multiple %mul3A_4, 8 : i32
    "tpu.region"() ({
      %run_scoped3A = tpu.sem_alloc : memref<!tpu.dma_semaphore, #tpu.memory_space<semaphore_mem>>
      %dma_start3A_120 = tpu.memref_slice %arg3[%multiple_of3A] : memref<131072xi32, #tpu.memory_space<hbm>> -> memref<4096xi32, #tpu.memory_space<hbm>>
      %dma_start3A_121 = tpu.memref_slice %arg3[%multiple_of3A] : memref<131072xi32, #tpu.memory_space<hbm>> -> memref<4096xi32, #tpu.memory_space<hbm>>
      tpu.enqueue_dma source(%dma_start3A_121 : memref<4096xi32, #tpu.memory_space<hbm>>) target(%arg5 : memref<4096xi32, #tpu.memory_space<vmem>>) target_semaphore(%run_scoped3A : memref<!tpu.dma_semaphore, #tpu.memory_space<semaphore_mem>>)
      %dma_wait3A_122 = tpu.memref_slice %arg3[%multiple_of3A] : memref<131072xi32, #tpu.memory_space<hbm>> -> memref<4096xi32, #tpu.memory_space<hbm>>
      %dma_wait3A_123 = tpu.memref_slice %arg3[%multiple_of3A] : memref<131072xi32, #tpu.memory_space<hbm>> -> memref<4096xi32, #tpu.memory_space<hbm>>
      tpu.wait_dma2 semaphore(%run_scoped3A : memref<!tpu.dma_semaphore, #tpu.memory_space<semaphore_mem>>) src(%dma_wait3A_123 : memref<4096xi32, #tpu.memory_space<hbm>>) dst(%arg5 : memref<4096xi32, #tpu.memory_space<vmem>>)
      tpu.yield
    }) : () -> ()
    %mul3A_5 = arith.constant 32 : i32
    %mul3A_6 = arith.muli %add3A, %mul3A_5 : i32
    %mul3A_7 = arith.constant 128 : i32
    %mul3A_8 = arith.muli %mul3A_6, %mul3A_7 : i32
    %multiple_of3A_9 = arith.constant 0 : i32
    %multiple_of3A_10 = tpu.assume_multiple %multiple_of3A_9, 8 : i32
    %dma_start3A = arith.constant 0 : i32
    %dma_start3A_11 = arith.constant 0 : i32
    %dma_start3A_12 = arith.constant 0 : i32
    %dma_start3A_13 = tpu.memref_slice %arg7[%dma_start3A, %dma_start3A_11, %dma_start3A_12] : memref<2x128x128xf32, #tpu.memory_space<vmem>> -> memref<1x128x128xf32, #tpu.memory_space<vmem>>
    %dma_start3A_14 = tpu.memref_squeeze %dma_start3A_13 : memref<1x128x128xf32, #tpu.memory_space<vmem>> -> memref<128x128xf32, #tpu.memory_space<vmem>>
    %dma_start3A_15 = tpu.memref_slice %arg5[%multiple_of3A_10] : memref<4096xi32, #tpu.memory_space<vmem>> -> memref<128xi32, #tpu.memory_space<vmem>>
    %dma_start3A_16 = arith.constant 0 : i32
    %dma_start3A_17 = arith.constant 0 : i32
    %dma_start3A_18 = tpu.memref_slice %arg6[%dma_start3A_16, %dma_start3A_17] : memref<96x128xf32, #tpu.memory_space<vmem_shared>> -> memref<96x128xf32, #tpu.memory_space<vmem_shared>>
    tpu.enqueue_indirect_dma source(%dma_start3A_18 : memref<96x128xf32, #tpu.memory_space<vmem_shared>>) target(%dma_start3A_14 : memref<128x128xf32, #tpu.memory_space<vmem>>) offsets(%dma_start3A_15 : memref<128xi32, #tpu.memory_space<vmem>>) semaphore(%arg8 : memref<!tpu.dma_semaphore, #tpu.memory_space<semaphore_mem>>)
    %multiple_of3A_19 = arith.constant 128 : i32
    %multiple_of3A_20 = tpu.assume_multiple %multiple_of3A_19, 8 : i32
    %dma_start3A_21 = arith.constant 1 : i32
    %dma_start3A_22 = arith.constant 0 : i32
    %dma_start3A_23 = arith.constant 0 : i32
    %dma_start3A_24 = tpu.memref_slice %arg7[%dma_start3A_21, %dma_start3A_22, %dma_start3A_23] : memref<2x128x128xf32, #tpu.memory_space<vmem>> -> memref<1x128x128xf32, #tpu.memory_space<vmem>>
    %dma_start3A_25 = tpu.memref_squeeze %dma_start3A_24 : memref<1x128x128xf32, #tpu.memory_space<vmem>> -> memref<128x128xf32, #tpu.memory_space<vmem>>
    %dma_start3A_26 = tpu.memref_slice %arg5[%multiple_of3A_20] : memref<4096xi32, #tpu.memory_space<vmem>> -> memref<128xi32, #tpu.memory_space<vmem>>
    %dma_start3A_27 = arith.constant 0 : i32
    %dma_start3A_28 = arith.constant 0 : i32
    %dma_start3A_29 = tpu.memref_slice %arg6[%dma_start3A_27, %dma_start3A_28] : memref<96x128xf32, #tpu.memory_space<vmem_shared>> -> memref<96x128xf32, #tpu.memory_space<vmem_shared>>
    tpu.enqueue_indirect_dma source(%dma_start3A_29 : memref<96x128xf32, #tpu.memory_space<vmem_shared>>) target(%dma_start3A_25 : memref<128x128xf32, #tpu.memory_space<vmem>>) offsets(%dma_start3A_26 : memref<128xi32, #tpu.memory_space<vmem>>) semaphore(%arg9 : memref<!tpu.dma_semaphore, #tpu.memory_space<semaphore_mem>>)
    %multiple_of3A_30 = arith.constant 0 : i32
    %multiple_of3A_31 = tpu.assume_multiple %multiple_of3A_30, 8 : i32
    %dma_wait3A = arith.constant 0 : i32
    %dma_wait3A_32 = arith.constant 0 : i32
    %dma_wait3A_33 = arith.constant 0 : i32
    %dma_wait3A_34 = tpu.memref_slice %arg7[%dma_wait3A, %dma_wait3A_32, %dma_wait3A_33] : memref<2x128x128xf32, #tpu.memory_space<vmem>> -> memref<1x128x128xf32, #tpu.memory_space<vmem>>
    %dma_wait3A_35 = tpu.memref_squeeze %dma_wait3A_34 : memref<1x128x128xf32, #tpu.memory_space<vmem>> -> memref<128x128xf32, #tpu.memory_space<vmem>>
    %dma_wait3A_36 = tpu.memref_slice %arg5[%multiple_of3A_31] : memref<4096xi32, #tpu.memory_space<vmem>> -> memref<128xi32, #tpu.memory_space<vmem>>
    %dma_wait3A_37 = arith.constant 0 : i32
    %dma_wait3A_38 = arith.constant 0 : i32
    %dma_wait3A_39 = tpu.memref_slice %arg6[%dma_wait3A_37, %dma_wait3A_38] : memref<96x128xf32, #tpu.memory_space<vmem_shared>> -> memref<96x128xf32, #tpu.memory_space<vmem_shared>>
    tpu.wait_indirect_dma semaphore(%arg8 : memref<!tpu.dma_semaphore, #tpu.memory_space<semaphore_mem>>) src(%dma_wait3A_39 : memref<96x128xf32, #tpu.memory_space<vmem_shared>>) dst(%dma_wait3A_35 : memref<128x128xf32, #tpu.memory_space<vmem>>)
    %add3A_40 = arith.constant 0 : i32
    %add3A_41 = arith.addi %mul3A_8, %add3A_40 : i32
    %multiple_of3A_42 = tpu.assume_multiple %add3A_41, 8 : i32
    %dma_start3A_43 = arith.constant 0 : i32
    %dma_start3A_44 = arith.constant 0 : i32
    %dma_start3A_45 = arith.constant 0 : i32
    %dma_start3A_46 = tpu.memref_slice %arg7[%dma_start3A_43, %dma_start3A_44, %dma_start3A_45] : memref<2x128x128xf32, #tpu.memory_space<vmem>> -> memref<1x128x128xf32, #tpu.memory_space<vmem>>
    %dma_start3A_47 = tpu.memref_squeeze %dma_start3A_46 : memref<1x128x128xf32, #tpu.memory_space<vmem>> -> memref<128x128xf32, #tpu.memory_space<vmem>>
    %dma_start3A_48 = arith.constant 0 : i32
    %dma_start3A_49 = tpu.memref_slice %arg4[%multiple_of3A_42, %dma_start3A_48] : memref<131072x128xf32, #tpu.memory_space<hbm>> -> memref<128x128xf32, #tpu.memory_space<hbm>>
    %dma_start3A_50 = arith.constant 0 : i32
    %dma_start3A_51 = tpu.memref_slice %arg4[%multiple_of3A_42, %dma_start3A_50] : memref<131072x128xf32, #tpu.memory_space<hbm>> -> memref<128x128xf32, #tpu.memory_space<hbm>>
    %dma_start3A_52 = arith.constant 0 : i32
    %dma_start3A_53 = arith.constant 0 : i32
    %dma_start3A_54 = tpu.memref_slice %arg7[%dma_start3A_43, %dma_start3A_52, %dma_start3A_53] : memref<2x128x128xf32, #tpu.memory_space<vmem>> -> memref<1x128x128xf32, #tpu.memory_space<vmem>>
    %dma_start3A_55 = tpu.memref_squeeze %dma_start3A_54 : memref<1x128x128xf32, #tpu.memory_space<vmem>> -> memref<128x128xf32, #tpu.memory_space<vmem>>
    tpu.enqueue_dma source(%dma_start3A_55 : memref<128x128xf32, #tpu.memory_space<vmem>>) target(%dma_start3A_51 : memref<128x128xf32, #tpu.memory_space<hbm>>) target_semaphore(%arg10 : memref<!tpu.dma_semaphore, #tpu.memory_space<semaphore_mem>>)
    %scan3A = arith.constant 0 : i32
    %scan3A_56 = arith.constant 0 : i32
    %scan3A_57 = arith.constant 15 : i32
    %scan3A_58 = arith.addi %scan3A_56, %scan3A_57 : i32
    %scan3A_59 = arith.constant 1 : i32
    scf.for %scan3A_120 = %scan3A_56 to %scan3A_58 step %scan3A_59  : i32 {
      %mul3A_121 = arith.constant 2 : i32
      %mul3A_122 = arith.muli %scan3A_120, %mul3A_121 : i32
      %add3A_123 = arith.constant 1 : i32
      %add3A_124 = arith.addi %add3A_123, %mul3A_122 : i32
      %add3A_125 = arith.constant 0 : i32
      %add3A_126 = arith.addi %add3A_124, %add3A_125 : i32
      %sub3A = arith.constant 1 : i32
      %sub3A_127 = arith.subi %add3A_126, %sub3A : i32
      %mul3A_128 = arith.constant 128 : i32
      %mul3A_129 = arith.muli %sub3A_127, %mul3A_128 : i32
      %add3A_130 = arith.addi %mul3A_8, %mul3A_129 : i32
      %multiple_of3A_131 = tpu.assume_multiple %add3A_130, 8 : i32
      %dma_wait3A_132 = arith.constant 0 : i32
      %dma_wait3A_133 = arith.constant 0 : i32
      %dma_wait3A_134 = arith.constant 0 : i32
      %dma_wait3A_135 = tpu.memref_slice %arg7[%dma_wait3A_132, %dma_wait3A_133, %dma_wait3A_134] : memref<2x128x128xf32, #tpu.memory_space<vmem>> -> memref<1x128x128xf32, #tpu.memory_space<vmem>>
      %dma_wait3A_136 = tpu.memref_squeeze %dma_wait3A_135 : memref<1x128x128xf32, #tpu.memory_space<vmem>> -> memref<128x128xf32, #tpu.memory_space<vmem>>
      %dma_wait3A_137 = arith.constant 0 : i32
      %dma_wait3A_138 = tpu.memref_slice %arg4[%multiple_of3A_131, %dma_wait3A_137] : memref<131072x128xf32, #tpu.memory_space<hbm>> -> memref<128x128xf32, #tpu.memory_space<hbm>>
      %dma_wait3A_139 = arith.constant 0 : i32
      %dma_wait3A_140 = tpu.memref_slice %arg4[%multiple_of3A_131, %dma_wait3A_139] : memref<131072x128xf32, #tpu.memory_space<hbm>> -> memref<128x128xf32, #tpu.memory_space<hbm>>
      %dma_wait3A_141 = arith.constant 0 : i32
      %dma_wait3A_142 = arith.constant 0 : i32
      %dma_wait3A_143 = tpu.memref_slice %arg7[%dma_wait3A_132, %dma_wait3A_141, %dma_wait3A_142] : memref<2x128x128xf32, #tpu.memory_space<vmem>> -> memref<1x128x128xf32, #tpu.memory_space<vmem>>
      %dma_wait3A_144 = tpu.memref_squeeze %dma_wait3A_143 : memref<1x128x128xf32, #tpu.memory_space<vmem>> -> memref<128x128xf32, #tpu.memory_space<vmem>>
      tpu.wait_dma2 semaphore(%arg10 : memref<!tpu.dma_semaphore, #tpu.memory_space<semaphore_mem>>) src(%dma_wait3A_144 : memref<128x128xf32, #tpu.memory_space<vmem>>) dst(%dma_wait3A_140 : memref<128x128xf32, #tpu.memory_space<hbm>>)
      %add3A_145 = arith.constant 1 : i32
      %add3A_146 = arith.addi %add3A_126, %add3A_145 : i32
      %mul3A_147 = arith.constant 128 : i32
      %mul3A_148 = arith.muli %add3A_146, %mul3A_147 : i32
      %multiple_of3A_149 = tpu.assume_multiple %mul3A_148, 8 : i32
      %dma_start3A_150 = arith.constant 0 : i32
      %dma_start3A_151 = arith.constant 0 : i32
      %dma_start3A_152 = arith.constant 0 : i32
      %dma_start3A_153 = tpu.memref_slice %arg7[%dma_start3A_150, %dma_start3A_151, %dma_start3A_152] : memref<2x128x128xf32, #tpu.memory_space<vmem>> -> memref<1x128x128xf32, #tpu.memory_space<vmem>>
      %dma_start3A_154 = tpu.memref_squeeze %dma_start3A_153 : memref<1x128x128xf32, #tpu.memory_space<vmem>> -> memref<128x128xf32, #tpu.memory_space<vmem>>
      %dma_start3A_155 = tpu.memref_slice %arg5[%multiple_of3A_149] : memref<4096xi32, #tpu.memory_space<vmem>> -> memref<128xi32, #tpu.memory_space<vmem>>
      %dma_start3A_156 = arith.constant 0 : i32
      %dma_start3A_157 = arith.constant 0 : i32
      %dma_start3A_158 = tpu.memref_slice %arg6[%dma_start3A_156, %dma_start3A_157] : memref<96x128xf32, #tpu.memory_space<vmem_shared>> -> memref<96x128xf32, #tpu.memory_space<vmem_shared>>
      tpu.enqueue_indirect_dma source(%dma_start3A_158 : memref<96x128xf32, #tpu.memory_space<vmem_shared>>) target(%dma_start3A_154 : memref<128x128xf32, #tpu.memory_space<vmem>>) offsets(%dma_start3A_155 : memref<128xi32, #tpu.memory_space<vmem>>) semaphore(%arg8 : memref<!tpu.dma_semaphore, #tpu.memory_space<semaphore_mem>>)
      %mul3A_159 = arith.constant 128 : i32
      %mul3A_160 = arith.muli %add3A_126, %mul3A_159 : i32
      %multiple_of3A_161 = tpu.assume_multiple %mul3A_160, 8 : i32
      %dma_wait3A_162 = arith.constant 1 : i32
      %dma_wait3A_163 = arith.constant 0 : i32
      %dma_wait3A_164 = arith.constant 0 : i32
      %dma_wait3A_165 = tpu.memref_slice %arg7[%dma_wait3A_162, %dma_wait3A_163, %dma_wait3A_164] : memref<2x128x128xf32, #tpu.memory_space<vmem>> -> memref<1x128x128xf32, #tpu.memory_space<vmem>>
      %dma_wait3A_166 = tpu.memref_squeeze %dma_wait3A_165 : memref<1x128x128xf32, #tpu.memory_space<vmem>> -> memref<128x128xf32, #tpu.memory_space<vmem>>
      %dma_wait3A_167 = tpu.memref_slice %arg5[%multiple_of3A_161] : memref<4096xi32, #tpu.memory_space<vmem>> -> memref<128xi32, #tpu.memory_space<vmem>>
      %dma_wait3A_168 = arith.constant 0 : i32
      %dma_wait3A_169 = arith.constant 0 : i32
      %dma_wait3A_170 = tpu.memref_slice %arg6[%dma_wait3A_168, %dma_wait3A_169] : memref<96x128xf32, #tpu.memory_space<vmem_shared>> -> memref<96x128xf32, #tpu.memory_space<vmem_shared>>
      tpu.wait_indirect_dma semaphore(%arg9 : memref<!tpu.dma_semaphore, #tpu.memory_space<semaphore_mem>>) src(%dma_wait3A_170 : memref<96x128xf32, #tpu.memory_space<vmem_shared>>) dst(%dma_wait3A_166 : memref<128x128xf32, #tpu.memory_space<vmem>>)
      %mul3A_171 = arith.constant 128 : i32
      %mul3A_172 = arith.muli %add3A_126, %mul3A_171 : i32
      %add3A_173 = arith.addi %mul3A_8, %mul3A_172 : i32
      %multiple_of3A_174 = tpu.assume_multiple %add3A_173, 8 : i32
      %dma_start3A_175 = arith.constant 1 : i32
      %dma_start3A_176 = arith.constant 0 : i32
      %dma_start3A_177 = arith.constant 0 : i32
      %dma_start3A_178 = tpu.memref_slice %arg7[%dma_start3A_175, %dma_start3A_176, %dma_start3A_177] : memref<2x128x128xf32, #tpu.memory_space<vmem>> -> memref<1x128x128xf32, #tpu.memory_space<vmem>>
      %dma_start3A_179 = tpu.memref_squeeze %dma_start3A_178 : memref<1x128x128xf32, #tpu.memory_space<vmem>> -> memref<128x128xf32, #tpu.memory_space<vmem>>
      %dma_start3A_180 = arith.constant 0 : i32
      %dma_start3A_181 = tpu.memref_slice %arg4[%multiple_of3A_174, %dma_start3A_180] : memref<131072x128xf32, #tpu.memory_space<hbm>> -> memref<128x128xf32, #tpu.memory_space<hbm>>
      %dma_start3A_182 = arith.constant 0 : i32
      %dma_start3A_183 = tpu.memref_slice %arg4[%multiple_of3A_174, %dma_start3A_182] : memref<131072x128xf32, #tpu.memory_space<hbm>> -> memref<128x128xf32, #tpu.memory_space<hbm>>
      %dma_start3A_184 = arith.constant 0 : i32
      %dma_start3A_185 = arith.constant 0 : i32
      %dma_start3A_186 = tpu.memref_slice %arg7[%dma_start3A_175, %dma_start3A_184, %dma_start3A_185] : memref<2x128x128xf32, #tpu.memory_space<vmem>> -> memref<1x128x128xf32, #tpu.memory_space<vmem>>
      %dma_start3A_187 = tpu.memref_squeeze %dma_start3A_186 : memref<1x128x128xf32, #tpu.memory_space<vmem>> -> memref<128x128xf32, #tpu.memory_space<vmem>>
      tpu.enqueue_dma source(%dma_start3A_187 : memref<128x128xf32, #tpu.memory_space<vmem>>) target(%dma_start3A_183 : memref<128x128xf32, #tpu.memory_space<hbm>>) target_semaphore(%arg11 : memref<!tpu.dma_semaphore, #tpu.memory_space<semaphore_mem>>)
      %mul3A_188 = arith.constant 2 : i32
      %mul3A_189 = arith.muli %scan3A_120, %mul3A_188 : i32
      %add3A_190 = arith.constant 1 : i32
      %add3A_191 = arith.addi %add3A_190, %mul3A_189 : i32
      %add3A_192 = arith.constant 1 : i32
      %add3A_193 = arith.addi %add3A_191, %add3A_192 : i32
      %sub3A_194 = arith.constant 1 : i32
      %sub3A_195 = arith.subi %add3A_193, %sub3A_194 : i32
      %mul3A_196 = arith.constant 128 : i32
      %mul3A_197 = arith.muli %sub3A_195, %mul3A_196 : i32
      %add3A_198 = arith.addi %mul3A_8, %mul3A_197 : i32
      %multiple_of3A_199 = tpu.assume_multiple %add3A_198, 8 : i32
      %dma_wait3A_200 = arith.constant 1 : i32
      %dma_wait3A_201 = arith.constant 0 : i32
      %dma_wait3A_202 = arith.constant 0 : i32
      %dma_wait3A_203 = tpu.memref_slice %arg7[%dma_wait3A_200, %dma_wait3A_201, %dma_wait3A_202] : memref<2x128x128xf32, #tpu.memory_space<vmem>> -> memref<1x128x128xf32, #tpu.memory_space<vmem>>
      %dma_wait3A_204 = tpu.memref_squeeze %dma_wait3A_203 : memref<1x128x128xf32, #tpu.memory_space<vmem>> -> memref<128x128xf32, #tpu.memory_space<vmem>>
      %dma_wait3A_205 = arith.constant 0 : i32
      %dma_wait3A_206 = tpu.memref_slice %arg4[%multiple_of3A_199, %dma_wait3A_205] : memref<131072x128xf32, #tpu.memory_space<hbm>> -> memref<128x128xf32, #tpu.memory_space<hbm>>
      %dma_wait3A_207 = arith.constant 0 : i32
      %dma_wait3A_208 = tpu.memref_slice %arg4[%multiple_of3A_199, %dma_wait3A_207] : memref<131072x128xf32, #tpu.memory_space<hbm>> -> memref<128x128xf32, #tpu.memory_space<hbm>>
      %dma_wait3A_209 = arith.constant 0 : i32
      %dma_wait3A_210 = arith.constant 0 : i32
      %dma_wait3A_211 = tpu.memref_slice %arg7[%dma_wait3A_200, %dma_wait3A_209, %dma_wait3A_210] : memref<2x128x128xf32, #tpu.memory_space<vmem>> -> memref<1x128x128xf32, #tpu.memory_space<vmem>>
      %dma_wait3A_212 = tpu.memref_squeeze %dma_wait3A_211 : memref<1x128x128xf32, #tpu.memory_space<vmem>> -> memref<128x128xf32, #tpu.memory_space<vmem>>
      tpu.wait_dma2 semaphore(%arg11 : memref<!tpu.dma_semaphore, #tpu.memory_space<semaphore_mem>>) src(%dma_wait3A_212 : memref<128x128xf32, #tpu.memory_space<vmem>>) dst(%dma_wait3A_208 : memref<128x128xf32, #tpu.memory_space<hbm>>)
      %add3A_213 = arith.constant 1 : i32
      %add3A_214 = arith.addi %add3A_193, %add3A_213 : i32
      %mul3A_215 = arith.constant 128 : i32
      %mul3A_216 = arith.muli %add3A_214, %mul3A_215 : i32
      %multiple_of3A_217 = tpu.assume_multiple %mul3A_216, 8 : i32
      %dma_start3A_218 = arith.constant 1 : i32
      %dma_start3A_219 = arith.constant 0 : i32
      %dma_start3A_220 = arith.constant 0 : i32
      %dma_start3A_221 = tpu.memref_slice %arg7[%dma_start3A_218, %dma_start3A_219, %dma_start3A_220] : memref<2x128x128xf32, #tpu.memory_space<vmem>> -> memref<1x128x128xf32, #tpu.memory_space<vmem>>
      %dma_start3A_222 = tpu.memref_squeeze %dma_start3A_221 : memref<1x128x128xf32, #tpu.memory_space<vmem>> -> memref<128x128xf32, #tpu.memory_space<vmem>>
      %dma_start3A_223 = tpu.memref_slice %arg5[%multiple_of3A_217] : memref<4096xi32, #tpu.memory_space<vmem>> -> memref<128xi32, #tpu.memory_space<vmem>>
      %dma_start3A_224 = arith.constant 0 : i32
      %dma_start3A_225 = arith.constant 0 : i32
      %dma_start3A_226 = tpu.memref_slice %arg6[%dma_start3A_224, %dma_start3A_225] : memref<96x128xf32, #tpu.memory_space<vmem_shared>> -> memref<96x128xf32, #tpu.memory_space<vmem_shared>>
      tpu.enqueue_indirect_dma source(%dma_start3A_226 : memref<96x128xf32, #tpu.memory_space<vmem_shared>>) target(%dma_start3A_222 : memref<128x128xf32, #tpu.memory_space<vmem>>) offsets(%dma_start3A_223 : memref<128xi32, #tpu.memory_space<vmem>>) semaphore(%arg9 : memref<!tpu.dma_semaphore, #tpu.memory_space<semaphore_mem>>)
      %mul3A_227 = arith.constant 128 : i32
      %mul3A_228 = arith.muli %add3A_193, %mul3A_227 : i32
      %multiple_of3A_229 = tpu.assume_multiple %mul3A_228, 8 : i32
      %dma_wait3A_230 = arith.constant 0 : i32
      %dma_wait3A_231 = arith.constant 0 : i32
      %dma_wait3A_232 = arith.constant 0 : i32
      %dma_wait3A_233 = tpu.memref_slice %arg7[%dma_wait3A_230, %dma_wait3A_231, %dma_wait3A_232] : memref<2x128x128xf32, #tpu.memory_space<vmem>> -> memref<1x128x128xf32, #tpu.memory_space<vmem>>
      %dma_wait3A_234 = tpu.memref_squeeze %dma_wait3A_233 : memref<1x128x128xf32, #tpu.memory_space<vmem>> -> memref<128x128xf32, #tpu.memory_space<vmem>>
      %dma_wait3A_235 = tpu.memref_slice %arg5[%multiple_of3A_229] : memref<4096xi32, #tpu.memory_space<vmem>> -> memref<128xi32, #tpu.memory_space<vmem>>
      %dma_wait3A_236 = arith.constant 0 : i32
      %dma_wait3A_237 = arith.constant 0 : i32
      %dma_wait3A_238 = tpu.memref_slice %arg6[%dma_wait3A_236, %dma_wait3A_237] : memref<96x128xf32, #tpu.memory_space<vmem_shared>> -> memref<96x128xf32, #tpu.memory_space<vmem_shared>>
      tpu.wait_indirect_dma semaphore(%arg8 : memref<!tpu.dma_semaphore, #tpu.memory_space<semaphore_mem>>) src(%dma_wait3A_238 : memref<96x128xf32, #tpu.memory_space<vmem_shared>>) dst(%dma_wait3A_234 : memref<128x128xf32, #tpu.memory_space<vmem>>)
      %mul3A_239 = arith.constant 128 : i32
      %mul3A_240 = arith.muli %add3A_193, %mul3A_239 : i32
      %add3A_241 = arith.addi %mul3A_8, %mul3A_240 : i32
      %multiple_of3A_242 = tpu.assume_multiple %add3A_241, 8 : i32
      %dma_start3A_243 = arith.constant 0 : i32
      %dma_start3A_244 = arith.constant 0 : i32
      %dma_start3A_245 = arith.constant 0 : i32
      %dma_start3A_246 = tpu.memref_slice %arg7[%dma_start3A_243, %dma_start3A_244, %dma_start3A_245] : memref<2x128x128xf32, #tpu.memory_space<vmem>> -> memref<1x128x128xf32, #tpu.memory_space<vmem>>
      %dma_start3A_247 = tpu.memref_squeeze %dma_start3A_246 : memref<1x128x128xf32, #tpu.memory_space<vmem>> -> memref<128x128xf32, #tpu.memory_space<vmem>>
      %dma_start3A_248 = arith.constant 0 : i32
      %dma_start3A_249 = tpu.memref_slice %arg4[%multiple_of3A_242, %dma_start3A_248] : memref<131072x128xf32, #tpu.memory_space<hbm>> -> memref<128x128xf32, #tpu.memory_space<hbm>>
      %dma_start3A_250 = arith.constant 0 : i32
      %dma_start3A_251 = tpu.memref_slice %arg4[%multiple_of3A_242, %dma_start3A_250] : memref<131072x128xf32, #tpu.memory_space<hbm>> -> memref<128x128xf32, #tpu.memory_space<hbm>>
      %dma_start3A_252 = arith.constant 0 : i32
      %dma_start3A_253 = arith.constant 0 : i32
      %dma_start3A_254 = tpu.memref_slice %arg7[%dma_start3A_243, %dma_start3A_252, %dma_start3A_253] : memref<2x128x128xf32, #tpu.memory_space<vmem>> -> memref<1x128x128xf32, #tpu.memory_space<vmem>>
      %dma_start3A_255 = tpu.memref_squeeze %dma_start3A_254 : memref<1x128x128xf32, #tpu.memory_space<vmem>> -> memref<128x128xf32, #tpu.memory_space<vmem>>
      tpu.enqueue_dma source(%dma_start3A_255 : memref<128x128xf32, #tpu.memory_space<vmem>>) target(%dma_start3A_251 : memref<128x128xf32, #tpu.memory_space<hbm>>) target_semaphore(%arg10 : memref<!tpu.dma_semaphore, #tpu.memory_space<semaphore_mem>>)
    }
    %scan3A_60 = arith.constant 15 : i32
    %multiple_of3A_61 = arith.constant 3968 : i32
    %multiple_of3A_62 = tpu.assume_multiple %multiple_of3A_61, 8 : i32
    %dma_wait3A_63 = arith.constant 1 : i32
    %dma_wait3A_64 = arith.constant 0 : i32
    %dma_wait3A_65 = arith.constant 0 : i32
    %dma_wait3A_66 = tpu.memref_slice %arg7[%dma_wait3A_63, %dma_wait3A_64, %dma_wait3A_65] : memref<2x128x128xf32, #tpu.memory_space<vmem>> -> memref<1x128x128xf32, #tpu.memory_space<vmem>>
    %dma_wait3A_67 = tpu.memref_squeeze %dma_wait3A_66 : memref<1x128x128xf32, #tpu.memory_space<vmem>> -> memref<128x128xf32, #tpu.memory_space<vmem>>
    %dma_wait3A_68 = tpu.memref_slice %arg5[%multiple_of3A_62] : memref<4096xi32, #tpu.memory_space<vmem>> -> memref<128xi32, #tpu.memory_space<vmem>>
    %dma_wait3A_69 = arith.constant 0 : i32
    %dma_wait3A_70 = arith.constant 0 : i32
    %dma_wait3A_71 = tpu.memref_slice %arg6[%dma_wait3A_69, %dma_wait3A_70] : memref<96x128xf32, #tpu.memory_space<vmem_shared>> -> memref<96x128xf32, #tpu.memory_space<vmem_shared>>
    tpu.wait_indirect_dma semaphore(%arg9 : memref<!tpu.dma_semaphore, #tpu.memory_space<semaphore_mem>>) src(%dma_wait3A_71 : memref<96x128xf32, #tpu.memory_space<vmem_shared>>) dst(%dma_wait3A_67 : memref<128x128xf32, #tpu.memory_space<vmem>>)
    %add3A_72 = arith.constant 3968 : i32
    %add3A_73 = arith.addi %mul3A_8, %add3A_72 : i32
    %multiple_of3A_74 = tpu.assume_multiple %add3A_73, 8 : i32
    %dma_start3A_75 = arith.constant 1 : i32
    %dma_start3A_76 = arith.constant 0 : i32
    %dma_start3A_77 = arith.constant 0 : i32
    %dma_start3A_78 = tpu.memref_slice %arg7[%dma_start3A_75, %dma_start3A_76, %dma_start3A_77] : memref<2x128x128xf32, #tpu.memory_space<vmem>> -> memref<1x128x128xf32, #tpu.memory_space<vmem>>
    %dma_start3A_79 = tpu.memref_squeeze %dma_start3A_78 : memref<1x128x128xf32, #tpu.memory_space<vmem>> -> memref<128x128xf32, #tpu.memory_space<vmem>>
    %dma_start3A_80 = arith.constant 0 : i32
    %dma_start3A_81 = tpu.memref_slice %arg4[%multiple_of3A_74, %dma_start3A_80] : memref<131072x128xf32, #tpu.memory_space<hbm>> -> memref<128x128xf32, #tpu.memory_space<hbm>>
    %dma_start3A_82 = arith.constant 0 : i32
    %dma_start3A_83 = tpu.memref_slice %arg4[%multiple_of3A_74, %dma_start3A_82] : memref<131072x128xf32, #tpu.memory_space<hbm>> -> memref<128x128xf32, #tpu.memory_space<hbm>>
    %dma_start3A_84 = arith.constant 0 : i32
    %dma_start3A_85 = arith.constant 0 : i32
    %dma_start3A_86 = tpu.memref_slice %arg7[%dma_start3A_75, %dma_start3A_84, %dma_start3A_85] : memref<2x128x128xf32, #tpu.memory_space<vmem>> -> memref<1x128x128xf32, #tpu.memory_space<vmem>>
    %dma_start3A_87 = tpu.memref_squeeze %dma_start3A_86 : memref<1x128x128xf32, #tpu.memory_space<vmem>> -> memref<128x128xf32, #tpu.memory_space<vmem>>
    tpu.enqueue_dma source(%dma_start3A_87 : memref<128x128xf32, #tpu.memory_space<vmem>>) target(%dma_start3A_83 : memref<128x128xf32, #tpu.memory_space<hbm>>) target_semaphore(%arg11 : memref<!tpu.dma_semaphore, #tpu.memory_space<semaphore_mem>>)
    %add3A_88 = arith.constant 3840 : i32
    %add3A_89 = arith.addi %mul3A_8, %add3A_88 : i32
    %multiple_of3A_90 = tpu.assume_multiple %add3A_89, 8 : i32
    %dma_wait3A_91 = arith.constant 0 : i32
    %dma_wait3A_92 = arith.constant 0 : i32
    %dma_wait3A_93 = arith.constant 0 : i32
    %dma_wait3A_94 = tpu.memref_slice %arg7[%dma_wait3A_91, %dma_wait3A_92, %dma_wait3A_93] : memref<2x128x128xf32, #tpu.memory_space<vmem>> -> memref<1x128x128xf32, #tpu.memory_space<vmem>>
    %dma_wait3A_95 = tpu.memref_squeeze %dma_wait3A_94 : memref<1x128x128xf32, #tpu.memory_space<vmem>> -> memref<128x128xf32, #tpu.memory_space<vmem>>
    %dma_wait3A_96 = arith.constant 0 : i32
    %dma_wait3A_97 = tpu.memref_slice %arg4[%multiple_of3A_90, %dma_wait3A_96] : memref<131072x128xf32, #tpu.memory_space<hbm>> -> memref<128x128xf32, #tpu.memory_space<hbm>>
    %dma_wait3A_98 = arith.constant 0 : i32
    %dma_wait3A_99 = tpu.memref_slice %arg4[%multiple_of3A_90, %dma_wait3A_98] : memref<131072x128xf32, #tpu.memory_space<hbm>> -> memref<128x128xf32, #tpu.memory_space<hbm>>
    %dma_wait3A_100 = arith.constant 0 : i32
    %dma_wait3A_101 = arith.constant 0 : i32
    %dma_wait3A_102 = tpu.memref_slice %arg7[%dma_wait3A_91, %dma_wait3A_100, %dma_wait3A_101] : memref<2x128x128xf32, #tpu.memory_space<vmem>> -> memref<1x128x128xf32, #tpu.memory_space<vmem>>
    %dma_wait3A_103 = tpu.memref_squeeze %dma_wait3A_102 : memref<1x128x128xf32, #tpu.memory_space<vmem>> -> memref<128x128xf32, #tpu.memory_space<vmem>>
    tpu.wait_dma2 semaphore(%arg10 : memref<!tpu.dma_semaphore, #tpu.memory_space<semaphore_mem>>) src(%dma_wait3A_103 : memref<128x128xf32, #tpu.memory_space<vmem>>) dst(%dma_wait3A_99 : memref<128x128xf32, #tpu.memory_space<hbm>>)
    %add3A_104 = arith.constant 3968 : i32
    %add3A_105 = arith.addi %mul3A_8, %add3A_104 : i32
    %multiple_of3A_106 = tpu.assume_multiple %add3A_105, 8 : i32
    %dma_wait3A_107 = arith.constant 1 : i32
    %dma_wait3A_108 = arith.constant 0 : i32
    %dma_wait3A_109 = arith.constant 0 : i32
    %dma_wait3A_110 = tpu.memref_slice %arg7[%dma_wait3A_107, %dma_wait3A_108, %dma_wait3A_109] : memref<2x128x128xf32, #tpu.memory_space<vmem>> -> memref<1x128x128xf32, #tpu.memory_space<vmem>>
    %dma_wait3A_111 = tpu.memref_squeeze %dma_wait3A_110 : memref<1x128x128xf32, #tpu.memory_space<vmem>> -> memref<128x128xf32, #tpu.memory_space<vmem>>
    %dma_wait3A_112 = arith.constant 0 : i32
    %dma_wait3A_113 = tpu.memref_slice %arg4[%multiple_of3A_106, %dma_wait3A_112] : memref<131072x128xf32, #tpu.memory_space<hbm>> -> memref<128x128xf32, #tpu.memory_space<hbm>>
    %dma_wait3A_114 = arith.constant 0 : i32
    %dma_wait3A_115 = tpu.memref_slice %arg4[%multiple_of3A_106, %dma_wait3A_114] : memref<131072x128xf32, #tpu.memory_space<hbm>> -> memref<128x128xf32, #tpu.memory_space<hbm>>
    %dma_wait3A_116 = arith.constant 0 : i32
    %dma_wait3A_117 = arith.constant 0 : i32
    %dma_wait3A_118 = tpu.memref_slice %arg7[%dma_wait3A_107, %dma_wait3A_116, %dma_wait3A_117] : memref<2x128x128xf32, #tpu.memory_space<vmem>> -> memref<1x128x128xf32, #tpu.memory_space<vmem>>
    %dma_wait3A_119 = tpu.memref_squeeze %dma_wait3A_118 : memref<1x128x128xf32, #tpu.memory_space<vmem>> -> memref<128x128xf32, #tpu.memory_space<vmem>>
    tpu.wait_dma2 semaphore(%arg11 : memref<!tpu.dma_semaphore, #tpu.memory_space<semaphore_mem>>) src(%dma_wait3A_119 : memref<128x128xf32, #tpu.memory_space<vmem>>) dst(%dma_wait3A_115 : memref<128x128xf32, #tpu.memory_space<hbm>>)
    return
  }
}

module attributes {stable_mosaic.version = 14 : i64} {
  func.func @_table_kernel(%arg0: memref<13x128xf32, #tpu.memory_space<vmem>>, %arg1: memref<4x128xf32, #tpu.memory_space<vmem>>, %arg2: memref<16x128xf32, #tpu.memory_space<vmem>>, %arg3: memref<2x128xf32, #tpu.memory_space<vmem>>, %arg4: memref<1x128xf32, #tpu.memory_space<vmem>>, %arg5: memref<1x128xf32, #tpu.memory_space<vmem>>, %arg6: memref<1x128xf32, #tpu.memory_space<vmem>>, %arg7: memref<1x128xf32, #tpu.memory_space<vmem>>, %arg8: memref<1x128xf32, #tpu.memory_space<vmem>>, %arg9: memref<96x128xf32, #tpu.memory_space<vmem>>) attributes {dimension_semantics = [], scalar_prefetch = 0 : i64, scratch_operands = 0 : i64, tpu.core_type = #tpu.core_type<tc>} {
    %get3A = arith.constant 0 : index
    %get3A_0 = arith.constant 0 : index
    %get3A_1 = vector.load %arg7[%get3A, %get3A_0] : memref<1x128xf32, #tpu.memory_space<vmem>>, vector<1x128xf32>
    %get3A_2 = arith.constant 0 : index
    %get3A_3 = arith.constant 0 : index
    %get3A_4 = vector.load %arg8[%get3A_2, %get3A_3] : memref<1x128xf32, #tpu.memory_space<vmem>>, vector<1x128xf32>
    %get3A_5 = arith.constant 0 : index
    %get3A_6 = arith.constant 0 : index
    %get3A_7 = vector.load %arg0[%get3A_5, %get3A_6] : memref<13x128xf32, #tpu.memory_space<vmem>>, vector<13x128xf32>
    %get3A_8 = arith.constant 0 : index
    %get3A_9 = arith.constant 0 : index
    %get3A_10 = vector.load %arg1[%get3A_8, %get3A_9] : memref<4x128xf32, #tpu.memory_space<vmem>>, vector<1x128xf32>
    %add3A = vector.broadcast %get3A_10 : vector<1x128xf32> to vector<13x128xf32>
    %add3A_11 = arith.addf %get3A_7, %add3A : vector<13x128xf32>
    %get3A_12 = arith.constant 0 : index
    %get3A_13 = arith.constant 0 : index
    %get3A_14 = vector.load %arg0[%get3A_12, %get3A_13] : memref<13x128xf32, #tpu.memory_space<vmem>>, vector<13x128xf32>
    %get3A_15 = arith.constant 1 : index
    %get3A_16 = arith.constant 0 : index
    %get3A_17 = vector.load %arg1[%get3A_15, %get3A_16] : memref<4x128xf32, #tpu.memory_space<vmem>>, vector<1x128xf32>
    %add3A_18 = vector.broadcast %get3A_17 : vector<1x128xf32> to vector<13x128xf32>
    %add3A_19 = arith.addf %get3A_14, %add3A_18 : vector<13x128xf32>
    %get3A_20 = arith.constant 0 : index
    %get3A_21 = arith.constant 0 : index
    %get3A_22 = vector.load %arg0[%get3A_20, %get3A_21] : memref<13x128xf32, #tpu.memory_space<vmem>>, vector<13x128xf32>
    %get3A_23 = arith.constant 2 : index
    %get3A_24 = arith.constant 0 : index
    %get3A_25 = vector.load %arg1[%get3A_23, %get3A_24] : memref<4x128xf32, #tpu.memory_space<vmem>>, vector<1x128xf32>
    %add3A_26 = vector.broadcast %get3A_25 : vector<1x128xf32> to vector<13x128xf32>
    %add3A_27 = arith.addf %get3A_22, %add3A_26 : vector<13x128xf32>
    %get3A_28 = arith.constant 0 : index
    %get3A_29 = arith.constant 0 : index
    %get3A_30 = vector.load %arg0[%get3A_28, %get3A_29] : memref<13x128xf32, #tpu.memory_space<vmem>>, vector<13x128xf32>
    %get3A_31 = arith.constant 3 : index
    %get3A_32 = arith.constant 0 : index
    %get3A_33 = vector.load %arg1[%get3A_31, %get3A_32] : memref<4x128xf32, #tpu.memory_space<vmem>>, vector<1x128xf32>
    %add3A_34 = vector.broadcast %get3A_33 : vector<1x128xf32> to vector<13x128xf32>
    %add3A_35 = arith.addf %get3A_30, %add3A_34 : vector<13x128xf32>
    %concatenate3A = tpu.concatenate %add3A_11, %add3A_19, %add3A_27, %add3A_35 in 0 : vector<13x128xf32>, vector<13x128xf32>, vector<13x128xf32>, vector<13x128xf32> -> vector<52x128xf32>
    %reduce_sum3A = arith.constant dense<0.000000e+00> : vector<52xf32>
    %reduce_sum3A_36 = vector.multi_reduction <add>, %concatenate3A, %reduce_sum3A [1] : vector<52x128xf32> to vector<52xf32>
    %broadcast_in_dim3A = vector.shape_cast %reduce_sum3A_36 : vector<52xf32> to vector<52x1xf32>
    %div3A = arith.constant 1.280000e+02 : f32
    %div3A_37 = vector.broadcast %div3A : f32 to vector<52x1xf32>
    %div3A_38 = arith.divf %broadcast_in_dim3A, %div3A_37 : vector<52x1xf32>
    %sub3A = vector.broadcast %div3A_38 : vector<52x1xf32> to vector<52x128xf32>
    %sub3A_39 = arith.subf %concatenate3A, %sub3A : vector<52x128xf32>
    %integer_pow3A = arith.mulf %sub3A_39, %sub3A_39 : vector<52x128xf32>
    %reduce_sum3A_40 = arith.constant dense<0.000000e+00> : vector<52xf32>
    %reduce_sum3A_41 = vector.multi_reduction <add>, %integer_pow3A, %reduce_sum3A_40 [1] : vector<52x128xf32> to vector<52xf32>
    %broadcast_in_dim3A_42 = vector.shape_cast %reduce_sum3A_41 : vector<52xf32> to vector<52x1xf32>
    %div3A_43 = arith.constant 1.280000e+02 : f32
    %div3A_44 = vector.broadcast %div3A_43 : f32 to vector<52x1xf32>
    %div3A_45 = arith.divf %broadcast_in_dim3A_42, %div3A_44 : vector<52x1xf32>
    %sub3A_46 = vector.broadcast %div3A_38 : vector<52x1xf32> to vector<52x128xf32>
    %sub3A_47 = arith.subf %concatenate3A, %sub3A_46 : vector<52x128xf32>
    %add3A_48 = arith.constant 9.99999974E-6 : f32
    %add3A_49 = vector.broadcast %add3A_48 : f32 to vector<52x1xf32>
    %add3A_50 = arith.addf %div3A_45, %add3A_49 : vector<52x1xf32>
    %sqrt3A = math.sqrt %add3A_50 : vector<52x1xf32>
    %div3A_51 = vector.broadcast %sqrt3A : vector<52x1xf32> to vector<52x128xf32>
    %div3A_52 = arith.divf %sub3A_47, %div3A_51 : vector<52x128xf32>
    %mul3A = vector.broadcast %get3A_1 : vector<1x128xf32> to vector<52x128xf32>
    %mul3A_53 = arith.mulf %div3A_52, %mul3A : vector<52x128xf32>
    %add3A_54 = vector.broadcast %get3A_4 : vector<1x128xf32> to vector<52x128xf32>
    %add3A_55 = arith.addf %mul3A_53, %add3A_54 : vector<52x128xf32>
    %broadcast_in_dim3A_56 = vector.shape_cast %get3A_4 : vector<1x128xf32> to vector<1x128xf32>
    %broadcast_in_dim3A_57 = vector.broadcast %broadcast_in_dim3A_56 : vector<1x128xf32> to vector<4x128xf32>
    %get3A_58 = arith.constant 0 : index
    %get3A_59 = arith.constant 0 : index
    %get3A_60 = vector.load %arg2[%get3A_58, %get3A_59] : memref<16x128xf32, #tpu.memory_space<vmem>>, vector<16x128xf32>
    %iota3A = tpu.iota {dimensions = array<i32: 0>} : vector<20x128xi32>
    %jit3A = arith.constant 4 : i32
    %div3A_61 = vector.broadcast %jit3A : i32 to vector<20x128xi32>
    %div3A_62 = arith.divsi %iota3A, %div3A_61 : vector<20x128xi32>
    %sign3A = arith.constant 0 : i32
    %sign3A_63 = vector.broadcast %sign3A : i32 to vector<20x128xi32>
    %sign3A_64 = arith.cmpi sgt, %iota3A, %sign3A_63 : vector<20x128xi32>
    %sign3A_65 = arith.extui %sign3A_64 : vector<20x128xi1> to vector<20x128xi32>
    %sign3A_66 = arith.constant 0 : i32
    %sign3A_67 = vector.broadcast %sign3A_66 : i32 to vector<20x128xi32>
    %sign3A_68 = arith.cmpi slt, %iota3A, %sign3A_67 : vector<20x128xi32>
    %sign3A_69 = arith.extui %sign3A_68 : vector<20x128xi1> to vector<20x128xi32>
    %sign3A_70 = arith.subi %sign3A_65, %sign3A_69 : vector<20x128xi32>
    %sign3A_71 = arith.constant 0 : i32
    %sign3A_72 = arith.cmpi sgt, %jit3A, %sign3A_71 : i32
    %sign3A_73 = arith.extui %sign3A_72 : i1 to i32
    %sign3A_74 = arith.constant 0 : i32
    %sign3A_75 = arith.cmpi slt, %jit3A, %sign3A_74 : i32
    %sign3A_76 = arith.extui %sign3A_75 : i1 to i32
    %sign3A_77 = arith.subi %sign3A_73, %sign3A_76 : i32
    %ne3A = vector.broadcast %sign3A_77 : i32 to vector<20x128xi32>
    %ne3A_78 = arith.cmpi ne, %sign3A_70, %ne3A : vector<20x128xi32>
    %rem3A = vector.broadcast %jit3A : i32 to vector<20x128xi32>
    %rem3A_79 = arith.remsi %iota3A, %rem3A : vector<20x128xi32>
    %ne3A_80 = arith.constant 0 : i32
    %ne3A_81 = vector.broadcast %ne3A_80 : i32 to vector<20x128xi32>
    %ne3A_82 = arith.cmpi ne, %rem3A_79, %ne3A_81 : vector<20x128xi32>
    %and3A = arith.andi %ne3A_78, %ne3A_82 : vector<20x128xi1>
    %sub3A_83 = arith.constant 1 : i32
    %sub3A_84 = vector.broadcast %sub3A_83 : i32 to vector<20x128xi32>
    %sub3A_85 = arith.subi %div3A_62, %sub3A_84 : vector<20x128xi32>
    %select_n3A = arith.select %and3A, %sub3A_85, %div3A_62 : vector<20x128xi1>, vector<20x128xi32>
    %convert_element_type3A = arith.sitofp %select_n3A : vector<20x128xi32> to vector<20x128xf32>
    %jit3A_86 = arith.constant 4 : i32
    %eq3A = arith.constant 0 : i32
    %eq3A_87 = arith.cmpi eq, %jit3A_86, %eq3A : i32
    %jit3A_88 = arith.constant 1 : i32
    %select_n3A_89 = arith.select %eq3A_87, %jit3A_88, %jit3A_86 : i32
    %rem3A_90 = vector.broadcast %select_n3A_89 : i32 to vector<20x128xi32>
    %rem3A_91 = arith.remsi %iota3A, %rem3A_90 : vector<20x128xi32>
    %ne3A_92 = arith.constant 0 : i32
    %ne3A_93 = vector.broadcast %ne3A_92 : i32 to vector<20x128xi32>
    %ne3A_94 = arith.cmpi ne, %rem3A_91, %ne3A_93 : vector<20x128xi32>
    %lt3A = arith.constant 0 : i32
    %lt3A_95 = vector.broadcast %lt3A : i32 to vector<20x128xi32>
    %lt3A_96 = arith.cmpi slt, %rem3A_91, %lt3A_95 : vector<20x128xi32>
    %lt3A_97 = arith.constant 0 : i32
    %lt3A_98 = arith.cmpi slt, %select_n3A_89, %lt3A_97 : i32
    %ne3A_99 = vector.broadcast %lt3A_98 : i1 to vector<20x128xi1>
    %ne3A_100 = vector.broadcast %ne3A_99 : vector<20x128xi1> to vector<20x128xi1>
    %ne3A_101 = arith.xori %lt3A_96, %ne3A_100 : vector<20x128xi1>
    %and3A_102 = arith.andi %ne3A_101, %ne3A_94 : vector<20x128xi1>
    %add3A_103 = vector.broadcast %select_n3A_89 : i32 to vector<20x128xi32>
    %add3A_104 = arith.addi %rem3A_91, %add3A_103 : vector<20x128xi32>
    %select_n3A_105 = arith.select %and3A_102, %add3A_104, %rem3A_91 : vector<20x128xi1>, vector<20x128xi32>
    %convert_element_type3A_106 = arith.sitofp %select_n3A_105 : vector<20x128xi32> to vector<20x128xf32>
    %get3A_107 = arith.constant 0 : index
    %get3A_108 = arith.constant 0 : index
    %get3A_109 = vector.load %arg3[%get3A_107, %get3A_108] : memref<2x128xf32, #tpu.memory_space<vmem>>, vector<1x128xf32>
    %mul3A_110 = vector.broadcast %get3A_109 : vector<1x128xf32> to vector<20x128xf32>
    %mul3A_111 = arith.mulf %convert_element_type3A, %mul3A_110 : vector<20x128xf32>
    %get3A_112 = arith.constant 1 : index
    %get3A_113 = arith.constant 0 : index
    %get3A_114 = vector.load %arg3[%get3A_112, %get3A_113] : memref<2x128xf32, #tpu.memory_space<vmem>>, vector<1x128xf32>
    %mul3A_115 = vector.broadcast %get3A_114 : vector<1x128xf32> to vector<20x128xf32>
    %mul3A_116 = arith.mulf %convert_element_type3A_106, %mul3A_115 : vector<20x128xf32>
    %add3A_117 = arith.addf %mul3A_111, %mul3A_116 : vector<20x128xf32>
    %get3A_118 = arith.constant 0 : index
    %get3A_119 = arith.constant 0 : index
    %get3A_120 = vector.load %arg4[%get3A_118, %get3A_119] : memref<1x128xf32, #tpu.memory_space<vmem>>, vector<1x128xf32>
    %add3A_121 = vector.broadcast %get3A_120 : vector<1x128xf32> to vector<20x128xf32>
    %add3A_122 = arith.addf %add3A_117, %add3A_121 : vector<20x128xf32>
    %get3A_123 = arith.constant 0 : index
    %get3A_124 = arith.constant 0 : index
    %get3A_125 = vector.load %arg5[%get3A_123, %get3A_124] : memref<1x128xf32, #tpu.memory_space<vmem>>, vector<1x128xf32>
    %get3A_126 = arith.constant 0 : index
    %get3A_127 = arith.constant 0 : index
    %get3A_128 = vector.load %arg6[%get3A_126, %get3A_127] : memref<1x128xf32, #tpu.memory_space<vmem>>, vector<1x128xf32>
    %reduce_sum3A_129 = arith.constant dense<0.000000e+00> : vector<20xf32>
    %reduce_sum3A_130 = vector.multi_reduction <add>, %add3A_122, %reduce_sum3A_129 [1] : vector<20x128xf32> to vector<20xf32>
    %broadcast_in_dim3A_131 = vector.shape_cast %reduce_sum3A_130 : vector<20xf32> to vector<20x1xf32>
    %div3A_132 = arith.constant 1.280000e+02 : f32
    %div3A_133 = vector.broadcast %div3A_132 : f32 to vector<20x1xf32>
    %div3A_134 = arith.divf %broadcast_in_dim3A_131, %div3A_133 : vector<20x1xf32>
    %sub3A_135 = vector.broadcast %div3A_134 : vector<20x1xf32> to vector<20x128xf32>
    %sub3A_136 = arith.subf %add3A_122, %sub3A_135 : vector<20x128xf32>
    %integer_pow3A_137 = arith.mulf %sub3A_136, %sub3A_136 : vector<20x128xf32>
    %reduce_sum3A_138 = arith.constant dense<0.000000e+00> : vector<20xf32>
    %reduce_sum3A_139 = vector.multi_reduction <add>, %integer_pow3A_137, %reduce_sum3A_138 [1] : vector<20x128xf32> to vector<20xf32>
    %broadcast_in_dim3A_140 = vector.shape_cast %reduce_sum3A_139 : vector<20xf32> to vector<20x1xf32>
    %div3A_141 = arith.constant 1.280000e+02 : f32
    %div3A_142 = vector.broadcast %div3A_141 : f32 to vector<20x1xf32>
    %div3A_143 = arith.divf %broadcast_in_dim3A_140, %div3A_142 : vector<20x1xf32>
    %sub3A_144 = vector.broadcast %div3A_134 : vector<20x1xf32> to vector<20x128xf32>
    %sub3A_145 = arith.subf %add3A_122, %sub3A_144 : vector<20x128xf32>
    %add3A_146 = arith.constant 9.99999974E-6 : f32
    %add3A_147 = vector.broadcast %add3A_146 : f32 to vector<20x1xf32>
    %add3A_148 = arith.addf %div3A_143, %add3A_147 : vector<20x1xf32>
    %sqrt3A_149 = math.sqrt %add3A_148 : vector<20x1xf32>
    %div3A_150 = vector.broadcast %sqrt3A_149 : vector<20x1xf32> to vector<20x128xf32>
    %div3A_151 = arith.divf %sub3A_145, %div3A_150 : vector<20x128xf32>
    %mul3A_152 = vector.broadcast %get3A_125 : vector<1x128xf32> to vector<20x128xf32>
    %mul3A_153 = arith.mulf %div3A_151, %mul3A_152 : vector<20x128xf32>
    %add3A_154 = vector.broadcast %get3A_128 : vector<1x128xf32> to vector<20x128xf32>
    %add3A_155 = arith.addf %mul3A_153, %add3A_154 : vector<20x128xf32>
    %broadcast_in_dim3A_156 = arith.constant 0.000000e+00 : f32
    %broadcast_in_dim3A_157 = vector.broadcast %broadcast_in_dim3A_156 : f32 to vector<4x128xf32>
    %concatenate3A_158 = tpu.concatenate %add3A_55, %broadcast_in_dim3A_57, %get3A_60, %add3A_155, %broadcast_in_dim3A_157 in 0 : vector<52x128xf32>, vector<4x128xf32>, vector<16x128xf32>, vector<20x128xf32>, vector<4x128xf32> -> vector<96x128xf32>
    %swap3A = arith.constant 0 : index
    %swap3A_159 = arith.constant 0 : index
    %swap3A_160 = vector.load %arg9[%swap3A, %swap3A_159] : memref<96x128xf32, #tpu.memory_space<vmem>>, vector<96x128xf32>
    tpu.vector_store %arg9[%swap3A, %swap3A_159], %concatenate3A_158 {strides = array<i32>} : memref<96x128xf32, #tpu.memory_space<vmem>>, vector<96x128xf32>,
    return
  }
}

module attributes {stable_mosaic.version = 14 : i64} {
  func.func @_ctx_kernel(%arg0: i32, %arg1: memref<13x1024xi32, #tpu.memory_space<vmem>>, %arg2: memref<128x96xf32, #tpu.memory_space<vmem>>, %arg3: memref<13x1024x128xf32, #tpu.memory_space<vmem>>) attributes {dimension_semantics = [#tpu.dimension_semantics<arbitrary>], iteration_bounds = array<i64: 16>, scalar_prefetch = 0 : i64, scratch_operands = 0 : i64, tpu.core_type = #tpu.core_type<tc>, window_params = [{transform_indices = @transform_0, window_bounds = array<i64: 13, 1024>}, {pipeline_mode = #tpu.pipeline_mode<synchronous>, transform_indices = @transform_1, window_bounds = array<i64: 128, 96>}, {transform_indices = @transform_2, window_bounds = array<i64: 13, 1024, 128>}]} {
    %get3A = arith.constant 0 : index
    %get3A_0 = arith.constant 0 : index
    %get3A_1 = vector.load %arg2[%get3A, %get3A_0] : memref<128x96xf32, #tpu.memory_space<vmem>>, vector<128x96xf32>
    %iota3A = tpu.iota {dimensions = array<i32: 0>} : vector<96x128xi32>
    %get3A_2 = arith.constant 0 : index
    %get3A_3 = arith.constant 0 : index
    %get3A_4 = vector.load %arg1[%get3A_2, %get3A_3] : memref<13x1024xi32, #tpu.memory_space<vmem>>, vector<1x128xi32>
    %broadcast_in_dim3A = vector.shape_cast %get3A_4 : vector<1x128xi32> to vector<1x128xi32>
    %broadcast_in_dim3A_5 = vector.broadcast %broadcast_in_dim3A : vector<1x128xi32> to vector<96x128xi32>
    %eq3A = arith.cmpi eq, %iota3A, %broadcast_in_dim3A_5 : vector<96x128xi32>
    %jit3A = arith.constant 1.000000e+00 : f32
    %jit3A_6 = arith.constant 0.000000e+00 : f32
    %broadcast_in_dim3A_7 = vector.broadcast %jit3A : f32 to vector<96x128xf32>
    %broadcast_in_dim3A_8 = vector.broadcast %jit3A_6 : f32 to vector<96x128xf32>
    %select_n3A = arith.select %eq3A, %broadcast_in_dim3A_7, %broadcast_in_dim3A_8 : vector<96x128xi1>, vector<96x128xf32>
    %dot_general3A = arith.constant dense<0.000000e+00> : vector<128x128xf32>
    %dot_general3A_9 = tpu.matmul %get3A_1, %select_n3A, %dot_general3A {dimension_numbers = #tpu.dot_dimension_numbers<[1], [0], [0], [1], [0, 0, 1, 1], [], []>, transpose_lhs_hint = false} : vector<128x96xf32>, vector<96x128xf32>, vector<128x128xf32> -> vector<128x128xf32>
    %transpose3A = tpu.transpose %dot_general3A_9, [1, 0] : vector<128x128xf32> -> vector<128x128xf32>
    %swap3A = arith.constant 0 : index
    %swap3A_10 = arith.constant 0 : index
    %swap3A_11 = arith.constant 0 : index
    %swap3A_12 = vector.load %arg3[%swap3A, %swap3A_10, %swap3A_11] : memref<13x1024x128xf32, #tpu.memory_space<vmem>>, vector<1x128x128xf32>
    %swap3A_13 = vector.shape_cast %swap3A_12 : vector<1x128x128xf32> to vector<128x128xf32>
    %swap3A_14 = vector.shape_cast %transpose3A : vector<128x128xf32> to vector<1x128x128xf32>
    tpu.vector_store %arg3[%swap3A, %swap3A_10, %swap3A_11], %swap3A_14 {strides = array<i32>} : memref<13x1024x128xf32, #tpu.memory_space<vmem>>, vector<1x128x128xf32>,
    %get3A_15 = arith.constant 0 : index
    %get3A_16 = arith.constant 128 : index
    %get3A_17 = vector.load %arg1[%get3A_15, %get3A_16] : memref<13x1024xi32, #tpu.memory_space<vmem>>, vector<1x128xi32>
    %broadcast_in_dim3A_18 = vector.shape_cast %get3A_17 : vector<1x128xi32> to vector<1x128xi32>
    %broadcast_in_dim3A_19 = vector.broadcast %broadcast_in_dim3A_18 : vector<1x128xi32> to vector<96x128xi32>
    %eq3A_20 = arith.cmpi eq, %iota3A, %broadcast_in_dim3A_19 : vector<96x128xi32>
    %jit3A_21 = arith.constant 1.000000e+00 : f32
    %jit3A_22 = arith.constant 0.000000e+00 : f32
    %broadcast_in_dim3A_23 = vector.broadcast %jit3A_21 : f32 to vector<96x128xf32>
    %broadcast_in_dim3A_24 = vector.broadcast %jit3A_22 : f32 to vector<96x128xf32>
    %select_n3A_25 = arith.select %eq3A_20, %broadcast_in_dim3A_23, %broadcast_in_dim3A_24 : vector<96x128xi1>, vector<96x128xf32>
    %dot_general3A_26 = arith.constant dense<0.000000e+00> : vector<128x128xf32>
    %dot_general3A_27 = tpu.matmul %get3A_1, %select_n3A_25, %dot_general3A_26 {dimension_numbers = #tpu.dot_dimension_numbers<[1], [0], [0], [1], [0, 0, 1, 1], [], []>, transpose_lhs_hint = false} : vector<128x96xf32>, vector<96x128xf32>, vector<128x128xf32> -> vector<128x128xf32>
    %transpose3A_28 = tpu.transpose %dot_general3A_27, [1, 0] : vector<128x128xf32> -> vector<128x128xf32>
    %swap3A_29 = arith.constant 0 : index
    %swap3A_30 = arith.constant 128 : index
    %swap3A_31 = arith.constant 0 : index
    %swap3A_32 = vector.load %arg3[%swap3A_29, %swap3A_30, %swap3A_31] : memref<13x1024x128xf32, #tpu.memory_space<vmem>>, vector<1x128x128xf32>
    %swap3A_33 = vector.shape_cast %swap3A_32 : vector<1x128x128xf32> to vector<128x128xf32>
    %swap3A_34 = vector.shape_cast %transpose3A_28 : vector<128x128xf32> to vector<1x128x128xf32>
    tpu.vector_store %arg3[%swap3A_29, %swap3A_30, %swap3A_31], %swap3A_34 {strides = array<i32>} : memref<13x1024x128xf32, #tpu.memory_space<vmem>>, vector<1x128x128xf32>,
    %get3A_35 = arith.constant 0 : index
    %get3A_36 = arith.constant 256 : index
    %get3A_37 = vector.load %arg1[%get3A_35, %get3A_36] : memref<13x1024xi32, #tpu.memory_space<vmem>>, vector<1x128xi32>
    %broadcast_in_dim3A_38 = vector.shape_cast %get3A_37 : vector<1x128xi32> to vector<1x128xi32>
    %broadcast_in_dim3A_39 = vector.broadcast %broadcast_in_dim3A_38 : vector<1x128xi32> to vector<96x128xi32>
    %eq3A_40 = arith.cmpi eq, %iota3A, %broadcast_in_dim3A_39 : vector<96x128xi32>
    %jit3A_41 = arith.constant 1.000000e+00 : f32
    %jit3A_42 = arith.constant 0.000000e+00 : f32
    %broadcast_in_dim3A_43 = vector.broadcast %jit3A_41 : f32 to vector<96x128xf32>
    %broadcast_in_dim3A_44 = vector.broadcast %jit3A_42 : f32 to vector<96x128xf32>
    %select_n3A_45 = arith.select %eq3A_40, %broadcast_in_dim3A_43, %broadcast_in_dim3A_44 : vector<96x128xi1>, vector<96x128xf32>
    %dot_general3A_46 = arith.constant dense<0.000000e+00> : vector<128x128xf32>
    %dot_general3A_47 = tpu.matmul %get3A_1, %select_n3A_45, %dot_general3A_46 {dimension_numbers = #tpu.dot_dimension_numbers<[1], [0], [0], [1], [0, 0, 1, 1], [], []>, transpose_lhs_hint = false} : vector<128x96xf32>, vector<96x128xf32>, vector<128x128xf32> -> vector<128x128xf32>
    %transpose3A_48 = tpu.transpose %dot_general3A_47, [1, 0] : vector<128x128xf32> -> vector<128x128xf32>
    %swap3A_49 = arith.constant 0 : index
    %swap3A_50 = arith.constant 256 : index
    %swap3A_51 = arith.constant 0 : index
    %swap3A_52 = vector.load %arg3[%swap3A_49, %swap3A_50, %swap3A_51] : memref<13x1024x128xf32, #tpu.memory_space<vmem>>, vector<1x128x128xf32>
    %swap3A_53 = vector.shape_cast %swap3A_52 : vector<1x128x128xf32> to vector<128x128xf32>
    %swap3A_54 = vector.shape_cast %transpose3A_48 : vector<128x128xf32> to vector<1x128x128xf32>
    tpu.vector_store %arg3[%swap3A_49, %swap3A_50, %swap3A_51], %swap3A_54 {strides = array<i32>} : memref<13x1024x128xf32, #tpu.memory_space<vmem>>, vector<1x128x128xf32>,
    %get3A_55 = arith.constant 0 : index
    %get3A_56 = arith.constant 384 : index
    %get3A_57 = vector.load %arg1[%get3A_55, %get3A_56] : memref<13x1024xi32, #tpu.memory_space<vmem>>, vector<1x128xi32>
    %broadcast_in_dim3A_58 = vector.shape_cast %get3A_57 : vector<1x128xi32> to vector<1x128xi32>
    %broadcast_in_dim3A_59 = vector.broadcast %broadcast_in_dim3A_58 : vector<1x128xi32> to vector<96x128xi32>
    %eq3A_60 = arith.cmpi eq, %iota3A, %broadcast_in_dim3A_59 : vector<96x128xi32>
    %jit3A_61 = arith.constant 1.000000e+00 : f32
    %jit3A_62 = arith.constant 0.000000e+00 : f32
    %broadcast_in_dim3A_63 = vector.broadcast %jit3A_61 : f32 to vector<96x128xf32>
    %broadcast_in_dim3A_64 = vector.broadcast %jit3A_62 : f32 to vector<96x128xf32>
    %select_n3A_65 = arith.select %eq3A_60, %broadcast_in_dim3A_63, %broadcast_in_dim3A_64 : vector<96x128xi1>, vector<96x128xf32>
    %dot_general3A_66 = arith.constant dense<0.000000e+00> : vector<128x128xf32>
    %dot_general3A_67 = tpu.matmul %get3A_1, %select_n3A_65, %dot_general3A_66 {dimension_numbers = #tpu.dot_dimension_numbers<[1], [0], [0], [1], [0, 0, 1, 1], [], []>, transpose_lhs_hint = false} : vector<128x96xf32>, vector<96x128xf32>, vector<128x128xf32> -> vector<128x128xf32>
    %transpose3A_68 = tpu.transpose %dot_general3A_67, [1, 0] : vector<128x128xf32> -> vector<128x128xf32>
    %swap3A_69 = arith.constant 0 : index
    %swap3A_70 = arith.constant 384 : index
    %swap3A_71 = arith.constant 0 : index
    %swap3A_72 = vector.load %arg3[%swap3A_69, %swap3A_70, %swap3A_71] : memref<13x1024x128xf32, #tpu.memory_space<vmem>>, vector<1x128x128xf32>
    %swap3A_73 = vector.shape_cast %swap3A_72 : vector<1x128x128xf32> to vector<128x128xf32>
    %swap3A_74 = vector.shape_cast %transpose3A_68 : vector<128x128xf32> to vector<1x128x128xf32>
    tpu.vector_store %arg3[%swap3A_69, %swap3A_70, %swap3A_71], %swap3A_74 {strides = array<i32>} : memref<13x1024x128xf32, #tpu.memory_space<vmem>>, vector<1x128x128xf32>,
    %get3A_75 = arith.constant 0 : index
    %get3A_76 = arith.constant 512 : index
    %get3A_77 = vector.load %arg1[%get3A_75, %get3A_76] : memref<13x1024xi32, #tpu.memory_space<vmem>>, vector<1x128xi32>
    %broadcast_in_dim3A_78 = vector.shape_cast %get3A_77 : vector<1x128xi32> to vector<1x128xi32>
    %broadcast_in_dim3A_79 = vector.broadcast %broadcast_in_dim3A_78 : vector<1x128xi32> to vector<96x128xi32>
    %eq3A_80 = arith.cmpi eq, %iota3A, %broadcast_in_dim3A_79 : vector<96x128xi32>
    %jit3A_81 = arith.constant 1.000000e+00 : f32
    %jit3A_82 = arith.constant 0.000000e+00 : f32
    %broadcast_in_dim3A_83 = vector.broadcast %jit3A_81 : f32 to vector<96x128xf32>
    %broadcast_in_dim3A_84 = vector.broadcast %jit3A_82 : f32 to vector<96x128xf32>
    %select_n3A_85 = arith.select %eq3A_80, %broadcast_in_dim3A_83, %broadcast_in_dim3A_84 : vector<96x128xi1>, vector<96x128xf32>
    %dot_general3A_86 = arith.constant dense<0.000000e+00> : vector<128x128xf32>
    %dot_general3A_87 = tpu.matmul %get3A_1, %select_n3A_85, %dot_general3A_86 {dimension_numbers = #tpu.dot_dimension_numbers<[1], [0], [0], [1], [0, 0, 1, 1], [], []>, transpose_lhs_hint = false} : vector<128x96xf32>, vector<96x128xf32>, vector<128x128xf32> -> vector<128x128xf32>
    %transpose3A_88 = tpu.transpose %dot_general3A_87, [1, 0] : vector<128x128xf32> -> vector<128x128xf32>
    %swap3A_89 = arith.constant 0 : index
    %swap3A_90 = arith.constant 512 : index
    %swap3A_91 = arith.constant 0 : index
    %swap3A_92 = vector.load %arg3[%swap3A_89, %swap3A_90, %swap3A_91] : memref<13x1024x128xf32, #tpu.memory_space<vmem>>, vector<1x128x128xf32>
    %swap3A_93 = vector.shape_cast %swap3A_92 : vector<1x128x128xf32> to vector<128x128xf32>
    %swap3A_94 = vector.shape_cast %transpose3A_88 : vector<128x128xf32> to vector<1x128x128xf32>
    tpu.vector_store %arg3[%swap3A_89, %swap3A_90, %swap3A_91], %swap3A_94 {strides = array<i32>} : memref<13x1024x128xf32, #tpu.memory_space<vmem>>, vector<1x128x128xf32>,
    %get3A_95 = arith.constant 0 : index
    %get3A_96 = arith.constant 640 : index
    %get3A_97 = vector.load %arg1[%get3A_95, %get3A_96] : memref<13x1024xi32, #tpu.memory_space<vmem>>, vector<1x128xi32>
    %broadcast_in_dim3A_98 = vector.shape_cast %get3A_97 : vector<1x128xi32> to vector<1x128xi32>
    %broadcast_in_dim3A_99 = vector.broadcast %broadcast_in_dim3A_98 : vector<1x128xi32> to vector<96x128xi32>
    %eq3A_100 = arith.cmpi eq, %iota3A, %broadcast_in_dim3A_99 : vector<96x128xi32>
    %jit3A_101 = arith.constant 1.000000e+00 : f32
    %jit3A_102 = arith.constant 0.000000e+00 : f32
    %broadcast_in_dim3A_103 = vector.broadcast %jit3A_101 : f32 to vector<96x128xf32>
    %broadcast_in_dim3A_104 = vector.broadcast %jit3A_102 : f32 to vector<96x128xf32>
    %select_n3A_105 = arith.select %eq3A_100, %broadcast_in_dim3A_103, %broadcast_in_dim3A_104 : vector<96x128xi1>, vector<96x128xf32>
    %dot_general3A_106 = arith.constant dense<0.000000e+00> : vector<128x128xf32>
    %dot_general3A_107 = tpu.matmul %get3A_1, %select_n3A_105, %dot_general3A_106 {dimension_numbers = #tpu.dot_dimension_numbers<[1], [0], [0], [1], [0, 0, 1, 1], [], []>, transpose_lhs_hint = false} : vector<128x96xf32>, vector<96x128xf32>, vector<128x128xf32> -> vector<128x128xf32>
    %transpose3A_108 = tpu.transpose %dot_general3A_107, [1, 0] : vector<128x128xf32> -> vector<128x128xf32>
    %swap3A_109 = arith.constant 0 : index
    %swap3A_110 = arith.constant 640 : index
    %swap3A_111 = arith.constant 0 : index
    %swap3A_112 = vector.load %arg3[%swap3A_109, %swap3A_110, %swap3A_111] : memref<13x1024x128xf32, #tpu.memory_space<vmem>>, vector<1x128x128xf32>
    %swap3A_113 = vector.shape_cast %swap3A_112 : vector<1x128x128xf32> to vector<128x128xf32>
    %swap3A_114 = vector.shape_cast %transpose3A_108 : vector<128x128xf32> to vector<1x128x128xf32>
    tpu.vector_store %arg3[%swap3A_109, %swap3A_110, %swap3A_111], %swap3A_114 {strides = array<i32>} : memref<13x1024x128xf32, #tpu.memory_space<vmem>>, vector<1x128x128xf32>,
    %get3A_115 = arith.constant 0 : index
    %get3A_116 = arith.constant 768 : index
    %get3A_117 = vector.load %arg1[%get3A_115, %get3A_116] : memref<13x1024xi32, #tpu.memory_space<vmem>>, vector<1x128xi32>
    %broadcast_in_dim3A_118 = vector.shape_cast %get3A_117 : vector<1x128xi32> to vector<1x128xi32>
    %broadcast_in_dim3A_119 = vector.broadcast %broadcast_in_dim3A_118 : vector<1x128xi32> to vector<96x128xi32>
    %eq3A_120 = arith.cmpi eq, %iota3A, %broadcast_in_dim3A_119 : vector<96x128xi32>
    %jit3A_121 = arith.constant 1.000000e+00 : f32
    %jit3A_122 = arith.constant 0.000000e+00 : f32
    %broadcast_in_dim3A_123 = vector.broadcast %jit3A_121 : f32 to vector<96x128xf32>
    %broadcast_in_dim3A_124 = vector.broadcast %jit3A_122 : f32 to vector<96x128xf32>
    %select_n3A_125 = arith.select %eq3A_120, %broadcast_in_dim3A_123, %broadcast_in_dim3A_124 : vector<96x128xi1>, vector<96x128xf32>
    %dot_general3A_126 = arith.constant dense<0.000000e+00> : vector<128x128xf32>
    %dot_general3A_127 = tpu.matmul %get3A_1, %select_n3A_125, %dot_general3A_126 {dimension_numbers = #tpu.dot_dimension_numbers<[1], [0], [0], [1], [0, 0, 1, 1], [], []>, transpose_lhs_hint = false} : vector<128x96xf32>, vector<96x128xf32>, vector<128x128xf32> -> vector<128x128xf32>
    %transpose3A_128 = tpu.transpose %dot_general3A_127, [1, 0] : vector<128x128xf32> -> vector<128x128xf32>
    %swap3A_129 = arith.constant 0 : index
    %swap3A_130 = arith.constant 768 : index
    %swap3A_131 = arith.constant 0 : index
    %swap3A_132 = vector.load %arg3[%swap3A_129, %swap3A_130, %swap3A_131] : memref<13x1024x128xf32, #tpu.memory_space<vmem>>, vector<1x128x128xf32>
    %swap3A_133 = vector.shape_cast %swap3A_132 : vector<1x128x128xf32> to vector<128x128xf32>
    %swap3A_134 = vector.shape_cast %transpose3A_128 : vector<128x128xf32> to vector<1x128x128xf32>
    tpu.vector_store %arg3[%swap3A_129, %swap3A_130, %swap3A_131], %swap3A_134 {strides = array<i32>} : memref<13x1024x128xf32, #tpu.memory_space<vmem>>, vector<1x128x128xf32>,
    %get3A_135 = arith.constant 0 : index
    %get3A_136 = arith.constant 896 : index
    %get3A_137 = vector.load %arg1[%get3A_135, %get3A_136] : memref<13x1024xi32, #tpu.memory_space<vmem>>, vector<1x128xi32>
    %broadcast_in_dim3A_138 = vector.shape_cast %get3A_137 : vector<1x128xi32> to vector<1x128xi32>
    %broadcast_in_dim3A_139 = vector.broadcast %broadcast_in_dim3A_138 : vector<1x128xi32> to vector<96x128xi32>
    %eq3A_140 = arith.cmpi eq, %iota3A, %broadcast_in_dim3A_139 : vector<96x128xi32>
    %jit3A_141 = arith.constant 1.000000e+00 : f32
    %jit3A_142 = arith.constant 0.000000e+00 : f32
    %broadcast_in_dim3A_143 = vector.broadcast %jit3A_141 : f32 to vector<96x128xf32>
    %broadcast_in_dim3A_144 = vector.broadcast %jit3A_142 : f32 to vector<96x128xf32>
    %select_n3A_145 = arith.select %eq3A_140, %broadcast_in_dim3A_143, %broadcast_in_dim3A_144 : vector<96x128xi1>, vector<96x128xf32>
    %dot_general3A_146 = arith.constant dense<0.000000e+00> : vector<128x128xf32>
    %dot_general3A_147 = tpu.matmul %get3A_1, %select_n3A_145, %dot_general3A_146 {dimension_numbers = #tpu.dot_dimension_numbers<[1], [0], [0], [1], [0, 0, 1, 1], [], []>, transpose_lhs_hint = false} : vector<128x96xf32>, vector<96x128xf32>, vector<128x128xf32> -> vector<128x128xf32>
    %transpose3A_148 = tpu.transpose %dot_general3A_147, [1, 0] : vector<128x128xf32> -> vector<128x128xf32>
    %swap3A_149 = arith.constant 0 : index
    %swap3A_150 = arith.constant 896 : index
    %swap3A_151 = arith.constant 0 : index
    %swap3A_152 = vector.load %arg3[%swap3A_149, %swap3A_150, %swap3A_151] : memref<13x1024x128xf32, #tpu.memory_space<vmem>>, vector<1x128x128xf32>
    %swap3A_153 = vector.shape_cast %swap3A_152 : vector<1x128x128xf32> to vector<128x128xf32>
    %swap3A_154 = vector.shape_cast %transpose3A_148 : vector<128x128xf32> to vector<1x128x128xf32>
    tpu.vector_store %arg3[%swap3A_149, %swap3A_150, %swap3A_151], %swap3A_154 {strides = array<i32>} : memref<13x1024x128xf32, #tpu.memory_space<vmem>>, vector<1x128x128xf32>,
    %get3A_155 = arith.constant 1 : index
    %get3A_156 = arith.constant 0 : index
    %get3A_157 = vector.load %arg1[%get3A_155, %get3A_156] : memref<13x1024xi32, #tpu.memory_space<vmem>>, vector<1x128xi32>
    %broadcast_in_dim3A_158 = vector.shape_cast %get3A_157 : vector<1x128xi32> to vector<1x128xi32>
    %broadcast_in_dim3A_159 = vector.broadcast %broadcast_in_dim3A_158 : vector<1x128xi32> to vector<96x128xi32>
    %eq3A_160 = arith.cmpi eq, %iota3A, %broadcast_in_dim3A_159 : vector<96x128xi32>
    %jit3A_161 = arith.constant 1.000000e+00 : f32
    %jit3A_162 = arith.constant 0.000000e+00 : f32
    %broadcast_in_dim3A_163 = vector.broadcast %jit3A_161 : f32 to vector<96x128xf32>
    %broadcast_in_dim3A_164 = vector.broadcast %jit3A_162 : f32 to vector<96x128xf32>
    %select_n3A_165 = arith.select %eq3A_160, %broadcast_in_dim3A_163, %broadcast_in_dim3A_164 : vector<96x128xi1>, vector<96x128xf32>
    %dot_general3A_166 = arith.constant dense<0.000000e+00> : vector<128x128xf32>
    %dot_general3A_167 = tpu.matmul %get3A_1, %select_n3A_165, %dot_general3A_166 {dimension_numbers = #tpu.dot_dimension_numbers<[1], [0], [0], [1], [0, 0, 1, 1], [], []>, transpose_lhs_hint = false} : vector<128x96xf32>, vector<96x128xf32>, vector<128x128xf32> -> vector<128x128xf32>
    %transpose3A_168 = tpu.transpose %dot_general3A_167, [1, 0] : vector<128x128xf32> -> vector<128x128xf32>
    %swap3A_169 = arith.constant 1 : index
    %swap3A_170 = arith.constant 0 : index
    %swap3A_171 = arith.constant 0 : index
    %swap3A_172 = vector.load %arg3[%swap3A_169, %swap3A_170, %swap3A_171] : memref<13x1024x128xf32, #tpu.memory_space<vmem>>, vector<1x128x128xf32>
    %swap3A_173 = vector.shape_cast %swap3A_172 : vector<1x128x128xf32> to vector<128x128xf32>
    %swap3A_174 = vector.shape_cast %transpose3A_168 : vector<128x128xf32> to vector<1x128x128xf32>
    tpu.vector_store %arg3[%swap3A_169, %swap3A_170, %swap3A_171], %swap3A_174 {strides = array<i32>} : memref<13x1024x128xf32, #tpu.memory_space<vmem>>, vector<1x128x128xf32>,
    %get3A_175 = arith.constant 1 : index
    %get3A_176 = arith.constant 128 : index
    %get3A_177 = vector.load %arg1[%get3A_175, %get3A_176] : memref<13x1024xi32, #tpu.memory_space<vmem>>, vector<1x128xi32>
    %broadcast_in_dim3A_178 = vector.shape_cast %get3A_177 : vector<1x128xi32> to vector<1x128xi32>
    %broadcast_in_dim3A_179 = vector.broadcast %broadcast_in_dim3A_178 : vector<1x128xi32> to vector<96x128xi32>
    %eq3A_180 = arith.cmpi eq, %iota3A, %broadcast_in_dim3A_179 : vector<96x128xi32>
    %jit3A_181 = arith.constant 1.000000e+00 : f32
    %jit3A_182 = arith.constant 0.000000e+00 : f32
    %broadcast_in_dim3A_183 = vector.broadcast %jit3A_181 : f32 to vector<96x128xf32>
    %broadcast_in_dim3A_184 = vector.broadcast %jit3A_182 : f32 to vector<96x128xf32>
    %select_n3A_185 = arith.select %eq3A_180, %broadcast_in_dim3A_183, %broadcast_in_dim3A_184 : vector<96x128xi1>, vector<96x128xf32>
    %dot_general3A_186 = arith.constant dense<0.000000e+00> : vector<128x128xf32>
    %dot_general3A_187 = tpu.matmul %get3A_1, %select_n3A_185, %dot_general3A_186 {dimension_numbers = #tpu.dot_dimension_numbers<[1], [0], [0], [1], [0, 0, 1, 1], [], []>, transpose_lhs_hint = false} : vector<128x96xf32>, vector<96x128xf32>, vector<128x128xf32> -> vector<128x128xf32>
    %transpose3A_188 = tpu.transpose %dot_general3A_187, [1, 0] : vector<128x128xf32> -> vector<128x128xf32>
    %swap3A_189 = arith.constant 1 : index
    %swap3A_190 = arith.constant 128 : index
    %swap3A_191 = arith.constant 0 : index
    %swap3A_192 = vector.load %arg3[%swap3A_189, %swap3A_190, %swap3A_191] : memref<13x1024x128xf32, #tpu.memory_space<vmem>>, vector<1x128x128xf32>
    %swap3A_193 = vector.shape_cast %swap3A_192 : vector<1x128x128xf32> to vector<128x128xf32>
    %swap3A_194 = vector.shape_cast %transpose3A_188 : vector<128x128xf32> to vector<1x128x128xf32>
    tpu.vector_store %arg3[%swap3A_189, %swap3A_190, %swap3A_191], %swap3A_194 {strides = array<i32>} : memref<13x1024x128xf32, #tpu.memory_space<vmem>>, vector<1x128x128xf32>,
    %get3A_195 = arith.constant 1 : index
    %get3A_196 = arith.constant 256 : index
    %get3A_197 = vector.load %arg1[%get3A_195, %get3A_196] : memref<13x1024xi32, #tpu.memory_space<vmem>>, vector<1x128xi32>
    %broadcast_in_dim3A_198 = vector.shape_cast %get3A_197 : vector<1x128xi32> to vector<1x128xi32>
    %broadcast_in_dim3A_199 = vector.broadcast %broadcast_in_dim3A_198 : vector<1x128xi32> to vector<96x128xi32>
    %eq3A_200 = arith.cmpi eq, %iota3A, %broadcast_in_dim3A_199 : vector<96x128xi32>
    %jit3A_201 = arith.constant 1.000000e+00 : f32
    %jit3A_202 = arith.constant 0.000000e+00 : f32
    %broadcast_in_dim3A_203 = vector.broadcast %jit3A_201 : f32 to vector<96x128xf32>
    %broadcast_in_dim3A_204 = vector.broadcast %jit3A_202 : f32 to vector<96x128xf32>
    %select_n3A_205 = arith.select %eq3A_200, %broadcast_in_dim3A_203, %broadcast_in_dim3A_204 : vector<96x128xi1>, vector<96x128xf32>
    %dot_general3A_206 = arith.constant dense<0.000000e+00> : vector<128x128xf32>
    %dot_general3A_207 = tpu.matmul %get3A_1, %select_n3A_205, %dot_general3A_206 {dimension_numbers = #tpu.dot_dimension_numbers<[1], [0], [0], [1], [0, 0, 1, 1], [], []>, transpose_lhs_hint = false} : vector<128x96xf32>, vector<96x128xf32>, vector<128x128xf32> -> vector<128x128xf32>
    %transpose3A_208 = tpu.transpose %dot_general3A_207, [1, 0] : vector<128x128xf32> -> vector<128x128xf32>
    %swap3A_209 = arith.constant 1 : index
    %swap3A_210 = arith.constant 256 : index
    %swap3A_211 = arith.constant 0 : index
    %swap3A_212 = vector.load %arg3[%swap3A_209, %swap3A_210, %swap3A_211] : memref<13x1024x128xf32, #tpu.memory_space<vmem>>, vector<1x128x128xf32>
    %swap3A_213 = vector.shape_cast %swap3A_212 : vector<1x128x128xf32> to vector<128x128xf32>
    %swap3A_214 = vector.shape_cast %transpose3A_208 : vector<128x128xf32> to vector<1x128x128xf32>
    tpu.vector_store %arg3[%swap3A_209, %swap3A_210, %swap3A_211], %swap3A_214 {strides = array<i32>} : memref<13x1024x128xf32, #tpu.memory_space<vmem>>, vector<1x128x128xf32>,
    %get3A_215 = arith.constant 1 : index
    %get3A_216 = arith.constant 384 : index
    %get3A_217 = vector.load %arg1[%get3A_215, %get3A_216] : memref<13x1024xi32, #tpu.memory_space<vmem>>, vector<1x128xi32>
    %broadcast_in_dim3A_218 = vector.shape_cast %get3A_217 : vector<1x128xi32> to vector<1x128xi32>
    %broadcast_in_dim3A_219 = vector.broadcast %broadcast_in_dim3A_218 : vector<1x128xi32> to vector<96x128xi32>
    %eq3A_220 = arith.cmpi eq, %iota3A, %broadcast_in_dim3A_219 : vector<96x128xi32>
    %jit3A_221 = arith.constant 1.000000e+00 : f32
    %jit3A_222 = arith.constant 0.000000e+00 : f32
    %broadcast_in_dim3A_223 = vector.broadcast %jit3A_221 : f32 to vector<96x128xf32>
    %broadcast_in_dim3A_224 = vector.broadcast %jit3A_222 : f32 to vector<96x128xf32>
    %select_n3A_225 = arith.select %eq3A_220, %broadcast_in_dim3A_223, %broadcast_in_dim3A_224 : vector<96x128xi1>, vector<96x128xf32>
    %dot_general3A_226 = arith.constant dense<0.000000e+00> : vector<128x128xf32>
    %dot_general3A_227 = tpu.matmul %get3A_1, %select_n3A_225, %dot_general3A_226 {dimension_numbers = #tpu.dot_dimension_numbers<[1], [0], [0], [1], [0, 0, 1, 1], [], []>, transpose_lhs_hint = false} : vector<128x96xf32>, vector<96x128xf32>, vector<128x128xf32> -> vector<128x128xf32>
    %transpose3A_228 = tpu.transpose %dot_general3A_227, [1, 0] : vector<128x128xf32> -> vector<128x128xf32>
    %swap3A_229 = arith.constant 1 : index
    %swap3A_230 = arith.constant 384 : index
    %swap3A_231 = arith.constant 0 : index
    %swap3A_232 = vector.load %arg3[%swap3A_229, %swap3A_230, %swap3A_231] : memref<13x1024x128xf32, #tpu.memory_space<vmem>>, vector<1x128x128xf32>
    %swap3A_233 = vector.shape_cast %swap3A_232 : vector<1x128x128xf32> to vector<128x128xf32>
    %swap3A_234 = vector.shape_cast %transpose3A_228 : vector<128x128xf32> to vector<1x128x128xf32>
    tpu.vector_store %arg3[%swap3A_229, %swap3A_230, %swap3A_231], %swap3A_234 {strides = array<i32>} : memref<13x1024x128xf32, #tpu.memory_space<vmem>>, vector<1x128x128xf32>,
    %get3A_235 = arith.constant 1 : index
    %get3A_236 = arith.constant 512 : index
    %get3A_237 = vector.load %arg1[%get3A_235, %get3A_236] : memref<13x1024xi32, #tpu.memory_space<vmem>>, vector<1x128xi32>
    %broadcast_in_dim3A_238 = vector.shape_cast %get3A_237 : vector<1x128xi32> to vector<1x128xi32>
    %broadcast_in_dim3A_239 = vector.broadcast %broadcast_in_dim3A_238 : vector<1x128xi32> to vector<96x128xi32>
    %eq3A_240 = arith.cmpi eq, %iota3A, %broadcast_in_dim3A_239 : vector<96x128xi32>
    %jit3A_241 = arith.constant 1.000000e+00 : f32
    %jit3A_242 = arith.constant 0.000000e+00 : f32
    %broadcast_in_dim3A_243 = vector.broadcast %jit3A_241 : f32 to vector<96x128xf32>
    %broadcast_in_dim3A_244 = vector.broadcast %jit3A_242 : f32 to vector<96x128xf32>
    %select_n3A_245 = arith.select %eq3A_240, %broadcast_in_dim3A_243, %broadcast_in_dim3A_244 : vector<96x128xi1>, vector<96x128xf32>
    %dot_general3A_246 = arith.constant dense<0.000000e+00> : vector<128x128xf32>
    %dot_general3A_247 = tpu.matmul %get3A_1, %select_n3A_245, %dot_general3A_246 {dimension_numbers = #tpu.dot_dimension_numbers<[1], [0], [0], [1], [0, 0, 1, 1], [], []>, transpose_lhs_hint = false} : vector<128x96xf32>, vector<96x128xf32>, vector<128x128xf32> -> vector<128x128xf32>
    %transpose3A_248 = tpu.transpose %dot_general3A_247, [1, 0] : vector<128x128xf32> -> vector<128x128xf32>
    %swap3A_249 = arith.constant 1 : index
    %swap3A_250 = arith.constant 512 : index
    %swap3A_251 = arith.constant 0 : index
    %swap3A_252 = vector.load %arg3[%swap3A_249, %swap3A_250, %swap3A_251] : memref<13x1024x128xf32, #tpu.memory_space<vmem>>, vector<1x128x128xf32>
    %swap3A_253 = vector.shape_cast %swap3A_252 : vector<1x128x128xf32> to vector<128x128xf32>
    %swap3A_254 = vector.shape_cast %transpose3A_248 : vector<128x128xf32> to vector<1x128x128xf32>
    tpu.vector_store %arg3[%swap3A_249, %swap3A_250, %swap3A_251], %swap3A_254 {strides = array<i32>} : memref<13x1024x128xf32, #tpu.memory_space<vmem>>, vector<1x128x128xf32>,
    %get3A_255 = arith.constant 1 : index
    %get3A_256 = arith.constant 640 : index
    %get3A_257 = vector.load %arg1[%get3A_255, %get3A_256] : memref<13x1024xi32, #tpu.memory_space<vmem>>, vector<1x128xi32>
    %broadcast_in_dim3A_258 = vector.shape_cast %get3A_257 : vector<1x128xi32> to vector<1x128xi32>
    %broadcast_in_dim3A_259 = vector.broadcast %broadcast_in_dim3A_258 : vector<1x128xi32> to vector<96x128xi32>
    %eq3A_260 = arith.cmpi eq, %iota3A, %broadcast_in_dim3A_259 : vector<96x128xi32>
    %jit3A_261 = arith.constant 1.000000e+00 : f32
    %jit3A_262 = arith.constant 0.000000e+00 : f32
    %broadcast_in_dim3A_263 = vector.broadcast %jit3A_261 : f32 to vector<96x128xf32>
    %broadcast_in_dim3A_264 = vector.broadcast %jit3A_262 : f32 to vector<96x128xf32>
    %select_n3A_265 = arith.select %eq3A_260, %broadcast_in_dim3A_263, %broadcast_in_dim3A_264 : vector<96x128xi1>, vector<96x128xf32>
    %dot_general3A_266 = arith.constant dense<0.000000e+00> : vector<128x128xf32>
    %dot_general3A_267 = tpu.matmul %get3A_1, %select_n3A_265, %dot_general3A_266 {dimension_numbers = #tpu.dot_dimension_numbers<[1], [0], [0], [1], [0, 0, 1, 1], [], []>, transpose_lhs_hint = false} : vector<128x96xf32>, vector<96x128xf32>, vector<128x128xf32> -> vector<128x128xf32>
    %transpose3A_268 = tpu.transpose %dot_general3A_267, [1, 0] : vector<128x128xf32> -> vector<128x128xf32>
    %swap3A_269 = arith.constant 1 : index
    %swap3A_270 = arith.constant 640 : index
    %swap3A_271 = arith.constant 0 : index
    %swap3A_272 = vector.load %arg3[%swap3A_269, %swap3A_270, %swap3A_271] : memref<13x1024x128xf32, #tpu.memory_space<vmem>>, vector<1x128x128xf32>
    %swap3A_273 = vector.shape_cast %swap3A_272 : vector<1x128x128xf32> to vector<128x128xf32>
    %swap3A_274 = vector.shape_cast %transpose3A_268 : vector<128x128xf32> to vector<1x128x128xf32>
    tpu.vector_store %arg3[%swap3A_269, %swap3A_270, %swap3A_271], %swap3A_274 {strides = array<i32>} : memref<13x1024x128xf32, #tpu.memory_space<vmem>>, vector<1x128x128xf32>,
    %get3A_275 = arith.constant 1 : index
    %get3A_276 = arith.constant 768 : index
    %get3A_277 = vector.load %arg1[%get3A_275, %get3A_276] : memref<13x1024xi32, #tpu.memory_space<vmem>>, vector<1x128xi32>
    %broadcast_in_dim3A_278 = vector.shape_cast %get3A_277 : vector<1x128xi32> to vector<1x128xi32>
    %broadcast_in_dim3A_279 = vector.broadcast %broadcast_in_dim3A_278 : vector<1x128xi32> to vector<96x128xi32>
    %eq3A_280 = arith.cmpi eq, %iota3A, %broadcast_in_dim3A_279 : vector<96x128xi32>
    %jit3A_281 = arith.constant 1.000000e+00 : f32
    %jit3A_282 = arith.constant 0.000000e+00 : f32
    %broadcast_in_dim3A_283 = vector.broadcast %jit3A_281 : f32 to vector<96x128xf32>
    %broadcast_in_dim3A_284 = vector.broadcast %jit3A_282 : f32 to vector<96x128xf32>
    %select_n3A_285 = arith.select %eq3A_280, %broadcast_in_dim3A_283, %broadcast_in_dim3A_284 : vector<96x128xi1>, vector<96x128xf32>
    %dot_general3A_286 = arith.constant dense<0.000000e+00> : vector<128x128xf32>
    %dot_general3A_287 = tpu.matmul %get3A_1, %select_n3A_285, %dot_general3A_286 {dimension_numbers = #tpu.dot_dimension_numbers<[1], [0], [0], [1], [0, 0, 1, 1], [], []>, transpose_lhs_hint = false} : vector<128x96xf32>, vector<96x128xf32>, vector<128x128xf32> -> vector<128x128xf32>
    %transpose3A_288 = tpu.transpose %dot_general3A_287, [1, 0] : vector<128x128xf32> -> vector<128x128xf32>
    %swap3A_289 = arith.constant 1 : index
    %swap3A_290 = arith.constant 768 : index
    %swap3A_291 = arith.constant 0 : index
    %swap3A_292 = vector.load %arg3[%swap3A_289, %swap3A_290, %swap3A_291] : memref<13x1024x128xf32, #tpu.memory_space<vmem>>, vector<1x128x128xf32>
    %swap3A_293 = vector.shape_cast %swap3A_292 : vector<1x128x128xf32> to vector<128x128xf32>
    %swap3A_294 = vector.shape_cast %transpose3A_288 : vector<128x128xf32> to vector<1x128x128xf32>
    tpu.vector_store %arg3[%swap3A_289, %swap3A_290, %swap3A_291], %swap3A_294 {strides = array<i32>} : memref<13x1024x128xf32, #tpu.memory_space<vmem>>, vector<1x128x128xf32>,
    %get3A_295 = arith.constant 1 : index
    %get3A_296 = arith.constant 896 : index
    %get3A_297 = vector.load %arg1[%get3A_295, %get3A_296] : memref<13x1024xi32, #tpu.memory_space<vmem>>, vector<1x128xi32>
    %broadcast_in_dim3A_298 = vector.shape_cast %get3A_297 : vector<1x128xi32> to vector<1x128xi32>
    %broadcast_in_dim3A_299 = vector.broadcast %broadcast_in_dim3A_298 : vector<1x128xi32> to vector<96x128xi32>
    %eq3A_300 = arith.cmpi eq, %iota3A, %broadcast_in_dim3A_299 : vector<96x128xi32>
    %jit3A_301 = arith.constant 1.000000e+00 : f32
    %jit3A_302 = arith.constant 0.000000e+00 : f32
    %broadcast_in_dim3A_303 = vector.broadcast %jit3A_301 : f32 to vector<96x128xf32>
    %broadcast_in_dim3A_304 = vector.broadcast %jit3A_302 : f32 to vector<96x128xf32>
    %select_n3A_305 = arith.select %eq3A_300, %broadcast_in_dim3A_303, %broadcast_in_dim3A_304 : vector<96x128xi1>, vector<96x128xf32>
    %dot_general3A_306 = arith.constant dense<0.000000e+00> : vector<128x128xf32>
    %dot_general3A_307 = tpu.matmul %get3A_1, %select_n3A_305, %dot_general3A_306 {dimension_numbers = #tpu.dot_dimension_numbers<[1], [0], [0], [1], [0, 0, 1, 1], [], []>, transpose_lhs_hint = false} : vector<128x96xf32>, vector<96x128xf32>, vector<128x128xf32> -> vector<128x128xf32>
    %transpose3A_308 = tpu.transpose %dot_general3A_307, [1, 0] : vector<128x128xf32> -> vector<128x128xf32>
    %swap3A_309 = arith.constant 1 : index
    %swap3A_310 = arith.constant 896 : index
    %swap3A_311 = arith.constant 0 : index
    %swap3A_312 = vector.load %arg3[%swap3A_309, %swap3A_310, %swap3A_311] : memref<13x1024x128xf32, #tpu.memory_space<vmem>>, vector<1x128x128xf32>
    %swap3A_313 = vector.shape_cast %swap3A_312 : vector<1x128x128xf32> to vector<128x128xf32>
    %swap3A_314 = vector.shape_cast %transpose3A_308 : vector<128x128xf32> to vector<1x128x128xf32>
    tpu.vector_store %arg3[%swap3A_309, %swap3A_310, %swap3A_311], %swap3A_314 {strides = array<i32>} : memref<13x1024x128xf32, #tpu.memory_space<vmem>>, vector<1x128x128xf32>,
    %get3A_315 = arith.constant 2 : index
    %get3A_316 = arith.constant 0 : index
    %get3A_317 = vector.load %arg1[%get3A_315, %get3A_316] : memref<13x1024xi32, #tpu.memory_space<vmem>>, vector<1x128xi32>
    %broadcast_in_dim3A_318 = vector.shape_cast %get3A_317 : vector<1x128xi32> to vector<1x128xi32>
    %broadcast_in_dim3A_319 = vector.broadcast %broadcast_in_dim3A_318 : vector<1x128xi32> to vector<96x128xi32>
    %eq3A_320 = arith.cmpi eq, %iota3A, %broadcast_in_dim3A_319 : vector<96x128xi32>
    %jit3A_321 = arith.constant 1.000000e+00 : f32
    %jit3A_322 = arith.constant 0.000000e+00 : f32
    %broadcast_in_dim3A_323 = vector.broadcast %jit3A_321 : f32 to vector<96x128xf32>
    %broadcast_in_dim3A_324 = vector.broadcast %jit3A_322 : f32 to vector<96x128xf32>
    %select_n3A_325 = arith.select %eq3A_320, %broadcast_in_dim3A_323, %broadcast_in_dim3A_324 : vector<96x128xi1>, vector<96x128xf32>
    %dot_general3A_326 = arith.constant dense<0.000000e+00> : vector<128x128xf32>
    %dot_general3A_327 = tpu.matmul %get3A_1, %select_n3A_325, %dot_general3A_326 {dimension_numbers = #tpu.dot_dimension_numbers<[1], [0], [0], [1], [0, 0, 1, 1], [], []>, transpose_lhs_hint = false} : vector<128x96xf32>, vector<96x128xf32>, vector<128x128xf32> -> vector<128x128xf32>
    %transpose3A_328 = tpu.transpose %dot_general3A_327, [1, 0] : vector<128x128xf32> -> vector<128x128xf32>
    %swap3A_329 = arith.constant 2 : index
    %swap3A_330 = arith.constant 0 : index
    %swap3A_331 = arith.constant 0 : index
    %swap3A_332 = vector.load %arg3[%swap3A_329, %swap3A_330, %swap3A_331] : memref<13x1024x128xf32, #tpu.memory_space<vmem>>, vector<1x128x128xf32>
    %swap3A_333 = vector.shape_cast %swap3A_332 : vector<1x128x128xf32> to vector<128x128xf32>
    %swap3A_334 = vector.shape_cast %transpose3A_328 : vector<128x128xf32> to vector<1x128x128xf32>
    tpu.vector_store %arg3[%swap3A_329, %swap3A_330, %swap3A_331], %swap3A_334 {strides = array<i32>} : memref<13x1024x128xf32, #tpu.memory_space<vmem>>, vector<1x128x128xf32>,
    %get3A_335 = arith.constant 2 : index
    %get3A_336 = arith.constant 128 : index
    %get3A_337 = vector.load %arg1[%get3A_335, %get3A_336] : memref<13x1024xi32, #tpu.memory_space<vmem>>, vector<1x128xi32>
    %broadcast_in_dim3A_338 = vector.shape_cast %get3A_337 : vector<1x128xi32> to vector<1x128xi32>
    %broadcast_in_dim3A_339 = vector.broadcast %broadcast_in_dim3A_338 : vector<1x128xi32> to vector<96x128xi32>
    %eq3A_340 = arith.cmpi eq, %iota3A, %broadcast_in_dim3A_339 : vector<96x128xi32>
    %jit3A_341 = arith.constant 1.000000e+00 : f32
    %jit3A_342 = arith.constant 0.000000e+00 : f32
    %broadcast_in_dim3A_343 = vector.broadcast %jit3A_341 : f32 to vector<96x128xf32>
    %broadcast_in_dim3A_344 = vector.broadcast %jit3A_342 : f32 to vector<96x128xf32>
    %select_n3A_345 = arith.select %eq3A_340, %broadcast_in_dim3A_343, %broadcast_in_dim3A_344 : vector<96x128xi1>, vector<96x128xf32>
    %dot_general3A_346 = arith.constant dense<0.000000e+00> : vector<128x128xf32>
    %dot_general3A_347 = tpu.matmul %get3A_1, %select_n3A_345, %dot_general3A_346 {dimension_numbers = #tpu.dot_dimension_numbers<[1], [0], [0], [1], [0, 0, 1, 1], [], []>, transpose_lhs_hint = false} : vector<128x96xf32>, vector<96x128xf32>, vector<128x128xf32> -> vector<128x128xf32>
    %transpose3A_348 = tpu.transpose %dot_general3A_347, [1, 0] : vector<128x128xf32> -> vector<128x128xf32>
    %swap3A_349 = arith.constant 2 : index
    %swap3A_350 = arith.constant 128 : index
    %swap3A_351 = arith.constant 0 : index
    %swap3A_352 = vector.load %arg3[%swap3A_349, %swap3A_350, %swap3A_351] : memref<13x1024x128xf32, #tpu.memory_space<vmem>>, vector<1x128x128xf32>
    %swap3A_353 = vector.shape_cast %swap3A_352 : vector<1x128x128xf32> to vector<128x128xf32>
    %swap3A_354 = vector.shape_cast %transpose3A_348 : vector<128x128xf32> to vector<1x128x128xf32>
    tpu.vector_store %arg3[%swap3A_349, %swap3A_350, %swap3A_351], %swap3A_354 {strides = array<i32>} : memref<13x1024x128xf32, #tpu.memory_space<vmem>>, vector<1x128x128xf32>,
    %get3A_355 = arith.constant 2 : index
    %get3A_356 = arith.constant 256 : index
    %get3A_357 = vector.load %arg1[%get3A_355, %get3A_356] : memref<13x1024xi32, #tpu.memory_space<vmem>>, vector<1x128xi32>
    %broadcast_in_dim3A_358 = vector.shape_cast %get3A_357 : vector<1x128xi32> to vector<1x128xi32>
    %broadcast_in_dim3A_359 = vector.broadcast %broadcast_in_dim3A_358 : vector<1x128xi32> to vector<96x128xi32>
    %eq3A_360 = arith.cmpi eq, %iota3A, %broadcast_in_dim3A_359 : vector<96x128xi32>
    %jit3A_361 = arith.constant 1.000000e+00 : f32
    %jit3A_362 = arith.constant 0.000000e+00 : f32
    %broadcast_in_dim3A_363 = vector.broadcast %jit3A_361 : f32 to vector<96x128xf32>
    %broadcast_in_dim3A_364 = vector.broadcast %jit3A_362 : f32 to vector<96x128xf32>
    %select_n3A_365 = arith.select %eq3A_360, %broadcast_in_dim3A_363, %broadcast_in_dim3A_364 : vector<96x128xi1>, vector<96x128xf32>
    %dot_general3A_366 = arith.constant dense<0.000000e+00> : vector<128x128xf32>
    %dot_general3A_367 = tpu.matmul %get3A_1, %select_n3A_365, %dot_general3A_366 {dimension_numbers = #tpu.dot_dimension_numbers<[1], [0], [0], [1], [0, 0, 1, 1], [], []>, transpose_lhs_hint = false} : vector<128x96xf32>, vector<96x128xf32>, vector<128x128xf32> -> vector<128x128xf32>
    %transpose3A_368 = tpu.transpose %dot_general3A_367, [1, 0] : vector<128x128xf32> -> vector<128x128xf32>
    %swap3A_369 = arith.constant 2 : index
    %swap3A_370 = arith.constant 256 : index
    %swap3A_371 = arith.constant 0 : index
    %swap3A_372 = vector.load %arg3[%swap3A_369, %swap3A_370, %swap3A_371] : memref<13x1024x128xf32, #tpu.memory_space<vmem>>, vector<1x128x128xf32>
    %swap3A_373 = vector.shape_cast %swap3A_372 : vector<1x128x128xf32> to vector<128x128xf32>
    %swap3A_374 = vector.shape_cast %transpose3A_368 : vector<128x128xf32> to vector<1x128x128xf32>
    tpu.vector_store %arg3[%swap3A_369, %swap3A_370, %swap3A_371], %swap3A_374 {strides = array<i32>} : memref<13x1024x128xf32, #tpu.memory_space<vmem>>, vector<1x128x128xf32>,
    %get3A_375 = arith.constant 2 : index
    %get3A_376 = arith.constant 384 : index
    %get3A_377 = vector.load %arg1[%get3A_375, %get3A_376] : memref<13x1024xi32, #tpu.memory_space<vmem>>, vector<1x128xi32>
    %broadcast_in_dim3A_378 = vector.shape_cast %get3A_377 : vector<1x128xi32> to vector<1x128xi32>
    %broadcast_in_dim3A_379 = vector.broadcast %broadcast_in_dim3A_378 : vector<1x128xi32> to vector<96x128xi32>
    %eq3A_380 = arith.cmpi eq, %iota3A, %broadcast_in_dim3A_379 : vector<96x128xi32>
    %jit3A_381 = arith.constant 1.000000e+00 : f32
    %jit3A_382 = arith.constant 0.000000e+00 : f32
    %broadcast_in_dim3A_383 = vector.broadcast %jit3A_381 : f32 to vector<96x128xf32>
    %broadcast_in_dim3A_384 = vector.broadcast %jit3A_382 : f32 to vector<96x128xf32>
    %select_n3A_385 = arith.select %eq3A_380, %broadcast_in_dim3A_383, %broadcast_in_dim3A_384 : vector<96x128xi1>, vector<96x128xf32>
    %dot_general3A_386 = arith.constant dense<0.000000e+00> : vector<128x128xf32>
    %dot_general3A_387 = tpu.matmul %get3A_1, %select_n3A_385, %dot_general3A_386 {dimension_numbers = #tpu.dot_dimension_numbers<[1], [0], [0], [1], [0, 0, 1, 1], [], []>, transpose_lhs_hint = false} : vector<128x96xf32>, vector<96x128xf32>, vector<128x128xf32> -> vector<128x128xf32>
    %transpose3A_388 = tpu.transpose %dot_general3A_387, [1, 0] : vector<128x128xf32> -> vector<128x128xf32>
    %swap3A_389 = arith.constant 2 : index
    %swap3A_390 = arith.constant 384 : index
    %swap3A_391 = arith.constant 0 : index
    %swap3A_392 = vector.load %arg3[%swap3A_389, %swap3A_390, %swap3A_391] : memref<13x1024x128xf32, #tpu.memory_space<vmem>>, vector<1x128x128xf32>
    %swap3A_393 = vector.shape_cast %swap3A_392 : vector<1x128x128xf32> to vector<128x128xf32>
    %swap3A_394 = vector.shape_cast %transpose3A_388 : vector<128x128xf32> to vector<1x128x128xf32>
    tpu.vector_store %arg3[%swap3A_389, %swap3A_390, %swap3A_391], %swap3A_394 {strides = array<i32>} : memref<13x1024x128xf32, #tpu.memory_space<vmem>>, vector<1x128x128xf32>,
    %get3A_395 = arith.constant 2 : index
    %get3A_396 = arith.constant 512 : index
    %get3A_397 = vector.load %arg1[%get3A_395, %get3A_396] : memref<13x1024xi32, #tpu.memory_space<vmem>>, vector<1x128xi32>
    %broadcast_in_dim3A_398 = vector.shape_cast %get3A_397 : vector<1x128xi32> to vector<1x128xi32>
    %broadcast_in_dim3A_399 = vector.broadcast %broadcast_in_dim3A_398 : vector<1x128xi32> to vector<96x128xi32>
    %eq3A_400 = arith.cmpi eq, %iota3A, %broadcast_in_dim3A_399 : vector<96x128xi32>
    %jit3A_401 = arith.constant 1.000000e+00 : f32
    %jit3A_402 = arith.constant 0.000000e+00 : f32
    %broadcast_in_dim3A_403 = vector.broadcast %jit3A_401 : f32 to vector<96x128xf32>
    %broadcast_in_dim3A_404 = vector.broadcast %jit3A_402 : f32 to vector<96x128xf32>
    %select_n3A_405 = arith.select %eq3A_400, %broadcast_in_dim3A_403, %broadcast_in_dim3A_404 : vector<96x128xi1>, vector<96x128xf32>
    %dot_general3A_406 = arith.constant dense<0.000000e+00> : vector<128x128xf32>
    %dot_general3A_407 = tpu.matmul %get3A_1, %select_n3A_405, %dot_general3A_406 {dimension_numbers = #tpu.dot_dimension_numbers<[1], [0], [0], [1], [0, 0, 1, 1], [], []>, transpose_lhs_hint = false} : vector<128x96xf32>, vector<96x128xf32>, vector<128x128xf32> -> vector<128x128xf32>
    %transpose3A_408 = tpu.transpose %dot_general3A_407, [1, 0] : vector<128x128xf32> -> vector<128x128xf32>
    %swap3A_409 = arith.constant 2 : index
    %swap3A_410 = arith.constant 512 : index
    %swap3A_411 = arith.constant 0 : index
    %swap3A_412 = vector.load %arg3[%swap3A_409, %swap3A_410, %swap3A_411] : memref<13x1024x128xf32, #tpu.memory_space<vmem>>, vector<1x128x128xf32>
    %swap3A_413 = vector.shape_cast %swap3A_412 : vector<1x128x128xf32> to vector<128x128xf32>
    %swap3A_414 = vector.shape_cast %transpose3A_408 : vector<128x128xf32> to vector<1x128x128xf32>
    tpu.vector_store %arg3[%swap3A_409, %swap3A_410, %swap3A_411], %swap3A_414 {strides = array<i32>} : memref<13x1024x128xf32, #tpu.memory_space<vmem>>, vector<1x128x128xf32>,
    %get3A_415 = arith.constant 2 : index
    %get3A_416 = arith.constant 640 : index
    %get3A_417 = vector.load %arg1[%get3A_415, %get3A_416] : memref<13x1024xi32, #tpu.memory_space<vmem>>, vector<1x128xi32>
    %broadcast_in_dim3A_418 = vector.shape_cast %get3A_417 : vector<1x128xi32> to vector<1x128xi32>
    %broadcast_in_dim3A_419 = vector.broadcast %broadcast_in_dim3A_418 : vector<1x128xi32> to vector<96x128xi32>
    %eq3A_420 = arith.cmpi eq, %iota3A, %broadcast_in_dim3A_419 : vector<96x128xi32>
    %jit3A_421 = arith.constant 1.000000e+00 : f32
    %jit3A_422 = arith.constant 0.000000e+00 : f32
    %broadcast_in_dim3A_423 = vector.broadcast %jit3A_421 : f32 to vector<96x128xf32>
    %broadcast_in_dim3A_424 = vector.broadcast %jit3A_422 : f32 to vector<96x128xf32>
    %select_n3A_425 = arith.select %eq3A_420, %broadcast_in_dim3A_423, %broadcast_in_dim3A_424 : vector<96x128xi1>, vector<96x128xf32>
    %dot_general3A_426 = arith.constant dense<0.000000e+00> : vector<128x128xf32>
    %dot_general3A_427 = tpu.matmul %get3A_1, %select_n3A_425, %dot_general3A_426 {dimension_numbers = #tpu.dot_dimension_numbers<[1], [0], [0], [1], [0, 0, 1, 1], [], []>, transpose_lhs_hint = false} : vector<128x96xf32>, vector<96x128xf32>, vector<128x128xf32> -> vector<128x128xf32>
    %transpose3A_428 = tpu.transpose %dot_general3A_427, [1, 0] : vector<128x128xf32> -> vector<128x128xf32>
    %swap3A_429 = arith.constant 2 : index
    %swap3A_430 = arith.constant 640 : index
    %swap3A_431 = arith.constant 0 : index
    %swap3A_432 = vector.load %arg3[%swap3A_429, %swap3A_430, %swap3A_431] : memref<13x1024x128xf32, #tpu.memory_space<vmem>>, vector<1x128x128xf32>
    %swap3A_433 = vector.shape_cast %swap3A_432 : vector<1x128x128xf32> to vector<128x128xf32>
    %swap3A_434 = vector.shape_cast %transpose3A_428 : vector<128x128xf32> to vector<1x128x128xf32>
    tpu.vector_store %arg3[%swap3A_429, %swap3A_430, %swap3A_431], %swap3A_434 {strides = array<i32>} : memref<13x1024x128xf32, #tpu.memory_space<vmem>>, vector<1x128x128xf32>,
    %get3A_435 = arith.constant 2 : index
    %get3A_436 = arith.constant 768 : index
    %get3A_437 = vector.load %arg1[%get3A_435, %get3A_436] : memref<13x1024xi32, #tpu.memory_space<vmem>>, vector<1x128xi32>
    %broadcast_in_dim3A_438 = vector.shape_cast %get3A_437 : vector<1x128xi32> to vector<1x128xi32>
    %broadcast_in_dim3A_439 = vector.broadcast %broadcast_in_dim3A_438 : vector<1x128xi32> to vector<96x128xi32>
    %eq3A_440 = arith.cmpi eq, %iota3A, %broadcast_in_dim3A_439 : vector<96x128xi32>
    %jit3A_441 = arith.constant 1.000000e+00 : f32
    %jit3A_442 = arith.constant 0.000000e+00 : f32
    %broadcast_in_dim3A_443 = vector.broadcast %jit3A_441 : f32 to vector<96x128xf32>
    %broadcast_in_dim3A_444 = vector.broadcast %jit3A_442 : f32 to vector<96x128xf32>
    %select_n3A_445 = arith.select %eq3A_440, %broadcast_in_dim3A_443, %broadcast_in_dim3A_444 : vector<96x128xi1>, vector<96x128xf32>
    %dot_general3A_446 = arith.constant dense<0.000000e+00> : vector<128x128xf32>
    %dot_general3A_447 = tpu.matmul %get3A_1, %select_n3A_445, %dot_general3A_446 {dimension_numbers = #tpu.dot_dimension_numbers<[1], [0], [0], [1], [0, 0, 1, 1], [], []>, transpose_lhs_hint = false} : vector<128x96xf32>, vector<96x128xf32>, vector<128x128xf32> -> vector<128x128xf32>
    %transpose3A_448 = tpu.transpose %dot_general3A_447, [1, 0] : vector<128x128xf32> -> vector<128x128xf32>
    %swap3A_449 = arith.constant 2 : index
    %swap3A_450 = arith.constant 768 : index
    %swap3A_451 = arith.constant 0 : index
    %swap3A_452 = vector.load %arg3[%swap3A_449, %swap3A_450, %swap3A_451] : memref<13x1024x128xf32, #tpu.memory_space<vmem>>, vector<1x128x128xf32>
    %swap3A_453 = vector.shape_cast %swap3A_452 : vector<1x128x128xf32> to vector<128x128xf32>
    %swap3A_454 = vector.shape_cast %transpose3A_448 : vector<128x128xf32> to vector<1x128x128xf32>
    tpu.vector_store %arg3[%swap3A_449, %swap3A_450, %swap3A_451], %swap3A_454 {strides = array<i32>} : memref<13x1024x128xf32, #tpu.memory_space<vmem>>, vector<1x128x128xf32>,
    %get3A_455 = arith.constant 2 : index
    %get3A_456 = arith.constant 896 : index
    %get3A_457 = vector.load %arg1[%get3A_455, %get3A_456] : memref<13x1024xi32, #tpu.memory_space<vmem>>, vector<1x128xi32>
    %broadcast_in_dim3A_458 = vector.shape_cast %get3A_457 : vector<1x128xi32> to vector<1x128xi32>
    %broadcast_in_dim3A_459 = vector.broadcast %broadcast_in_dim3A_458 : vector<1x128xi32> to vector<96x128xi32>
    %eq3A_460 = arith.cmpi eq, %iota3A, %broadcast_in_dim3A_459 : vector<96x128xi32>
    %jit3A_461 = arith.constant 1.000000e+00 : f32
    %jit3A_462 = arith.constant 0.000000e+00 : f32
    %broadcast_in_dim3A_463 = vector.broadcast %jit3A_461 : f32 to vector<96x128xf32>
    %broadcast_in_dim3A_464 = vector.broadcast %jit3A_462 : f32 to vector<96x128xf32>
    %select_n3A_465 = arith.select %eq3A_460, %broadcast_in_dim3A_463, %broadcast_in_dim3A_464 : vector<96x128xi1>, vector<96x128xf32>
    %dot_general3A_466 = arith.constant dense<0.000000e+00> : vector<128x128xf32>
    %dot_general3A_467 = tpu.matmul %get3A_1, %select_n3A_465, %dot_general3A_466 {dimension_numbers = #tpu.dot_dimension_numbers<[1], [0], [0], [1], [0, 0, 1, 1], [], []>, transpose_lhs_hint = false} : vector<128x96xf32>, vector<96x128xf32>, vector<128x128xf32> -> vector<128x128xf32>
    %transpose3A_468 = tpu.transpose %dot_general3A_467, [1, 0] : vector<128x128xf32> -> vector<128x128xf32>
    %swap3A_469 = arith.constant 2 : index
    %swap3A_470 = arith.constant 896 : index
    %swap3A_471 = arith.constant 0 : index
    %swap3A_472 = vector.load %arg3[%swap3A_469, %swap3A_470, %swap3A_471] : memref<13x1024x128xf32, #tpu.memory_space<vmem>>, vector<1x128x128xf32>
    %swap3A_473 = vector.shape_cast %swap3A_472 : vector<1x128x128xf32> to vector<128x128xf32>
    %swap3A_474 = vector.shape_cast %transpose3A_468 : vector<128x128xf32> to vector<1x128x128xf32>
    tpu.vector_store %arg3[%swap3A_469, %swap3A_470, %swap3A_471], %swap3A_474 {strides = array<i32>} : memref<13x1024x128xf32, #tpu.memory_space<vmem>>, vector<1x128x128xf32>,
    %get3A_475 = arith.constant 3 : index
    %get3A_476 = arith.constant 0 : index
    %get3A_477 = vector.load %arg1[%get3A_475, %get3A_476] : memref<13x1024xi32, #tpu.memory_space<vmem>>, vector<1x128xi32>
    %broadcast_in_dim3A_478 = vector.shape_cast %get3A_477 : vector<1x128xi32> to vector<1x128xi32>
    %broadcast_in_dim3A_479 = vector.broadcast %broadcast_in_dim3A_478 : vector<1x128xi32> to vector<96x128xi32>
    %eq3A_480 = arith.cmpi eq, %iota3A, %broadcast_in_dim3A_479 : vector<96x128xi32>
    %jit3A_481 = arith.constant 1.000000e+00 : f32
    %jit3A_482 = arith.constant 0.000000e+00 : f32
    %broadcast_in_dim3A_483 = vector.broadcast %jit3A_481 : f32 to vector<96x128xf32>
    %broadcast_in_dim3A_484 = vector.broadcast %jit3A_482 : f32 to vector<96x128xf32>
    %select_n3A_485 = arith.select %eq3A_480, %broadcast_in_dim3A_483, %broadcast_in_dim3A_484 : vector<96x128xi1>, vector<96x128xf32>
    %dot_general3A_486 = arith.constant dense<0.000000e+00> : vector<128x128xf32>
    %dot_general3A_487 = tpu.matmul %get3A_1, %select_n3A_485, %dot_general3A_486 {dimension_numbers = #tpu.dot_dimension_numbers<[1], [0], [0], [1], [0, 0, 1, 1], [], []>, transpose_lhs_hint = false} : vector<128x96xf32>, vector<96x128xf32>, vector<128x128xf32> -> vector<128x128xf32>
    %transpose3A_488 = tpu.transpose %dot_general3A_487, [1, 0] : vector<128x128xf32> -> vector<128x128xf32>
    %swap3A_489 = arith.constant 3 : index
    %swap3A_490 = arith.constant 0 : index
    %swap3A_491 = arith.constant 0 : index
    %swap3A_492 = vector.load %arg3[%swap3A_489, %swap3A_490, %swap3A_491] : memref<13x1024x128xf32, #tpu.memory_space<vmem>>, vector<1x128x128xf32>
    %swap3A_493 = vector.shape_cast %swap3A_492 : vector<1x128x128xf32> to vector<128x128xf32>
    %swap3A_494 = vector.shape_cast %transpose3A_488 : vector<128x128xf32> to vector<1x128x128xf32>
    tpu.vector_store %arg3[%swap3A_489, %swap3A_490, %swap3A_491], %swap3A_494 {strides = array<i32>} : memref<13x1024x128xf32, #tpu.memory_space<vmem>>, vector<1x128x128xf32>,
    %get3A_495 = arith.constant 3 : index
    %get3A_496 = arith.constant 128 : index
    %get3A_497 = vector.load %arg1[%get3A_495, %get3A_496] : memref<13x1024xi32, #tpu.memory_space<vmem>>, vector<1x128xi32>
    %broadcast_in_dim3A_498 = vector.shape_cast %get3A_497 : vector<1x128xi32> to vector<1x128xi32>
    %broadcast_in_dim3A_499 = vector.broadcast %broadcast_in_dim3A_498 : vector<1x128xi32> to vector<96x128xi32>
    %eq3A_500 = arith.cmpi eq, %iota3A, %broadcast_in_dim3A_499 : vector<96x128xi32>
    %jit3A_501 = arith.constant 1.000000e+00 : f32
    %jit3A_502 = arith.constant 0.000000e+00 : f32
    %broadcast_in_dim3A_503 = vector.broadcast %jit3A_501 : f32 to vector<96x128xf32>
    %broadcast_in_dim3A_504 = vector.broadcast %jit3A_502 : f32 to vector<96x128xf32>
    %select_n3A_505 = arith.select %eq3A_500, %broadcast_in_dim3A_503, %broadcast_in_dim3A_504 : vector<96x128xi1>, vector<96x128xf32>
    %dot_general3A_506 = arith.constant dense<0.000000e+00> : vector<128x128xf32>
    %dot_general3A_507 = tpu.matmul %get3A_1, %select_n3A_505, %dot_general3A_506 {dimension_numbers = #tpu.dot_dimension_numbers<[1], [0], [0], [1], [0, 0, 1, 1], [], []>, transpose_lhs_hint = false} : vector<128x96xf32>, vector<96x128xf32>, vector<128x128xf32> -> vector<128x128xf32>
    %transpose3A_508 = tpu.transpose %dot_general3A_507, [1, 0] : vector<128x128xf32> -> vector<128x128xf32>
    %swap3A_509 = arith.constant 3 : index
    %swap3A_510 = arith.constant 128 : index
    %swap3A_511 = arith.constant 0 : index
    %swap3A_512 = vector.load %arg3[%swap3A_509, %swap3A_510, %swap3A_511] : memref<13x1024x128xf32, #tpu.memory_space<vmem>>, vector<1x128x128xf32>
    %swap3A_513 = vector.shape_cast %swap3A_512 : vector<1x128x128xf32> to vector<128x128xf32>
    %swap3A_514 = vector.shape_cast %transpose3A_508 : vector<128x128xf32> to vector<1x128x128xf32>
    tpu.vector_store %arg3[%swap3A_509, %swap3A_510, %swap3A_511], %swap3A_514 {strides = array<i32>} : memref<13x1024x128xf32, #tpu.memory_space<vmem>>, vector<1x128x128xf32>,
    %get3A_515 = arith.constant 3 : index
    %get3A_516 = arith.constant 256 : index
    %get3A_517 = vector.load %arg1[%get3A_515, %get3A_516] : memref<13x1024xi32, #tpu.memory_space<vmem>>, vector<1x128xi32>
    %broadcast_in_dim3A_518 = vector.shape_cast %get3A_517 : vector<1x128xi32> to vector<1x128xi32>
    %broadcast_in_dim3A_519 = vector.broadcast %broadcast_in_dim3A_518 : vector<1x128xi32> to vector<96x128xi32>
    %eq3A_520 = arith.cmpi eq, %iota3A, %broadcast_in_dim3A_519 : vector<96x128xi32>
    %jit3A_521 = arith.constant 1.000000e+00 : f32
    %jit3A_522 = arith.constant 0.000000e+00 : f32
    %broadcast_in_dim3A_523 = vector.broadcast %jit3A_521 : f32 to vector<96x128xf32>
    %broadcast_in_dim3A_524 = vector.broadcast %jit3A_522 : f32 to vector<96x128xf32>
    %select_n3A_525 = arith.select %eq3A_520, %broadcast_in_dim3A_523, %broadcast_in_dim3A_524 : vector<96x128xi1>, vector<96x128xf32>
    %dot_general3A_526 = arith.constant dense<0.000000e+00> : vector<128x128xf32>
    %dot_general3A_527 = tpu.matmul %get3A_1, %select_n3A_525, %dot_general3A_526 {dimension_numbers = #tpu.dot_dimension_numbers<[1], [0], [0], [1], [0, 0, 1, 1], [], []>, transpose_lhs_hint = false} : vector<128x96xf32>, vector<96x128xf32>, vector<128x128xf32> -> vector<128x128xf32>
    %transpose3A_528 = tpu.transpose %dot_general3A_527, [1, 0] : vector<128x128xf32> -> vector<128x128xf32>
    %swap3A_529 = arith.constant 3 : index
    %swap3A_530 = arith.constant 256 : index
    %swap3A_531 = arith.constant 0 : index
    %swap3A_532 = vector.load %arg3[%swap3A_529, %swap3A_530, %swap3A_531] : memref<13x1024x128xf32, #tpu.memory_space<vmem>>, vector<1x128x128xf32>
    %swap3A_533 = vector.shape_cast %swap3A_532 : vector<1x128x128xf32> to vector<128x128xf32>
    %swap3A_534 = vector.shape_cast %transpose3A_528 : vector<128x128xf32> to vector<1x128x128xf32>
    tpu.vector_store %arg3[%swap3A_529, %swap3A_530, %swap3A_531], %swap3A_534 {strides = array<i32>} : memref<13x1024x128xf32, #tpu.memory_space<vmem>>, vector<1x128x128xf32>,
    %get3A_535 = arith.constant 3 : index
    %get3A_536 = arith.constant 384 : index
    %get3A_537 = vector.load %arg1[%get3A_535, %get3A_536] : memref<13x1024xi32, #tpu.memory_space<vmem>>, vector<1x128xi32>
    %broadcast_in_dim3A_538 = vector.shape_cast %get3A_537 : vector<1x128xi32> to vector<1x128xi32>
    %broadcast_in_dim3A_539 = vector.broadcast %broadcast_in_dim3A_538 : vector<1x128xi32> to vector<96x128xi32>
    %eq3A_540 = arith.cmpi eq, %iota3A, %broadcast_in_dim3A_539 : vector<96x128xi32>
    %jit3A_541 = arith.constant 1.000000e+00 : f32
    %jit3A_542 = arith.constant 0.000000e+00 : f32
    %broadcast_in_dim3A_543 = vector.broadcast %jit3A_541 : f32 to vector<96x128xf32>
    %broadcast_in_dim3A_544 = vector.broadcast %jit3A_542 : f32 to vector<96x128xf32>
    %select_n3A_545 = arith.select %eq3A_540, %broadcast_in_dim3A_543, %broadcast_in_dim3A_544 : vector<96x128xi1>, vector<96x128xf32>
    %dot_general3A_546 = arith.constant dense<0.000000e+00> : vector<128x128xf32>
    %dot_general3A_547 = tpu.matmul %get3A_1, %select_n3A_545, %dot_general3A_546 {dimension_numbers = #tpu.dot_dimension_numbers<[1], [0], [0], [1], [0, 0, 1, 1], [], []>, transpose_lhs_hint = false} : vector<128x96xf32>, vector<96x128xf32>, vector<128x128xf32> -> vector<128x128xf32>
    %transpose3A_548 = tpu.transpose %dot_general3A_547, [1, 0] : vector<128x128xf32> -> vector<128x128xf32>
    %swap3A_549 = arith.constant 3 : index
    %swap3A_550 = arith.constant 384 : index
    %swap3A_551 = arith.constant 0 : index
    %swap3A_552 = vector.load %arg3[%swap3A_549, %swap3A_550, %swap3A_551] : memref<13x1024x128xf32, #tpu.memory_space<vmem>>, vector<1x128x128xf32>
    %swap3A_553 = vector.shape_cast %swap3A_552 : vector<1x128x128xf32> to vector<128x128xf32>
    %swap3A_554 = vector.shape_cast %transpose3A_548 : vector<128x128xf32> to vector<1x128x128xf32>
    tpu.vector_store %arg3[%swap3A_549, %swap3A_550, %swap3A_551], %swap3A_554 {strides = array<i32>} : memref<13x1024x128xf32, #tpu.memory_space<vmem>>, vector<1x128x128xf32>,
    %get3A_555 = arith.constant 3 : index
    %get3A_556 = arith.constant 512 : index
    %get3A_557 = vector.load %arg1[%get3A_555, %get3A_556] : memref<13x1024xi32, #tpu.memory_space<vmem>>, vector<1x128xi32>
    %broadcast_in_dim3A_558 = vector.shape_cast %get3A_557 : vector<1x128xi32> to vector<1x128xi32>
    %broadcast_in_dim3A_559 = vector.broadcast %broadcast_in_dim3A_558 : vector<1x128xi32> to vector<96x128xi32>
    %eq3A_560 = arith.cmpi eq, %iota3A, %broadcast_in_dim3A_559 : vector<96x128xi32>
    %jit3A_561 = arith.constant 1.000000e+00 : f32
    %jit3A_562 = arith.constant 0.000000e+00 : f32
    %broadcast_in_dim3A_563 = vector.broadcast %jit3A_561 : f32 to vector<96x128xf32>
    %broadcast_in_dim3A_564 = vector.broadcast %jit3A_562 : f32 to vector<96x128xf32>
    %select_n3A_565 = arith.select %eq3A_560, %broadcast_in_dim3A_563, %broadcast_in_dim3A_564 : vector<96x128xi1>, vector<96x128xf32>
    %dot_general3A_566 = arith.constant dense<0.000000e+00> : vector<128x128xf32>
    %dot_general3A_567 = tpu.matmul %get3A_1, %select_n3A_565, %dot_general3A_566 {dimension_numbers = #tpu.dot_dimension_numbers<[1], [0], [0], [1], [0, 0, 1, 1], [], []>, transpose_lhs_hint = false} : vector<128x96xf32>, vector<96x128xf32>, vector<128x128xf32> -> vector<128x128xf32>
    %transpose3A_568 = tpu.transpose %dot_general3A_567, [1, 0] : vector<128x128xf32> -> vector<128x128xf32>
    %swap3A_569 = arith.constant 3 : index
    %swap3A_570 = arith.constant 512 : index
    %swap3A_571 = arith.constant 0 : index
    %swap3A_572 = vector.load %arg3[%swap3A_569, %swap3A_570, %swap3A_571] : memref<13x1024x128xf32, #tpu.memory_space<vmem>>, vector<1x128x128xf32>
    %swap3A_573 = vector.shape_cast %swap3A_572 : vector<1x128x128xf32> to vector<128x128xf32>
    %swap3A_574 = vector.shape_cast %transpose3A_568 : vector<128x128xf32> to vector<1x128x128xf32>
    tpu.vector_store %arg3[%swap3A_569, %swap3A_570, %swap3A_571], %swap3A_574 {strides = array<i32>} : memref<13x1024x128xf32, #tpu.memory_space<vmem>>, vector<1x128x128xf32>,
    %get3A_575 = arith.constant 3 : index
    %get3A_576 = arith.constant 640 : index
    %get3A_577 = vector.load %arg1[%get3A_575, %get3A_576] : memref<13x1024xi32, #tpu.memory_space<vmem>>, vector<1x128xi32>
    %broadcast_in_dim3A_578 = vector.shape_cast %get3A_577 : vector<1x128xi32> to vector<1x128xi32>
    %broadcast_in_dim3A_579 = vector.broadcast %broadcast_in_dim3A_578 : vector<1x128xi32> to vector<96x128xi32>
    %eq3A_580 = arith.cmpi eq, %iota3A, %broadcast_in_dim3A_579 : vector<96x128xi32>
    %jit3A_581 = arith.constant 1.000000e+00 : f32
    %jit3A_582 = arith.constant 0.000000e+00 : f32
    %broadcast_in_dim3A_583 = vector.broadcast %jit3A_581 : f32 to vector<96x128xf32>
    %broadcast_in_dim3A_584 = vector.broadcast %jit3A_582 : f32 to vector<96x128xf32>
    %select_n3A_585 = arith.select %eq3A_580, %broadcast_in_dim3A_583, %broadcast_in_dim3A_584 : vector<96x128xi1>, vector<96x128xf32>
    %dot_general3A_586 = arith.constant dense<0.000000e+00> : vector<128x128xf32>
    %dot_general3A_587 = tpu.matmul %get3A_1, %select_n3A_585, %dot_general3A_586 {dimension_numbers = #tpu.dot_dimension_numbers<[1], [0], [0], [1], [0, 0, 1, 1], [], []>, transpose_lhs_hint = false} : vector<128x96xf32>, vector<96x128xf32>, vector<128x128xf32> -> vector<128x128xf32>
    %transpose3A_588 = tpu.transpose %dot_general3A_587, [1, 0] : vector<128x128xf32> -> vector<128x128xf32>
    %swap3A_589 = arith.constant 3 : index
    %swap3A_590 = arith.constant 640 : index
    %swap3A_591 = arith.constant 0 : index
    %swap3A_592 = vector.load %arg3[%swap3A_589, %swap3A_590, %swap3A_591] : memref<13x1024x128xf32, #tpu.memory_space<vmem>>, vector<1x128x128xf32>
    %swap3A_593 = vector.shape_cast %swap3A_592 : vector<1x128x128xf32> to vector<128x128xf32>
    %swap3A_594 = vector.shape_cast %transpose3A_588 : vector<128x128xf32> to vector<1x128x128xf32>
    tpu.vector_store %arg3[%swap3A_589, %swap3A_590, %swap3A_591], %swap3A_594 {strides = array<i32>} : memref<13x1024x128xf32, #tpu.memory_space<vmem>>, vector<1x128x128xf32>,
    %get3A_595 = arith.constant 3 : index
    %get3A_596 = arith.constant 768 : index
    %get3A_597 = vector.load %arg1[%get3A_595, %get3A_596] : memref<13x1024xi32, #tpu.memory_space<vmem>>, vector<1x128xi32>
    %broadcast_in_dim3A_598 = vector.shape_cast %get3A_597 : vector<1x128xi32> to vector<1x128xi32>
    %broadcast_in_dim3A_599 = vector.broadcast %broadcast_in_dim3A_598 : vector<1x128xi32> to vector<96x128xi32>
    %eq3A_600 = arith.cmpi eq, %iota3A, %broadcast_in_dim3A_599 : vector<96x128xi32>
    %jit3A_601 = arith.constant 1.000000e+00 : f32
    %jit3A_602 = arith.constant 0.000000e+00 : f32
    %broadcast_in_dim3A_603 = vector.broadcast %jit3A_601 : f32 to vector<96x128xf32>
    %broadcast_in_dim3A_604 = vector.broadcast %jit3A_602 : f32 to vector<96x128xf32>
    %select_n3A_605 = arith.select %eq3A_600, %broadcast_in_dim3A_603, %broadcast_in_dim3A_604 : vector<96x128xi1>, vector<96x128xf32>
    %dot_general3A_606 = arith.constant dense<0.000000e+00> : vector<128x128xf32>
    %dot_general3A_607 = tpu.matmul %get3A_1, %select_n3A_605, %dot_general3A_606 {dimension_numbers = #tpu.dot_dimension_numbers<[1], [0], [0], [1], [0, 0, 1, 1], [], []>, transpose_lhs_hint = false} : vector<128x96xf32>, vector<96x128xf32>, vector<128x128xf32> -> vector<128x128xf32>
    %transpose3A_608 = tpu.transpose %dot_general3A_607, [1, 0] : vector<128x128xf32> -> vector<128x128xf32>
    %swap3A_609 = arith.constant 3 : index
    %swap3A_610 = arith.constant 768 : index
    %swap3A_611 = arith.constant 0 : index
    %swap3A_612 = vector.load %arg3[%swap3A_609, %swap3A_610, %swap3A_611] : memref<13x1024x128xf32, #tpu.memory_space<vmem>>, vector<1x128x128xf32>
    %swap3A_613 = vector.shape_cast %swap3A_612 : vector<1x128x128xf32> to vector<128x128xf32>
    %swap3A_614 = vector.shape_cast %transpose3A_608 : vector<128x128xf32> to vector<1x128x128xf32>
    tpu.vector_store %arg3[%swap3A_609, %swap3A_610, %swap3A_611], %swap3A_614 {strides = array<i32>} : memref<13x1024x128xf32, #tpu.memory_space<vmem>>, vector<1x128x128xf32>,
    %get3A_615 = arith.constant 3 : index
    %get3A_616 = arith.constant 896 : index
    %get3A_617 = vector.load %arg1[%get3A_615, %get3A_616] : memref<13x1024xi32, #tpu.memory_space<vmem>>, vector<1x128xi32>
    %broadcast_in_dim3A_618 = vector.shape_cast %get3A_617 : vector<1x128xi32> to vector<1x128xi32>
    %broadcast_in_dim3A_619 = vector.broadcast %broadcast_in_dim3A_618 : vector<1x128xi32> to vector<96x128xi32>
    %eq3A_620 = arith.cmpi eq, %iota3A, %broadcast_in_dim3A_619 : vector<96x128xi32>
    %jit3A_621 = arith.constant 1.000000e+00 : f32
    %jit3A_622 = arith.constant 0.000000e+00 : f32
    %broadcast_in_dim3A_623 = vector.broadcast %jit3A_621 : f32 to vector<96x128xf32>
    %broadcast_in_dim3A_624 = vector.broadcast %jit3A_622 : f32 to vector<96x128xf32>
    %select_n3A_625 = arith.select %eq3A_620, %broadcast_in_dim3A_623, %broadcast_in_dim3A_624 : vector<96x128xi1>, vector<96x128xf32>
    %dot_general3A_626 = arith.constant dense<0.000000e+00> : vector<128x128xf32>
    %dot_general3A_627 = tpu.matmul %get3A_1, %select_n3A_625, %dot_general3A_626 {dimension_numbers = #tpu.dot_dimension_numbers<[1], [0], [0], [1], [0, 0, 1, 1], [], []>, transpose_lhs_hint = false} : vector<128x96xf32>, vector<96x128xf32>, vector<128x128xf32> -> vector<128x128xf32>
    %transpose3A_628 = tpu.transpose %dot_general3A_627, [1, 0] : vector<128x128xf32> -> vector<128x128xf32>
    %swap3A_629 = arith.constant 3 : index
    %swap3A_630 = arith.constant 896 : index
    %swap3A_631 = arith.constant 0 : index
    %swap3A_632 = vector.load %arg3[%swap3A_629, %swap3A_630, %swap3A_631] : memref<13x1024x128xf32, #tpu.memory_space<vmem>>, vector<1x128x128xf32>
    %swap3A_633 = vector.shape_cast %swap3A_632 : vector<1x128x128xf32> to vector<128x128xf32>
    %swap3A_634 = vector.shape_cast %transpose3A_628 : vector<128x128xf32> to vector<1x128x128xf32>
    tpu.vector_store %arg3[%swap3A_629, %swap3A_630, %swap3A_631], %swap3A_634 {strides = array<i32>} : memref<13x1024x128xf32, #tpu.memory_space<vmem>>, vector<1x128x128xf32>,
    %get3A_635 = arith.constant 4 : index
    %get3A_636 = arith.constant 0 : index
    %get3A_637 = vector.load %arg1[%get3A_635, %get3A_636] : memref<13x1024xi32, #tpu.memory_space<vmem>>, vector<1x128xi32>
    %broadcast_in_dim3A_638 = vector.shape_cast %get3A_637 : vector<1x128xi32> to vector<1x128xi32>
    %broadcast_in_dim3A_639 = vector.broadcast %broadcast_in_dim3A_638 : vector<1x128xi32> to vector<96x128xi32>
    %eq3A_640 = arith.cmpi eq, %iota3A, %broadcast_in_dim3A_639 : vector<96x128xi32>
    %jit3A_641 = arith.constant 1.000000e+00 : f32
    %jit3A_642 = arith.constant 0.000000e+00 : f32
    %broadcast_in_dim3A_643 = vector.broadcast %jit3A_641 : f32 to vector<96x128xf32>
    %broadcast_in_dim3A_644 = vector.broadcast %jit3A_642 : f32 to vector<96x128xf32>
    %select_n3A_645 = arith.select %eq3A_640, %broadcast_in_dim3A_643, %broadcast_in_dim3A_644 : vector<96x128xi1>, vector<96x128xf32>
    %dot_general3A_646 = arith.constant dense<0.000000e+00> : vector<128x128xf32>
    %dot_general3A_647 = tpu.matmul %get3A_1, %select_n3A_645, %dot_general3A_646 {dimension_numbers = #tpu.dot_dimension_numbers<[1], [0], [0], [1], [0, 0, 1, 1], [], []>, transpose_lhs_hint = false} : vector<128x96xf32>, vector<96x128xf32>, vector<128x128xf32> -> vector<128x128xf32>
    %transpose3A_648 = tpu.transpose %dot_general3A_647, [1, 0] : vector<128x128xf32> -> vector<128x128xf32>
    %swap3A_649 = arith.constant 4 : index
    %swap3A_650 = arith.constant 0 : index
    %swap3A_651 = arith.constant 0 : index
    %swap3A_652 = vector.load %arg3[%swap3A_649, %swap3A_650, %swap3A_651] : memref<13x1024x128xf32, #tpu.memory_space<vmem>>, vector<1x128x128xf32>
    %swap3A_653 = vector.shape_cast %swap3A_652 : vector<1x128x128xf32> to vector<128x128xf32>
    %swap3A_654 = vector.shape_cast %transpose3A_648 : vector<128x128xf32> to vector<1x128x128xf32>
    tpu.vector_store %arg3[%swap3A_649, %swap3A_650, %swap3A_651], %swap3A_654 {strides = array<i32>} : memref<13x1024x128xf32, #tpu.memory_space<vmem>>, vector<1x128x128xf32>,
    %get3A_655 = arith.constant 4 : index
    %get3A_656 = arith.constant 128 : index
    %get3A_657 = vector.load %arg1[%get3A_655, %get3A_656] : memref<13x1024xi32, #tpu.memory_space<vmem>>, vector<1x128xi32>
    %broadcast_in_dim3A_658 = vector.shape_cast %get3A_657 : vector<1x128xi32> to vector<1x128xi32>
    %broadcast_in_dim3A_659 = vector.broadcast %broadcast_in_dim3A_658 : vector<1x128xi32> to vector<96x128xi32>
    %eq3A_660 = arith.cmpi eq, %iota3A, %broadcast_in_dim3A_659 : vector<96x128xi32>
    %jit3A_661 = arith.constant 1.000000e+00 : f32
    %jit3A_662 = arith.constant 0.000000e+00 : f32
    %broadcast_in_dim3A_663 = vector.broadcast %jit3A_661 : f32 to vector<96x128xf32>
    %broadcast_in_dim3A_664 = vector.broadcast %jit3A_662 : f32 to vector<96x128xf32>
    %select_n3A_665 = arith.select %eq3A_660, %broadcast_in_dim3A_663, %broadcast_in_dim3A_664 : vector<96x128xi1>, vector<96x128xf32>
    %dot_general3A_666 = arith.constant dense<0.000000e+00> : vector<128x128xf32>
    %dot_general3A_667 = tpu.matmul %get3A_1, %select_n3A_665, %dot_general3A_666 {dimension_numbers = #tpu.dot_dimension_numbers<[1], [0], [0], [1], [0, 0, 1, 1], [], []>, transpose_lhs_hint = false} : vector<128x96xf32>, vector<96x128xf32>, vector<128x128xf32> -> vector<128x128xf32>
    %transpose3A_668 = tpu.transpose %dot_general3A_667, [1, 0] : vector<128x128xf32> -> vector<128x128xf32>
    %swap3A_669 = arith.constant 4 : index
    %swap3A_670 = arith.constant 128 : index
    %swap3A_671 = arith.constant 0 : index
    %swap3A_672 = vector.load %arg3[%swap3A_669, %swap3A_670, %swap3A_671] : memref<13x1024x128xf32, #tpu.memory_space<vmem>>, vector<1x128x128xf32>
    %swap3A_673 = vector.shape_cast %swap3A_672 : vector<1x128x128xf32> to vector<128x128xf32>
    %swap3A_674 = vector.shape_cast %transpose3A_668 : vector<128x128xf32> to vector<1x128x128xf32>
    tpu.vector_store %arg3[%swap3A_669, %swap3A_670, %swap3A_671], %swap3A_674 {strides = array<i32>} : memref<13x1024x128xf32, #tpu.memory_space<vmem>>, vector<1x128x128xf32>,
    %get3A_675 = arith.constant 4 : index
    %get3A_676 = arith.constant 256 : index
    %get3A_677 = vector.load %arg1[%get3A_675, %get3A_676] : memref<13x1024xi32, #tpu.memory_space<vmem>>, vector<1x128xi32>
    %broadcast_in_dim3A_678 = vector.shape_cast %get3A_677 : vector<1x128xi32> to vector<1x128xi32>
    %broadcast_in_dim3A_679 = vector.broadcast %broadcast_in_dim3A_678 : vector<1x128xi32> to vector<96x128xi32>
    %eq3A_680 = arith.cmpi eq, %iota3A, %broadcast_in_dim3A_679 : vector<96x128xi32>
    %jit3A_681 = arith.constant 1.000000e+00 : f32
    %jit3A_682 = arith.constant 0.000000e+00 : f32
    %broadcast_in_dim3A_683 = vector.broadcast %jit3A_681 : f32 to vector<96x128xf32>
    %broadcast_in_dim3A_684 = vector.broadcast %jit3A_682 : f32 to vector<96x128xf32>
    %select_n3A_685 = arith.select %eq3A_680, %broadcast_in_dim3A_683, %broadcast_in_dim3A_684 : vector<96x128xi1>, vector<96x128xf32>
    %dot_general3A_686 = arith.constant dense<0.000000e+00> : vector<128x128xf32>
    %dot_general3A_687 = tpu.matmul %get3A_1, %select_n3A_685, %dot_general3A_686 {dimension_numbers = #tpu.dot_dimension_numbers<[1], [0], [0], [1], [0, 0, 1, 1], [], []>, transpose_lhs_hint = false} : vector<128x96xf32>, vector<96x128xf32>, vector<128x128xf32> -> vector<128x128xf32>
    %transpose3A_688 = tpu.transpose %dot_general3A_687, [1, 0] : vector<128x128xf32> -> vector<128x128xf32>
    %swap3A_689 = arith.constant 4 : index
    %swap3A_690 = arith.constant 256 : index
    %swap3A_691 = arith.constant 0 : index
    %swap3A_692 = vector.load %arg3[%swap3A_689, %swap3A_690, %swap3A_691] : memref<13x1024x128xf32, #tpu.memory_space<vmem>>, vector<1x128x128xf32>
    %swap3A_693 = vector.shape_cast %swap3A_692 : vector<1x128x128xf32> to vector<128x128xf32>
    %swap3A_694 = vector.shape_cast %transpose3A_688 : vector<128x128xf32> to vector<1x128x128xf32>
    tpu.vector_store %arg3[%swap3A_689, %swap3A_690, %swap3A_691], %swap3A_694 {strides = array<i32>} : memref<13x1024x128xf32, #tpu.memory_space<vmem>>, vector<1x128x128xf32>,
    %get3A_695 = arith.constant 4 : index
    %get3A_696 = arith.constant 384 : index
    %get3A_697 = vector.load %arg1[%get3A_695, %get3A_696] : memref<13x1024xi32, #tpu.memory_space<vmem>>, vector<1x128xi32>
    %broadcast_in_dim3A_698 = vector.shape_cast %get3A_697 : vector<1x128xi32> to vector<1x128xi32>
    %broadcast_in_dim3A_699 = vector.broadcast %broadcast_in_dim3A_698 : vector<1x128xi32> to vector<96x128xi32>
    %eq3A_700 = arith.cmpi eq, %iota3A, %broadcast_in_dim3A_699 : vector<96x128xi32>
    %jit3A_701 = arith.constant 1.000000e+00 : f32
    %jit3A_702 = arith.constant 0.000000e+00 : f32
    %broadcast_in_dim3A_703 = vector.broadcast %jit3A_701 : f32 to vector<96x128xf32>
    %broadcast_in_dim3A_704 = vector.broadcast %jit3A_702 : f32 to vector<96x128xf32>
    %select_n3A_705 = arith.select %eq3A_700, %broadcast_in_dim3A_703, %broadcast_in_dim3A_704 : vector<96x128xi1>, vector<96x128xf32>
    %dot_general3A_706 = arith.constant dense<0.000000e+00> : vector<128x128xf32>
    %dot_general3A_707 = tpu.matmul %get3A_1, %select_n3A_705, %dot_general3A_706 {dimension_numbers = #tpu.dot_dimension_numbers<[1], [0], [0], [1], [0, 0, 1, 1], [], []>, transpose_lhs_hint = false} : vector<128x96xf32>, vector<96x128xf32>, vector<128x128xf32> -> vector<128x128xf32>
    %transpose3A_708 = tpu.transpose %dot_general3A_707, [1, 0] : vector<128x128xf32> -> vector<128x128xf32>
    %swap3A_709 = arith.constant 4 : index
    %swap3A_710 = arith.constant 384 : index
    %swap3A_711 = arith.constant 0 : index
    %swap3A_712 = vector.load %arg3[%swap3A_709, %swap3A_710, %swap3A_711] : memref<13x1024x128xf32, #tpu.memory_space<vmem>>, vector<1x128x128xf32>
    %swap3A_713 = vector.shape_cast %swap3A_712 : vector<1x128x128xf32> to vector<128x128xf32>
    %swap3A_714 = vector.shape_cast %transpose3A_708 : vector<128x128xf32> to vector<1x128x128xf32>
    tpu.vector_store %arg3[%swap3A_709, %swap3A_710, %swap3A_711], %swap3A_714 {strides = array<i32>} : memref<13x1024x128xf32, #tpu.memory_space<vmem>>, vector<1x128x128xf32>,
    %get3A_715 = arith.constant 4 : index
    %get3A_716 = arith.constant 512 : index
    %get3A_717 = vector.load %arg1[%get3A_715, %get3A_716] : memref<13x1024xi32, #tpu.memory_space<vmem>>, vector<1x128xi32>
    %broadcast_in_dim3A_718 = vector.shape_cast %get3A_717 : vector<1x128xi32> to vector<1x128xi32>
    %broadcast_in_dim3A_719 = vector.broadcast %broadcast_in_dim3A_718 : vector<1x128xi32> to vector<96x128xi32>
    %eq3A_720 = arith.cmpi eq, %iota3A, %broadcast_in_dim3A_719 : vector<96x128xi32>
    %jit3A_721 = arith.constant 1.000000e+00 : f32
    %jit3A_722 = arith.constant 0.000000e+00 : f32
    %broadcast_in_dim3A_723 = vector.broadcast %jit3A_721 : f32 to vector<96x128xf32>
    %broadcast_in_dim3A_724 = vector.broadcast %jit3A_722 : f32 to vector<96x128xf32>
    %select_n3A_725 = arith.select %eq3A_720, %broadcast_in_dim3A_723, %broadcast_in_dim3A_724 : vector<96x128xi1>, vector<96x128xf32>
    %dot_general3A_726 = arith.constant dense<0.000000e+00> : vector<128x128xf32>
    %dot_general3A_727 = tpu.matmul %get3A_1, %select_n3A_725, %dot_general3A_726 {dimension_numbers = #tpu.dot_dimension_numbers<[1], [0], [0], [1], [0, 0, 1, 1], [], []>, transpose_lhs_hint = false} : vector<128x96xf32>, vector<96x128xf32>, vector<128x128xf32> -> vector<128x128xf32>
    %transpose3A_728 = tpu.transpose %dot_general3A_727, [1, 0] : vector<128x128xf32> -> vector<128x128xf32>
    %swap3A_729 = arith.constant 4 : index
    %swap3A_730 = arith.constant 512 : index
    %swap3A_731 = arith.constant 0 : index
    %swap3A_732 = vector.load %arg3[%swap3A_729, %swap3A_730, %swap3A_731] : memref<13x1024x128xf32, #tpu.memory_space<vmem>>, vector<1x128x128xf32>
    %swap3A_733 = vector.shape_cast %swap3A_732 : vector<1x128x128xf32> to vector<128x128xf32>
    %swap3A_734 = vector.shape_cast %transpose3A_728 : vector<128x128xf32> to vector<1x128x128xf32>
    tpu.vector_store %arg3[%swap3A_729, %swap3A_730, %swap3A_731], %swap3A_734 {strides = array<i32>} : memref<13x1024x128xf32, #tpu.memory_space<vmem>>, vector<1x128x128xf32>,
    %get3A_735 = arith.constant 4 : index
    %get3A_736 = arith.constant 640 : index
    %get3A_737 = vector.load %arg1[%get3A_735, %get3A_736] : memref<13x1024xi32, #tpu.memory_space<vmem>>, vector<1x128xi32>
    %broadcast_in_dim3A_738 = vector.shape_cast %get3A_737 : vector<1x128xi32> to vector<1x128xi32>
    %broadcast_in_dim3A_739 = vector.broadcast %broadcast_in_dim3A_738 : vector<1x128xi32> to vector<96x128xi32>
    %eq3A_740 = arith.cmpi eq, %iota3A, %broadcast_in_dim3A_739 : vector<96x128xi32>
    %jit3A_741 = arith.constant 1.000000e+00 : f32
    %jit3A_742 = arith.constant 0.000000e+00 : f32
    %broadcast_in_dim3A_743 = vector.broadcast %jit3A_741 : f32 to vector<96x128xf32>
    %broadcast_in_dim3A_744 = vector.broadcast %jit3A_742 : f32 to vector<96x128xf32>
    %select_n3A_745 = arith.select %eq3A_740, %broadcast_in_dim3A_743, %broadcast_in_dim3A_744 : vector<96x128xi1>, vector<96x128xf32>
    %dot_general3A_746 = arith.constant dense<0.000000e+00> : vector<128x128xf32>
    %dot_general3A_747 = tpu.matmul %get3A_1, %select_n3A_745, %dot_general3A_746 {dimension_numbers = #tpu.dot_dimension_numbers<[1], [0], [0], [1], [0, 0, 1, 1], [], []>, transpose_lhs_hint = false} : vector<128x96xf32>, vector<96x128xf32>, vector<128x128xf32> -> vector<128x128xf32>
    %transpose3A_748 = tpu.transpose %dot_general3A_747, [1, 0] : vector<128x128xf32> -> vector<128x128xf32>
    %swap3A_749 = arith.constant 4 : index
    %swap3A_750 = arith.constant 640 : index
    %swap3A_751 = arith.constant 0 : index
    %swap3A_752 = vector.load %arg3[%swap3A_749, %swap3A_750, %swap3A_751] : memref<13x1024x128xf32, #tpu.memory_space<vmem>>, vector<1x128x128xf32>
    %swap3A_753 = vector.shape_cast %swap3A_752 : vector<1x128x128xf32> to vector<128x128xf32>
    %swap3A_754 = vector.shape_cast %transpose3A_748 : vector<128x128xf32> to vector<1x128x128xf32>
    tpu.vector_store %arg3[%swap3A_749, %swap3A_750, %swap3A_751], %swap3A_754 {strides = array<i32>} : memref<13x1024x128xf32, #tpu.memory_space<vmem>>, vector<1x128x128xf32>,
    %get3A_755 = arith.constant 4 : index
    %get3A_756 = arith.constant 768 : index
    %get3A_757 = vector.load %arg1[%get3A_755, %get3A_756] : memref<13x1024xi32, #tpu.memory_space<vmem>>, vector<1x128xi32>
    %broadcast_in_dim3A_758 = vector.shape_cast %get3A_757 : vector<1x128xi32> to vector<1x128xi32>
    %broadcast_in_dim3A_759 = vector.broadcast %broadcast_in_dim3A_758 : vector<1x128xi32> to vector<96x128xi32>
    %eq3A_760 = arith.cmpi eq, %iota3A, %broadcast_in_dim3A_759 : vector<96x128xi32>
    %jit3A_761 = arith.constant 1.000000e+00 : f32
    %jit3A_762 = arith.constant 0.000000e+00 : f32
    %broadcast_in_dim3A_763 = vector.broadcast %jit3A_761 : f32 to vector<96x128xf32>
    %broadcast_in_dim3A_764 = vector.broadcast %jit3A_762 : f32 to vector<96x128xf32>
    %select_n3A_765 = arith.select %eq3A_760, %broadcast_in_dim3A_763, %broadcast_in_dim3A_764 : vector<96x128xi1>, vector<96x128xf32>
    %dot_general3A_766 = arith.constant dense<0.000000e+00> : vector<128x128xf32>
    %dot_general3A_767 = tpu.matmul %get3A_1, %select_n3A_765, %dot_general3A_766 {dimension_numbers = #tpu.dot_dimension_numbers<[1], [0], [0], [1], [0, 0, 1, 1], [], []>, transpose_lhs_hint = false} : vector<128x96xf32>, vector<96x128xf32>, vector<128x128xf32> -> vector<128x128xf32>
    %transpose3A_768 = tpu.transpose %dot_general3A_767, [1, 0] : vector<128x128xf32> -> vector<128x128xf32>
    %swap3A_769 = arith.constant 4 : index
    %swap3A_770 = arith.constant 768 : index
    %swap3A_771 = arith.constant 0 : index
    %swap3A_772 = vector.load %arg3[%swap3A_769, %swap3A_770, %swap3A_771] : memref<13x1024x128xf32, #tpu.memory_space<vmem>>, vector<1x128x128xf32>
    %swap3A_773 = vector.shape_cast %swap3A_772 : vector<1x128x128xf32> to vector<128x128xf32>
    %swap3A_774 = vector.shape_cast %transpose3A_768 : vector<128x128xf32> to vector<1x128x128xf32>
    tpu.vector_store %arg3[%swap3A_769, %swap3A_770, %swap3A_771], %swap3A_774 {strides = array<i32>} : memref<13x1024x128xf32, #tpu.memory_space<vmem>>, vector<1x128x128xf32>,
    %get3A_775 = arith.constant 4 : index
    %get3A_776 = arith.constant 896 : index
    %get3A_777 = vector.load %arg1[%get3A_775, %get3A_776] : memref<13x1024xi32, #tpu.memory_space<vmem>>, vector<1x128xi32>
    %broadcast_in_dim3A_778 = vector.shape_cast %get3A_777 : vector<1x128xi32> to vector<1x128xi32>
    %broadcast_in_dim3A_779 = vector.broadcast %broadcast_in_dim3A_778 : vector<1x128xi32> to vector<96x128xi32>
    %eq3A_780 = arith.cmpi eq, %iota3A, %broadcast_in_dim3A_779 : vector<96x128xi32>
    %jit3A_781 = arith.constant 1.000000e+00 : f32
    %jit3A_782 = arith.constant 0.000000e+00 : f32
    %broadcast_in_dim3A_783 = vector.broadcast %jit3A_781 : f32 to vector<96x128xf32>
    %broadcast_in_dim3A_784 = vector.broadcast %jit3A_782 : f32 to vector<96x128xf32>
    %select_n3A_785 = arith.select %eq3A_780, %broadcast_in_dim3A_783, %broadcast_in_dim3A_784 : vector<96x128xi1>, vector<96x128xf32>
    %dot_general3A_786 = arith.constant dense<0.000000e+00> : vector<128x128xf32>
    %dot_general3A_787 = tpu.matmul %get3A_1, %select_n3A_785, %dot_general3A_786 {dimension_numbers = #tpu.dot_dimension_numbers<[1], [0], [0], [1], [0, 0, 1, 1], [], []>, transpose_lhs_hint = false} : vector<128x96xf32>, vector<96x128xf32>, vector<128x128xf32> -> vector<128x128xf32>
    %transpose3A_788 = tpu.transpose %dot_general3A_787, [1, 0] : vector<128x128xf32> -> vector<128x128xf32>
    %swap3A_789 = arith.constant 4 : index
    %swap3A_790 = arith.constant 896 : index
    %swap3A_791 = arith.constant 0 : index
    %swap3A_792 = vector.load %arg3[%swap3A_789, %swap3A_790, %swap3A_791] : memref<13x1024x128xf32, #tpu.memory_space<vmem>>, vector<1x128x128xf32>
    %swap3A_793 = vector.shape_cast %swap3A_792 : vector<1x128x128xf32> to vector<128x128xf32>
    %swap3A_794 = vector.shape_cast %transpose3A_788 : vector<128x128xf32> to vector<1x128x128xf32>
    tpu.vector_store %arg3[%swap3A_789, %swap3A_790, %swap3A_791], %swap3A_794 {strides = array<i32>} : memref<13x1024x128xf32, #tpu.memory_space<vmem>>, vector<1x128x128xf32>,
    %get3A_795 = arith.constant 5 : index
    %get3A_796 = arith.constant 0 : index
    %get3A_797 = vector.load %arg1[%get3A_795, %get3A_796] : memref<13x1024xi32, #tpu.memory_space<vmem>>, vector<1x128xi32>
    %broadcast_in_dim3A_798 = vector.shape_cast %get3A_797 : vector<1x128xi32> to vector<1x128xi32>
    %broadcast_in_dim3A_799 = vector.broadcast %broadcast_in_dim3A_798 : vector<1x128xi32> to vector<96x128xi32>
    %eq3A_800 = arith.cmpi eq, %iota3A, %broadcast_in_dim3A_799 : vector<96x128xi32>
    %jit3A_801 = arith.constant 1.000000e+00 : f32
    %jit3A_802 = arith.constant 0.000000e+00 : f32
    %broadcast_in_dim3A_803 = vector.broadcast %jit3A_801 : f32 to vector<96x128xf32>
    %broadcast_in_dim3A_804 = vector.broadcast %jit3A_802 : f32 to vector<96x128xf32>
    %select_n3A_805 = arith.select %eq3A_800, %broadcast_in_dim3A_803, %broadcast_in_dim3A_804 : vector<96x128xi1>, vector<96x128xf32>
    %dot_general3A_806 = arith.constant dense<0.000000e+00> : vector<128x128xf32>
    %dot_general3A_807 = tpu.matmul %get3A_1, %select_n3A_805, %dot_general3A_806 {dimension_numbers = #tpu.dot_dimension_numbers<[1], [0], [0], [1], [0, 0, 1, 1], [], []>, transpose_lhs_hint = false} : vector<128x96xf32>, vector<96x128xf32>, vector<128x128xf32> -> vector<128x128xf32>
    %transpose3A_808 = tpu.transpose %dot_general3A_807, [1, 0] : vector<128x128xf32> -> vector<128x128xf32>
    %swap3A_809 = arith.constant 5 : index
    %swap3A_810 = arith.constant 0 : index
    %swap3A_811 = arith.constant 0 : index
    %swap3A_812 = vector.load %arg3[%swap3A_809, %swap3A_810, %swap3A_811] : memref<13x1024x128xf32, #tpu.memory_space<vmem>>, vector<1x128x128xf32>
    %swap3A_813 = vector.shape_cast %swap3A_812 : vector<1x128x128xf32> to vector<128x128xf32>
    %swap3A_814 = vector.shape_cast %transpose3A_808 : vector<128x128xf32> to vector<1x128x128xf32>
    tpu.vector_store %arg3[%swap3A_809, %swap3A_810, %swap3A_811], %swap3A_814 {strides = array<i32>} : memref<13x1024x128xf32, #tpu.memory_space<vmem>>, vector<1x128x128xf32>,
    %get3A_815 = arith.constant 5 : index
    %get3A_816 = arith.constant 128 : index
    %get3A_817 = vector.load %arg1[%get3A_815, %get3A_816] : memref<13x1024xi32, #tpu.memory_space<vmem>>, vector<1x128xi32>
    %broadcast_in_dim3A_818 = vector.shape_cast %get3A_817 : vector<1x128xi32> to vector<1x128xi32>
    %broadcast_in_dim3A_819 = vector.broadcast %broadcast_in_dim3A_818 : vector<1x128xi32> to vector<96x128xi32>
    %eq3A_820 = arith.cmpi eq, %iota3A, %broadcast_in_dim3A_819 : vector<96x128xi32>
    %jit3A_821 = arith.constant 1.000000e+00 : f32
    %jit3A_822 = arith.constant 0.000000e+00 : f32
    %broadcast_in_dim3A_823 = vector.broadcast %jit3A_821 : f32 to vector<96x128xf32>
    %broadcast_in_dim3A_824 = vector.broadcast %jit3A_822 : f32 to vector<96x128xf32>
    %select_n3A_825 = arith.select %eq3A_820, %broadcast_in_dim3A_823, %broadcast_in_dim3A_824 : vector<96x128xi1>, vector<96x128xf32>
    %dot_general3A_826 = arith.constant dense<0.000000e+00> : vector<128x128xf32>
    %dot_general3A_827 = tpu.matmul %get3A_1, %select_n3A_825, %dot_general3A_826 {dimension_numbers = #tpu.dot_dimension_numbers<[1], [0], [0], [1], [0, 0, 1, 1], [], []>, transpose_lhs_hint = false} : vector<128x96xf32>, vector<96x128xf32>, vector<128x128xf32> -> vector<128x128xf32>
    %transpose3A_828 = tpu.transpose %dot_general3A_827, [1, 0] : vector<128x128xf32> -> vector<128x128xf32>
    %swap3A_829 = arith.constant 5 : index
    %swap3A_830 = arith.constant 128 : index
    %swap3A_831 = arith.constant 0 : index
    %swap3A_832 = vector.load %arg3[%swap3A_829, %swap3A_830, %swap3A_831] : memref<13x1024x128xf32, #tpu.memory_space<vmem>>, vector<1x128x128xf32>
    %swap3A_833 = vector.shape_cast %swap3A_832 : vector<1x128x128xf32> to vector<128x128xf32>
    %swap3A_834 = vector.shape_cast %transpose3A_828 : vector<128x128xf32> to vector<1x128x128xf32>
    tpu.vector_store %arg3[%swap3A_829, %swap3A_830, %swap3A_831], %swap3A_834 {strides = array<i32>} : memref<13x1024x128xf32, #tpu.memory_space<vmem>>, vector<1x128x128xf32>,
    %get3A_835 = arith.constant 5 : index
    %get3A_836 = arith.constant 256 : index
    %get3A_837 = vector.load %arg1[%get3A_835, %get3A_836] : memref<13x1024xi32, #tpu.memory_space<vmem>>, vector<1x128xi32>
    %broadcast_in_dim3A_838 = vector.shape_cast %get3A_837 : vector<1x128xi32> to vector<1x128xi32>
    %broadcast_in_dim3A_839 = vector.broadcast %broadcast_in_dim3A_838 : vector<1x128xi32> to vector<96x128xi32>
    %eq3A_840 = arith.cmpi eq, %iota3A, %broadcast_in_dim3A_839 : vector<96x128xi32>
    %jit3A_841 = arith.constant 1.000000e+00 : f32
    %jit3A_842 = arith.constant 0.000000e+00 : f32
    %broadcast_in_dim3A_843 = vector.broadcast %jit3A_841 : f32 to vector<96x128xf32>
    %broadcast_in_dim3A_844 = vector.broadcast %jit3A_842 : f32 to vector<96x128xf32>
    %select_n3A_845 = arith.select %eq3A_840, %broadcast_in_dim3A_843, %broadcast_in_dim3A_844 : vector<96x128xi1>, vector<96x128xf32>
    %dot_general3A_846 = arith.constant dense<0.000000e+00> : vector<128x128xf32>
    %dot_general3A_847 = tpu.matmul %get3A_1, %select_n3A_845, %dot_general3A_846 {dimension_numbers = #tpu.dot_dimension_numbers<[1], [0], [0], [1], [0, 0, 1, 1], [], []>, transpose_lhs_hint = false} : vector<128x96xf32>, vector<96x128xf32>, vector<128x128xf32> -> vector<128x128xf32>
    %transpose3A_848 = tpu.transpose %dot_general3A_847, [1, 0] : vector<128x128xf32> -> vector<128x128xf32>
    %swap3A_849 = arith.constant 5 : index
    %swap3A_850 = arith.constant 256 : index
    %swap3A_851 = arith.constant 0 : index
    %swap3A_852 = vector.load %arg3[%swap3A_849, %swap3A_850, %swap3A_851] : memref<13x1024x128xf32, #tpu.memory_space<vmem>>, vector<1x128x128xf32>
    %swap3A_853 = vector.shape_cast %swap3A_852 : vector<1x128x128xf32> to vector<128x128xf32>
    %swap3A_854 = vector.shape_cast %transpose3A_848 : vector<128x128xf32> to vector<1x128x128xf32>
    tpu.vector_store %arg3[%swap3A_849, %swap3A_850, %swap3A_851], %swap3A_854 {strides = array<i32>} : memref<13x1024x128xf32, #tpu.memory_space<vmem>>, vector<1x128x128xf32>,
    %get3A_855 = arith.constant 5 : index
    %get3A_856 = arith.constant 384 : index
    %get3A_857 = vector.load %arg1[%get3A_855, %get3A_856] : memref<13x1024xi32, #tpu.memory_space<vmem>>, vector<1x128xi32>
    %broadcast_in_dim3A_858 = vector.shape_cast %get3A_857 : vector<1x128xi32> to vector<1x128xi32>
    %broadcast_in_dim3A_859 = vector.broadcast %broadcast_in_dim3A_858 : vector<1x128xi32> to vector<96x128xi32>
    %eq3A_860 = arith.cmpi eq, %iota3A, %broadcast_in_dim3A_859 : vector<96x128xi32>
    %jit3A_861 = arith.constant 1.000000e+00 : f32
    %jit3A_862 = arith.constant 0.000000e+00 : f32
    %broadcast_in_dim3A_863 = vector.broadcast %jit3A_861 : f32 to vector<96x128xf32>
    %broadcast_in_dim3A_864 = vector.broadcast %jit3A_862 : f32 to vector<96x128xf32>
    %select_n3A_865 = arith.select %eq3A_860, %broadcast_in_dim3A_863, %broadcast_in_dim3A_864 : vector<96x128xi1>, vector<96x128xf32>
    %dot_general3A_866 = arith.constant dense<0.000000e+00> : vector<128x128xf32>
    %dot_general3A_867 = tpu.matmul %get3A_1, %select_n3A_865, %dot_general3A_866 {dimension_numbers = #tpu.dot_dimension_numbers<[1], [0], [0], [1], [0, 0, 1, 1], [], []>, transpose_lhs_hint = false} : vector<128x96xf32>, vector<96x128xf32>, vector<128x128xf32> -> vector<128x128xf32>
    %transpose3A_868 = tpu.transpose %dot_general3A_867, [1, 0] : vector<128x128xf32> -> vector<128x128xf32>
    %swap3A_869 = arith.constant 5 : index
    %swap3A_870 = arith.constant 384 : index
    %swap3A_871 = arith.constant 0 : index
    %swap3A_872 = vector.load %arg3[%swap3A_869, %swap3A_870, %swap3A_871] : memref<13x1024x128xf32, #tpu.memory_space<vmem>>, vector<1x128x128xf32>
    %swap3A_873 = vector.shape_cast %swap3A_872 : vector<1x128x128xf32> to vector<128x128xf32>
    %swap3A_874 = vector.shape_cast %transpose3A_868 : vector<128x128xf32> to vector<1x128x128xf32>
    tpu.vector_store %arg3[%swap3A_869, %swap3A_870, %swap3A_871], %swap3A_874 {strides = array<i32>} : memref<13x1024x128xf32, #tpu.memory_space<vmem>>, vector<1x128x128xf32>,
    %get3A_875 = arith.constant 5 : index
    %get3A_876 = arith.constant 512 : index
    %get3A_877 = vector.load %arg1[%get3A_875, %get3A_876] : memref<13x1024xi32, #tpu.memory_space<vmem>>, vector<1x128xi32>
    %broadcast_in_dim3A_878 = vector.shape_cast %get3A_877 : vector<1x128xi32> to vector<1x128xi32>
    %broadcast_in_dim3A_879 = vector.broadcast %broadcast_in_dim3A_878 : vector<1x128xi32> to vector<96x128xi32>
    %eq3A_880 = arith.cmpi eq, %iota3A, %broadcast_in_dim3A_879 : vector<96x128xi32>
    %jit3A_881 = arith.constant 1.000000e+00 : f32
    %jit3A_882 = arith.constant 0.000000e+00 : f32
    %broadcast_in_dim3A_883 = vector.broadcast %jit3A_881 : f32 to vector<96x128xf32>
    %broadcast_in_dim3A_884 = vector.broadcast %jit3A_882 : f32 to vector<96x128xf32>
    %select_n3A_885 = arith.select %eq3A_880, %broadcast_in_dim3A_883, %broadcast_in_dim3A_884 : vector<96x128xi1>, vector<96x128xf32>
    %dot_general3A_886 = arith.constant dense<0.000000e+00> : vector<128x128xf32>
    %dot_general3A_887 = tpu.matmul %get3A_1, %select_n3A_885, %dot_general3A_886 {dimension_numbers = #tpu.dot_dimension_numbers<[1], [0], [0], [1], [0, 0, 1, 1], [], []>, transpose_lhs_hint = false} : vector<128x96xf32>, vector<96x128xf32>, vector<128x128xf32> -> vector<128x128xf32>
    %transpose3A_888 = tpu.transpose %dot_general3A_887, [1, 0] : vector<128x128xf32> -> vector<128x128xf32>
    %swap3A_889 = arith.constant 5 : index
    %swap3A_890 = arith.constant 512 : index
    %swap3A_891 = arith.constant 0 : index
    %swap3A_892 = vector.load %arg3[%swap3A_889, %swap3A_890, %swap3A_891] : memref<13x1024x128xf32, #tpu.memory_space<vmem>>, vector<1x128x128xf32>
    %swap3A_893 = vector.shape_cast %swap3A_892 : vector<1x128x128xf32> to vector<128x128xf32>
    %swap3A_894 = vector.shape_cast %transpose3A_888 : vector<128x128xf32> to vector<1x128x128xf32>
    tpu.vector_store %arg3[%swap3A_889, %swap3A_890, %swap3A_891], %swap3A_894 {strides = array<i32>} : memref<13x1024x128xf32, #tpu.memory_space<vmem>>, vector<1x128x128xf32>,
    %get3A_895 = arith.constant 5 : index
    %get3A_896 = arith.constant 640 : index
    %get3A_897 = vector.load %arg1[%get3A_895, %get3A_896] : memref<13x1024xi32, #tpu.memory_space<vmem>>, vector<1x128xi32>
    %broadcast_in_dim3A_898 = vector.shape_cast %get3A_897 : vector<1x128xi32> to vector<1x128xi32>
    %broadcast_in_dim3A_899 = vector.broadcast %broadcast_in_dim3A_898 : vector<1x128xi32> to vector<96x128xi32>
    %eq3A_900 = arith.cmpi eq, %iota3A, %broadcast_in_dim3A_899 : vector<96x128xi32>
    %jit3A_901 = arith.constant 1.000000e+00 : f32
    %jit3A_902 = arith.constant 0.000000e+00 : f32
    %broadcast_in_dim3A_903 = vector.broadcast %jit3A_901 : f32 to vector<96x128xf32>
    %broadcast_in_dim3A_904 = vector.broadcast %jit3A_902 : f32 to vector<96x128xf32>
    %select_n3A_905 = arith.select %eq3A_900, %broadcast_in_dim3A_903, %broadcast_in_dim3A_904 : vector<96x128xi1>, vector<96x128xf32>
    %dot_general3A_906 = arith.constant dense<0.000000e+00> : vector<128x128xf32>
    %dot_general3A_907 = tpu.matmul %get3A_1, %select_n3A_905, %dot_general3A_906 {dimension_numbers = #tpu.dot_dimension_numbers<[1], [0], [0], [1], [0, 0, 1, 1], [], []>, transpose_lhs_hint = false} : vector<128x96xf32>, vector<96x128xf32>, vector<128x128xf32> -> vector<128x128xf32>
    %transpose3A_908 = tpu.transpose %dot_general3A_907, [1, 0] : vector<128x128xf32> -> vector<128x128xf32>
    %swap3A_909 = arith.constant 5 : index
    %swap3A_910 = arith.constant 640 : index
    %swap3A_911 = arith.constant 0 : index
    %swap3A_912 = vector.load %arg3[%swap3A_909, %swap3A_910, %swap3A_911] : memref<13x1024x128xf32, #tpu.memory_space<vmem>>, vector<1x128x128xf32>
    %swap3A_913 = vector.shape_cast %swap3A_912 : vector<1x128x128xf32> to vector<128x128xf32>
    %swap3A_914 = vector.shape_cast %transpose3A_908 : vector<128x128xf32> to vector<1x128x128xf32>
    tpu.vector_store %arg3[%swap3A_909, %swap3A_910, %swap3A_911], %swap3A_914 {strides = array<i32>} : memref<13x1024x128xf32, #tpu.memory_space<vmem>>, vector<1x128x128xf32>,
    %get3A_915 = arith.constant 5 : index
    %get3A_916 = arith.constant 768 : index
    %get3A_917 = vector.load %arg1[%get3A_915, %get3A_916] : memref<13x1024xi32, #tpu.memory_space<vmem>>, vector<1x128xi32>
    %broadcast_in_dim3A_918 = vector.shape_cast %get3A_917 : vector<1x128xi32> to vector<1x128xi32>
    %broadcast_in_dim3A_919 = vector.broadcast %broadcast_in_dim3A_918 : vector<1x128xi32> to vector<96x128xi32>
    %eq3A_920 = arith.cmpi eq, %iota3A, %broadcast_in_dim3A_919 : vector<96x128xi32>
    %jit3A_921 = arith.constant 1.000000e+00 : f32
    %jit3A_922 = arith.constant 0.000000e+00 : f32
    %broadcast_in_dim3A_923 = vector.broadcast %jit3A_921 : f32 to vector<96x128xf32>
    %broadcast_in_dim3A_924 = vector.broadcast %jit3A_922 : f32 to vector<96x128xf32>
    %select_n3A_925 = arith.select %eq3A_920, %broadcast_in_dim3A_923, %broadcast_in_dim3A_924 : vector<96x128xi1>, vector<96x128xf32>
    %dot_general3A_926 = arith.constant dense<0.000000e+00> : vector<128x128xf32>
    %dot_general3A_927 = tpu.matmul %get3A_1, %select_n3A_925, %dot_general3A_926 {dimension_numbers = #tpu.dot_dimension_numbers<[1], [0], [0], [1], [0, 0, 1, 1], [], []>, transpose_lhs_hint = false} : vector<128x96xf32>, vector<96x128xf32>, vector<128x128xf32> -> vector<128x128xf32>
    %transpose3A_928 = tpu.transpose %dot_general3A_927, [1, 0] : vector<128x128xf32> -> vector<128x128xf32>
    %swap3A_929 = arith.constant 5 : index
    %swap3A_930 = arith.constant 768 : index
    %swap3A_931 = arith.constant 0 : index
    %swap3A_932 = vector.load %arg3[%swap3A_929, %swap3A_930, %swap3A_931] : memref<13x1024x128xf32, #tpu.memory_space<vmem>>, vector<1x128x128xf32>
    %swap3A_933 = vector.shape_cast %swap3A_932 : vector<1x128x128xf32> to vector<128x128xf32>
    %swap3A_934 = vector.shape_cast %transpose3A_928 : vector<128x128xf32> to vector<1x128x128xf32>
    tpu.vector_store %arg3[%swap3A_929, %swap3A_930, %swap3A_931], %swap3A_934 {strides = array<i32>} : memref<13x1024x128xf32, #tpu.memory_space<vmem>>, vector<1x128x128xf32>,
    %get3A_935 = arith.constant 5 : index
    %get3A_936 = arith.constant 896 : index
    %get3A_937 = vector.load %arg1[%get3A_935, %get3A_936] : memref<13x1024xi32, #tpu.memory_space<vmem>>, vector<1x128xi32>
    %broadcast_in_dim3A_938 = vector.shape_cast %get3A_937 : vector<1x128xi32> to vector<1x128xi32>
    %broadcast_in_dim3A_939 = vector.broadcast %broadcast_in_dim3A_938 : vector<1x128xi32> to vector<96x128xi32>
    %eq3A_940 = arith.cmpi eq, %iota3A, %broadcast_in_dim3A_939 : vector<96x128xi32>
    %jit3A_941 = arith.constant 1.000000e+00 : f32
    %jit3A_942 = arith.constant 0.000000e+00 : f32
    %broadcast_in_dim3A_943 = vector.broadcast %jit3A_941 : f32 to vector<96x128xf32>
    %broadcast_in_dim3A_944 = vector.broadcast %jit3A_942 : f32 to vector<96x128xf32>
    %select_n3A_945 = arith.select %eq3A_940, %broadcast_in_dim3A_943, %broadcast_in_dim3A_944 : vector<96x128xi1>, vector<96x128xf32>
    %dot_general3A_946 = arith.constant dense<0.000000e+00> : vector<128x128xf32>
    %dot_general3A_947 = tpu.matmul %get3A_1, %select_n3A_945, %dot_general3A_946 {dimension_numbers = #tpu.dot_dimension_numbers<[1], [0], [0], [1], [0, 0, 1, 1], [], []>, transpose_lhs_hint = false} : vector<128x96xf32>, vector<96x128xf32>, vector<128x128xf32> -> vector<128x128xf32>
    %transpose3A_948 = tpu.transpose %dot_general3A_947, [1, 0] : vector<128x128xf32> -> vector<128x128xf32>
    %swap3A_949 = arith.constant 5 : index
    %swap3A_950 = arith.constant 896 : index
    %swap3A_951 = arith.constant 0 : index
    %swap3A_952 = vector.load %arg3[%swap3A_949, %swap3A_950, %swap3A_951] : memref<13x1024x128xf32, #tpu.memory_space<vmem>>, vector<1x128x128xf32>
    %swap3A_953 = vector.shape_cast %swap3A_952 : vector<1x128x128xf32> to vector<128x128xf32>
    %swap3A_954 = vector.shape_cast %transpose3A_948 : vector<128x128xf32> to vector<1x128x128xf32>
    tpu.vector_store %arg3[%swap3A_949, %swap3A_950, %swap3A_951], %swap3A_954 {strides = array<i32>} : memref<13x1024x128xf32, #tpu.memory_space<vmem>>, vector<1x128x128xf32>,
    %get3A_955 = arith.constant 6 : index
    %get3A_956 = arith.constant 0 : index
    %get3A_957 = vector.load %arg1[%get3A_955, %get3A_956] : memref<13x1024xi32, #tpu.memory_space<vmem>>, vector<1x128xi32>
    %broadcast_in_dim3A_958 = vector.shape_cast %get3A_957 : vector<1x128xi32> to vector<1x128xi32>
    %broadcast_in_dim3A_959 = vector.broadcast %broadcast_in_dim3A_958 : vector<1x128xi32> to vector<96x128xi32>
    %eq3A_960 = arith.cmpi eq, %iota3A, %broadcast_in_dim3A_959 : vector<96x128xi32>
    %jit3A_961 = arith.constant 1.000000e+00 : f32
    %jit3A_962 = arith.constant 0.000000e+00 : f32
    %broadcast_in_dim3A_963 = vector.broadcast %jit3A_961 : f32 to vector<96x128xf32>
    %broadcast_in_dim3A_964 = vector.broadcast %jit3A_962 : f32 to vector<96x128xf32>
    %select_n3A_965 = arith.select %eq3A_960, %broadcast_in_dim3A_963, %broadcast_in_dim3A_964 : vector<96x128xi1>, vector<96x128xf32>
    %dot_general3A_966 = arith.constant dense<0.000000e+00> : vector<128x128xf32>
    %dot_general3A_967 = tpu.matmul %get3A_1, %select_n3A_965, %dot_general3A_966 {dimension_numbers = #tpu.dot_dimension_numbers<[1], [0], [0], [1], [0, 0, 1, 1], [], []>, transpose_lhs_hint = false} : vector<128x96xf32>, vector<96x128xf32>, vector<128x128xf32> -> vector<128x128xf32>
    %transpose3A_968 = tpu.transpose %dot_general3A_967, [1, 0] : vector<128x128xf32> -> vector<128x128xf32>
    %swap3A_969 = arith.constant 6 : index
    %swap3A_970 = arith.constant 0 : index
    %swap3A_971 = arith.constant 0 : index
    %swap3A_972 = vector.load %arg3[%swap3A_969, %swap3A_970, %swap3A_971] : memref<13x1024x128xf32, #tpu.memory_space<vmem>>, vector<1x128x128xf32>
    %swap3A_973 = vector.shape_cast %swap3A_972 : vector<1x128x128xf32> to vector<128x128xf32>
    %swap3A_974 = vector.shape_cast %transpose3A_968 : vector<128x128xf32> to vector<1x128x128xf32>
    tpu.vector_store %arg3[%swap3A_969, %swap3A_970, %swap3A_971], %swap3A_974 {strides = array<i32>} : memref<13x1024x128xf32, #tpu.memory_space<vmem>>, vector<1x128x128xf32>,
    %get3A_975 = arith.constant 6 : index
    %get3A_976 = arith.constant 128 : index
    %get3A_977 = vector.load %arg1[%get3A_975, %get3A_976] : memref<13x1024xi32, #tpu.memory_space<vmem>>, vector<1x128xi32>
    %broadcast_in_dim3A_978 = vector.shape_cast %get3A_977 : vector<1x128xi32> to vector<1x128xi32>
    %broadcast_in_dim3A_979 = vector.broadcast %broadcast_in_dim3A_978 : vector<1x128xi32> to vector<96x128xi32>
    %eq3A_980 = arith.cmpi eq, %iota3A, %broadcast_in_dim3A_979 : vector<96x128xi32>
    %jit3A_981 = arith.constant 1.000000e+00 : f32
    %jit3A_982 = arith.constant 0.000000e+00 : f32
    %broadcast_in_dim3A_983 = vector.broadcast %jit3A_981 : f32 to vector<96x128xf32>
    %broadcast_in_dim3A_984 = vector.broadcast %jit3A_982 : f32 to vector<96x128xf32>
    %select_n3A_985 = arith.select %eq3A_980, %broadcast_in_dim3A_983, %broadcast_in_dim3A_984 : vector<96x128xi1>, vector<96x128xf32>
    %dot_general3A_986 = arith.constant dense<0.000000e+00> : vector<128x128xf32>
    %dot_general3A_987 = tpu.matmul %get3A_1, %select_n3A_985, %dot_general3A_986 {dimension_numbers = #tpu.dot_dimension_numbers<[1], [0], [0], [1], [0, 0, 1, 1], [], []>, transpose_lhs_hint = false} : vector<128x96xf32>, vector<96x128xf32>, vector<128x128xf32> -> vector<128x128xf32>
    %transpose3A_988 = tpu.transpose %dot_general3A_987, [1, 0] : vector<128x128xf32> -> vector<128x128xf32>
    %swap3A_989 = arith.constant 6 : index
    %swap3A_990 = arith.constant 128 : index
    %swap3A_991 = arith.constant 0 : index
    %swap3A_992 = vector.load %arg3[%swap3A_989, %swap3A_990, %swap3A_991] : memref<13x1024x128xf32, #tpu.memory_space<vmem>>, vector<1x128x128xf32>
    %swap3A_993 = vector.shape_cast %swap3A_992 : vector<1x128x128xf32> to vector<128x128xf32>
    %swap3A_994 = vector.shape_cast %transpose3A_988 : vector<128x128xf32> to vector<1x128x128xf32>
    tpu.vector_store %arg3[%swap3A_989, %swap3A_990, %swap3A_991], %swap3A_994 {strides = array<i32>} : memref<13x1024x128xf32, #tpu.memory_space<vmem>>, vector<1x128x128xf32>,
    %get3A_995 = arith.constant 6 : index
    %get3A_996 = arith.constant 256 : index
    %get3A_997 = vector.load %arg1[%get3A_995, %get3A_996] : memref<13x1024xi32, #tpu.memory_space<vmem>>, vector<1x128xi32>
    %broadcast_in_dim3A_998 = vector.shape_cast %get3A_997 : vector<1x128xi32> to vector<1x128xi32>
    %broadcast_in_dim3A_999 = vector.broadcast %broadcast_in_dim3A_998 : vector<1x128xi32> to vector<96x128xi32>
    %eq3A_1000 = arith.cmpi eq, %iota3A, %broadcast_in_dim3A_999 : vector<96x128xi32>
    %jit3A_1001 = arith.constant 1.000000e+00 : f32
    %jit3A_1002 = arith.constant 0.000000e+00 : f32
    %broadcast_in_dim3A_1003 = vector.broadcast %jit3A_1001 : f32 to vector<96x128xf32>
    %broadcast_in_dim3A_1004 = vector.broadcast %jit3A_1002 : f32 to vector<96x128xf32>
    %select_n3A_1005 = arith.select %eq3A_1000, %broadcast_in_dim3A_1003, %broadcast_in_dim3A_1004 : vector<96x128xi1>, vector<96x128xf32>
    %dot_general3A_1006 = arith.constant dense<0.000000e+00> : vector<128x128xf32>
    %dot_general3A_1007 = tpu.matmul %get3A_1, %select_n3A_1005, %dot_general3A_1006 {dimension_numbers = #tpu.dot_dimension_numbers<[1], [0], [0], [1], [0, 0, 1, 1], [], []>, transpose_lhs_hint = false} : vector<128x96xf32>, vector<96x128xf32>, vector<128x128xf32> -> vector<128x128xf32>
    %transpose3A_1008 = tpu.transpose %dot_general3A_1007, [1, 0] : vector<128x128xf32> -> vector<128x128xf32>
    %swap3A_1009 = arith.constant 6 : index
    %swap3A_1010 = arith.constant 256 : index
    %swap3A_1011 = arith.constant 0 : index
    %swap3A_1012 = vector.load %arg3[%swap3A_1009, %swap3A_1010, %swap3A_1011] : memref<13x1024x128xf32, #tpu.memory_space<vmem>>, vector<1x128x128xf32>
    %swap3A_1013 = vector.shape_cast %swap3A_1012 : vector<1x128x128xf32> to vector<128x128xf32>
    %swap3A_1014 = vector.shape_cast %transpose3A_1008 : vector<128x128xf32> to vector<1x128x128xf32>
    tpu.vector_store %arg3[%swap3A_1009, %swap3A_1010, %swap3A_1011], %swap3A_1014 {strides = array<i32>} : memref<13x1024x128xf32, #tpu.memory_space<vmem>>, vector<1x128x128xf32>,
    %get3A_1015 = arith.constant 6 : index
    %get3A_1016 = arith.constant 384 : index
    %get3A_1017 = vector.load %arg1[%get3A_1015, %get3A_1016] : memref<13x1024xi32, #tpu.memory_space<vmem>>, vector<1x128xi32>
    %broadcast_in_dim3A_1018 = vector.shape_cast %get3A_1017 : vector<1x128xi32> to vector<1x128xi32>
    %broadcast_in_dim3A_1019 = vector.broadcast %broadcast_in_dim3A_1018 : vector<1x128xi32> to vector<96x128xi32>
    %eq3A_1020 = arith.cmpi eq, %iota3A, %broadcast_in_dim3A_1019 : vector<96x128xi32>
    %jit3A_1021 = arith.constant 1.000000e+00 : f32
    %jit3A_1022 = arith.constant 0.000000e+00 : f32
    %broadcast_in_dim3A_1023 = vector.broadcast %jit3A_1021 : f32 to vector<96x128xf32>
    %broadcast_in_dim3A_1024 = vector.broadcast %jit3A_1022 : f32 to vector<96x128xf32>
    %select_n3A_1025 = arith.select %eq3A_1020, %broadcast_in_dim3A_1023, %broadcast_in_dim3A_1024 : vector<96x128xi1>, vector<96x128xf32>
    %dot_general3A_1026 = arith.constant dense<0.000000e+00> : vector<128x128xf32>
    %dot_general3A_1027 = tpu.matmul %get3A_1, %select_n3A_1025, %dot_general3A_1026 {dimension_numbers = #tpu.dot_dimension_numbers<[1], [0], [0], [1], [0, 0, 1, 1], [], []>, transpose_lhs_hint = false} : vector<128x96xf32>, vector<96x128xf32>, vector<128x128xf32> -> vector<128x128xf32>
    %transpose3A_1028 = tpu.transpose %dot_general3A_1027, [1, 0] : vector<128x128xf32> -> vector<128x128xf32>
    %swap3A_1029 = arith.constant 6 : index
    %swap3A_1030 = arith.constant 384 : index
    %swap3A_1031 = arith.constant 0 : index
    %swap3A_1032 = vector.load %arg3[%swap3A_1029, %swap3A_1030, %swap3A_1031] : memref<13x1024x128xf32, #tpu.memory_space<vmem>>, vector<1x128x128xf32>
    %swap3A_1033 = vector.shape_cast %swap3A_1032 : vector<1x128x128xf32> to vector<128x128xf32>
    %swap3A_1034 = vector.shape_cast %transpose3A_1028 : vector<128x128xf32> to vector<1x128x128xf32>
    tpu.vector_store %arg3[%swap3A_1029, %swap3A_1030, %swap3A_1031], %swap3A_1034 {strides = array<i32>} : memref<13x1024x128xf32, #tpu.memory_space<vmem>>, vector<1x128x128xf32>,
    %get3A_1035 = arith.constant 6 : index
    %get3A_1036 = arith.constant 512 : index
    %get3A_1037 = vector.load %arg1[%get3A_1035, %get3A_1036] : memref<13x1024xi32, #tpu.memory_space<vmem>>, vector<1x128xi32>
    %broadcast_in_dim3A_1038 = vector.shape_cast %get3A_1037 : vector<1x128xi32> to vector<1x128xi32>
    %broadcast_in_dim3A_1039 = vector.broadcast %broadcast_in_dim3A_1038 : vector<1x128xi32> to vector<96x128xi32>
    %eq3A_1040 = arith.cmpi eq, %iota3A, %broadcast_in_dim3A_1039 : vector<96x128xi32>
    %jit3A_1041 = arith.constant 1.000000e+00 : f32
    %jit3A_1042 = arith.constant 0.000000e+00 : f32
    %broadcast_in_dim3A_1043 = vector.broadcast %jit3A_1041 : f32 to vector<96x128xf32>
    %broadcast_in_dim3A_1044 = vector.broadcast %jit3A_1042 : f32 to vector<96x128xf32>
    %select_n3A_1045 = arith.select %eq3A_1040, %broadcast_in_dim3A_1043, %broadcast_in_dim3A_1044 : vector<96x128xi1>, vector<96x128xf32>
    %dot_general3A_1046 = arith.constant dense<0.000000e+00> : vector<128x128xf32>
    %dot_general3A_1047 = tpu.matmul %get3A_1, %select_n3A_1045, %dot_general3A_1046 {dimension_numbers = #tpu.dot_dimension_numbers<[1], [0], [0], [1], [0, 0, 1, 1], [], []>, transpose_lhs_hint = false} : vector<128x96xf32>, vector<96x128xf32>, vector<128x128xf32> -> vector<128x128xf32>
    %transpose3A_1048 = tpu.transpose %dot_general3A_1047, [1, 0] : vector<128x128xf32> -> vector<128x128xf32>
    %swap3A_1049 = arith.constant 6 : index
    %swap3A_1050 = arith.constant 512 : index
    %swap3A_1051 = arith.constant 0 : index
    %swap3A_1052 = vector.load %arg3[%swap3A_1049, %swap3A_1050, %swap3A_1051] : memref<13x1024x128xf32, #tpu.memory_space<vmem>>, vector<1x128x128xf32>
    %swap3A_1053 = vector.shape_cast %swap3A_1052 : vector<1x128x128xf32> to vector<128x128xf32>
    %swap3A_1054 = vector.shape_cast %transpose3A_1048 : vector<128x128xf32> to vector<1x128x128xf32>
    tpu.vector_store %arg3[%swap3A_1049, %swap3A_1050, %swap3A_1051], %swap3A_1054 {strides = array<i32>} : memref<13x1024x128xf32, #tpu.memory_space<vmem>>, vector<1x128x128xf32>,
    %get3A_1055 = arith.constant 6 : index
    %get3A_1056 = arith.constant 640 : index
    %get3A_1057 = vector.load %arg1[%get3A_1055, %get3A_1056] : memref<13x1024xi32, #tpu.memory_space<vmem>>, vector<1x128xi32>
    %broadcast_in_dim3A_1058 = vector.shape_cast %get3A_1057 : vector<1x128xi32> to vector<1x128xi32>
    %broadcast_in_dim3A_1059 = vector.broadcast %broadcast_in_dim3A_1058 : vector<1x128xi32> to vector<96x128xi32>
    %eq3A_1060 = arith.cmpi eq, %iota3A, %broadcast_in_dim3A_1059 : vector<96x128xi32>
    %jit3A_1061 = arith.constant 1.000000e+00 : f32
    %jit3A_1062 = arith.constant 0.000000e+00 : f32
    %broadcast_in_dim3A_1063 = vector.broadcast %jit3A_1061 : f32 to vector<96x128xf32>
    %broadcast_in_dim3A_1064 = vector.broadcast %jit3A_1062 : f32 to vector<96x128xf32>
    %select_n3A_1065 = arith.select %eq3A_1060, %broadcast_in_dim3A_1063, %broadcast_in_dim3A_1064 : vector<96x128xi1>, vector<96x128xf32>
    %dot_general3A_1066 = arith.constant dense<0.000000e+00> : vector<128x128xf32>
    %dot_general3A_1067 = tpu.matmul %get3A_1, %select_n3A_1065, %dot_general3A_1066 {dimension_numbers = #tpu.dot_dimension_numbers<[1], [0], [0], [1], [0, 0, 1, 1], [], []>, transpose_lhs_hint = false} : vector<128x96xf32>, vector<96x128xf32>, vector<128x128xf32> -> vector<128x128xf32>
    %transpose3A_1068 = tpu.transpose %dot_general3A_1067, [1, 0] : vector<128x128xf32> -> vector<128x128xf32>
    %swap3A_1069 = arith.constant 6 : index
    %swap3A_1070 = arith.constant 640 : index
    %swap3A_1071 = arith.constant 0 : index
    %swap3A_1072 = vector.load %arg3[%swap3A_1069, %swap3A_1070, %swap3A_1071] : memref<13x1024x128xf32, #tpu.memory_space<vmem>>, vector<1x128x128xf32>
    %swap3A_1073 = vector.shape_cast %swap3A_1072 : vector<1x128x128xf32> to vector<128x128xf32>
    %swap3A_1074 = vector.shape_cast %transpose3A_1068 : vector<128x128xf32> to vector<1x128x128xf32>
    tpu.vector_store %arg3[%swap3A_1069, %swap3A_1070, %swap3A_1071], %swap3A_1074 {strides = array<i32>} : memref<13x1024x128xf32, #tpu.memory_space<vmem>>, vector<1x128x128xf32>,
    %get3A_1075 = arith.constant 6 : index
    %get3A_1076 = arith.constant 768 : index
    %get3A_1077 = vector.load %arg1[%get3A_1075, %get3A_1076] : memref<13x1024xi32, #tpu.memory_space<vmem>>, vector<1x128xi32>
    %broadcast_in_dim3A_1078 = vector.shape_cast %get3A_1077 : vector<1x128xi32> to vector<1x128xi32>
    %broadcast_in_dim3A_1079 = vector.broadcast %broadcast_in_dim3A_1078 : vector<1x128xi32> to vector<96x128xi32>
    %eq3A_1080 = arith.cmpi eq, %iota3A, %broadcast_in_dim3A_1079 : vector<96x128xi32>
    %jit3A_1081 = arith.constant 1.000000e+00 : f32
    %jit3A_1082 = arith.constant 0.000000e+00 : f32
    %broadcast_in_dim3A_1083 = vector.broadcast %jit3A_1081 : f32 to vector<96x128xf32>
    %broadcast_in_dim3A_1084 = vector.broadcast %jit3A_1082 : f32 to vector<96x128xf32>
    %select_n3A_1085 = arith.select %eq3A_1080, %broadcast_in_dim3A_1083, %broadcast_in_dim3A_1084 : vector<96x128xi1>, vector<96x128xf32>
    %dot_general3A_1086 = arith.constant dense<0.000000e+00> : vector<128x128xf32>
    %dot_general3A_1087 = tpu.matmul %get3A_1, %select_n3A_1085, %dot_general3A_1086 {dimension_numbers = #tpu.dot_dimension_numbers<[1], [0], [0], [1], [0, 0, 1, 1], [], []>, transpose_lhs_hint = false} : vector<128x96xf32>, vector<96x128xf32>, vector<128x128xf32> -> vector<128x128xf32>
    %transpose3A_1088 = tpu.transpose %dot_general3A_1087, [1, 0] : vector<128x128xf32> -> vector<128x128xf32>
    %swap3A_1089 = arith.constant 6 : index
    %swap3A_1090 = arith.constant 768 : index
    %swap3A_1091 = arith.constant 0 : index
    %swap3A_1092 = vector.load %arg3[%swap3A_1089, %swap3A_1090, %swap3A_1091] : memref<13x1024x128xf32, #tpu.memory_space<vmem>>, vector<1x128x128xf32>
    %swap3A_1093 = vector.shape_cast %swap3A_1092 : vector<1x128x128xf32> to vector<128x128xf32>
    %swap3A_1094 = vector.shape_cast %transpose3A_1088 : vector<128x128xf32> to vector<1x128x128xf32>
    tpu.vector_store %arg3[%swap3A_1089, %swap3A_1090, %swap3A_1091], %swap3A_1094 {strides = array<i32>} : memref<13x1024x128xf32, #tpu.memory_space<vmem>>, vector<1x128x128xf32>,
    %get3A_1095 = arith.constant 6 : index
    %get3A_1096 = arith.constant 896 : index
    %get3A_1097 = vector.load %arg1[%get3A_1095, %get3A_1096] : memref<13x1024xi32, #tpu.memory_space<vmem>>, vector<1x128xi32>
    %broadcast_in_dim3A_1098 = vector.shape_cast %get3A_1097 : vector<1x128xi32> to vector<1x128xi32>
    %broadcast_in_dim3A_1099 = vector.broadcast %broadcast_in_dim3A_1098 : vector<1x128xi32> to vector<96x128xi32>
    %eq3A_1100 = arith.cmpi eq, %iota3A, %broadcast_in_dim3A_1099 : vector<96x128xi32>
    %jit3A_1101 = arith.constant 1.000000e+00 : f32
    %jit3A_1102 = arith.constant 0.000000e+00 : f32
    %broadcast_in_dim3A_1103 = vector.broadcast %jit3A_1101 : f32 to vector<96x128xf32>
    %broadcast_in_dim3A_1104 = vector.broadcast %jit3A_1102 : f32 to vector<96x128xf32>
    %select_n3A_1105 = arith.select %eq3A_1100, %broadcast_in_dim3A_1103, %broadcast_in_dim3A_1104 : vector<96x128xi1>, vector<96x128xf32>
    %dot_general3A_1106 = arith.constant dense<0.000000e+00> : vector<128x128xf32>
    %dot_general3A_1107 = tpu.matmul %get3A_1, %select_n3A_1105, %dot_general3A_1106 {dimension_numbers = #tpu.dot_dimension_numbers<[1], [0], [0], [1], [0, 0, 1, 1], [], []>, transpose_lhs_hint = false} : vector<128x96xf32>, vector<96x128xf32>, vector<128x128xf32> -> vector<128x128xf32>
    %transpose3A_1108 = tpu.transpose %dot_general3A_1107, [1, 0] : vector<128x128xf32> -> vector<128x128xf32>
    %swap3A_1109 = arith.constant 6 : index
    %swap3A_1110 = arith.constant 896 : index
    %swap3A_1111 = arith.constant 0 : index
    %swap3A_1112 = vector.load %arg3[%swap3A_1109, %swap3A_1110, %swap3A_1111] : memref<13x1024x128xf32, #tpu.memory_space<vmem>>, vector<1x128x128xf32>
    %swap3A_1113 = vector.shape_cast %swap3A_1112 : vector<1x128x128xf32> to vector<128x128xf32>
    %swap3A_1114 = vector.shape_cast %transpose3A_1108 : vector<128x128xf32> to vector<1x128x128xf32>
    tpu.vector_store %arg3[%swap3A_1109, %swap3A_1110, %swap3A_1111], %swap3A_1114 {strides = array<i32>} : memref<13x1024x128xf32, #tpu.memory_space<vmem>>, vector<1x128x128xf32>,
    %get3A_1115 = arith.constant 7 : index
    %get3A_1116 = arith.constant 0 : index
    %get3A_1117 = vector.load %arg1[%get3A_1115, %get3A_1116] : memref<13x1024xi32, #tpu.memory_space<vmem>>, vector<1x128xi32>
    %broadcast_in_dim3A_1118 = vector.shape_cast %get3A_1117 : vector<1x128xi32> to vector<1x128xi32>
    %broadcast_in_dim3A_1119 = vector.broadcast %broadcast_in_dim3A_1118 : vector<1x128xi32> to vector<96x128xi32>
    %eq3A_1120 = arith.cmpi eq, %iota3A, %broadcast_in_dim3A_1119 : vector<96x128xi32>
    %jit3A_1121 = arith.constant 1.000000e+00 : f32
    %jit3A_1122 = arith.constant 0.000000e+00 : f32
    %broadcast_in_dim3A_1123 = vector.broadcast %jit3A_1121 : f32 to vector<96x128xf32>
    %broadcast_in_dim3A_1124 = vector.broadcast %jit3A_1122 : f32 to vector<96x128xf32>
    %select_n3A_1125 = arith.select %eq3A_1120, %broadcast_in_dim3A_1123, %broadcast_in_dim3A_1124 : vector<96x128xi1>, vector<96x128xf32>
    %dot_general3A_1126 = arith.constant dense<0.000000e+00> : vector<128x128xf32>
    %dot_general3A_1127 = tpu.matmul %get3A_1, %select_n3A_1125, %dot_general3A_1126 {dimension_numbers = #tpu.dot_dimension_numbers<[1], [0], [0], [1], [0, 0, 1, 1], [], []>, transpose_lhs_hint = false} : vector<128x96xf32>, vector<96x128xf32>, vector<128x128xf32> -> vector<128x128xf32>
    %transpose3A_1128 = tpu.transpose %dot_general3A_1127, [1, 0] : vector<128x128xf32> -> vector<128x128xf32>
    %swap3A_1129 = arith.constant 7 : index
    %swap3A_1130 = arith.constant 0 : index
    %swap3A_1131 = arith.constant 0 : index
    %swap3A_1132 = vector.load %arg3[%swap3A_1129, %swap3A_1130, %swap3A_1131] : memref<13x1024x128xf32, #tpu.memory_space<vmem>>, vector<1x128x128xf32>
    %swap3A_1133 = vector.shape_cast %swap3A_1132 : vector<1x128x128xf32> to vector<128x128xf32>
    %swap3A_1134 = vector.shape_cast %transpose3A_1128 : vector<128x128xf32> to vector<1x128x128xf32>
    tpu.vector_store %arg3[%swap3A_1129, %swap3A_1130, %swap3A_1131], %swap3A_1134 {strides = array<i32>} : memref<13x1024x128xf32, #tpu.memory_space<vmem>>, vector<1x128x128xf32>,
    %get3A_1135 = arith.constant 7 : index
    %get3A_1136 = arith.constant 128 : index
    %get3A_1137 = vector.load %arg1[%get3A_1135, %get3A_1136] : memref<13x1024xi32, #tpu.memory_space<vmem>>, vector<1x128xi32>
    %broadcast_in_dim3A_1138 = vector.shape_cast %get3A_1137 : vector<1x128xi32> to vector<1x128xi32>
    %broadcast_in_dim3A_1139 = vector.broadcast %broadcast_in_dim3A_1138 : vector<1x128xi32> to vector<96x128xi32>
    %eq3A_1140 = arith.cmpi eq, %iota3A, %broadcast_in_dim3A_1139 : vector<96x128xi32>
    %jit3A_1141 = arith.constant 1.000000e+00 : f32
    %jit3A_1142 = arith.constant 0.000000e+00 : f32
    %broadcast_in_dim3A_1143 = vector.broadcast %jit3A_1141 : f32 to vector<96x128xf32>
    %broadcast_in_dim3A_1144 = vector.broadcast %jit3A_1142 : f32 to vector<96x128xf32>
    %select_n3A_1145 = arith.select %eq3A_1140, %broadcast_in_dim3A_1143, %broadcast_in_dim3A_1144 : vector<96x128xi1>, vector<96x128xf32>
    %dot_general3A_1146 = arith.constant dense<0.000000e+00> : vector<128x128xf32>
    %dot_general3A_1147 = tpu.matmul %get3A_1, %select_n3A_1145, %dot_general3A_1146 {dimension_numbers = #tpu.dot_dimension_numbers<[1], [0], [0], [1], [0, 0, 1, 1], [], []>, transpose_lhs_hint = false} : vector<128x96xf32>, vector<96x128xf32>, vector<128x128xf32> -> vector<128x128xf32>
    %transpose3A_1148 = tpu.transpose %dot_general3A_1147, [1, 0] : vector<128x128xf32> -> vector<128x128xf32>
    %swap3A_1149 = arith.constant 7 : index
    %swap3A_1150 = arith.constant 128 : index
    %swap3A_1151 = arith.constant 0 : index
    %swap3A_1152 = vector.load %arg3[%swap3A_1149, %swap3A_1150, %swap3A_1151] : memref<13x1024x128xf32, #tpu.memory_space<vmem>>, vector<1x128x128xf32>
    %swap3A_1153 = vector.shape_cast %swap3A_1152 : vector<1x128x128xf32> to vector<128x128xf32>
    %swap3A_1154 = vector.shape_cast %transpose3A_1148 : vector<128x128xf32> to vector<1x128x128xf32>
    tpu.vector_store %arg3[%swap3A_1149, %swap3A_1150, %swap3A_1151], %swap3A_1154 {strides = array<i32>} : memref<13x1024x128xf32, #tpu.memory_space<vmem>>, vector<1x128x128xf32>,
    %get3A_1155 = arith.constant 7 : index
    %get3A_1156 = arith.constant 256 : index
    %get3A_1157 = vector.load %arg1[%get3A_1155, %get3A_1156] : memref<13x1024xi32, #tpu.memory_space<vmem>>, vector<1x128xi32>
    %broadcast_in_dim3A_1158 = vector.shape_cast %get3A_1157 : vector<1x128xi32> to vector<1x128xi32>
    %broadcast_in_dim3A_1159 = vector.broadcast %broadcast_in_dim3A_1158 : vector<1x128xi32> to vector<96x128xi32>
    %eq3A_1160 = arith.cmpi eq, %iota3A, %broadcast_in_dim3A_1159 : vector<96x128xi32>
    %jit3A_1161 = arith.constant 1.000000e+00 : f32
    %jit3A_1162 = arith.constant 0.000000e+00 : f32
    %broadcast_in_dim3A_1163 = vector.broadcast %jit3A_1161 : f32 to vector<96x128xf32>
    %broadcast_in_dim3A_1164 = vector.broadcast %jit3A_1162 : f32 to vector<96x128xf32>
    %select_n3A_1165 = arith.select %eq3A_1160, %broadcast_in_dim3A_1163, %broadcast_in_dim3A_1164 : vector<96x128xi1>, vector<96x128xf32>
    %dot_general3A_1166 = arith.constant dense<0.000000e+00> : vector<128x128xf32>
    %dot_general3A_1167 = tpu.matmul %get3A_1, %select_n3A_1165, %dot_general3A_1166 {dimension_numbers = #tpu.dot_dimension_numbers<[1], [0], [0], [1], [0, 0, 1, 1], [], []>, transpose_lhs_hint = false} : vector<128x96xf32>, vector<96x128xf32>, vector<128x128xf32> -> vector<128x128xf32>
    %transpose3A_1168 = tpu.transpose %dot_general3A_1167, [1, 0] : vector<128x128xf32> -> vector<128x128xf32>
    %swap3A_1169 = arith.constant 7 : index
    %swap3A_1170 = arith.constant 256 : index
    %swap3A_1171 = arith.constant 0 : index
    %swap3A_1172 = vector.load %arg3[%swap3A_1169, %swap3A_1170, %swap3A_1171] : memref<13x1024x128xf32, #tpu.memory_space<vmem>>, vector<1x128x128xf32>
    %swap3A_1173 = vector.shape_cast %swap3A_1172 : vector<1x128x128xf32> to vector<128x128xf32>
    %swap3A_1174 = vector.shape_cast %transpose3A_1168 : vector<128x128xf32> to vector<1x128x128xf32>
    tpu.vector_store %arg3[%swap3A_1169, %swap3A_1170, %swap3A_1171], %swap3A_1174 {strides = array<i32>} : memref<13x1024x128xf32, #tpu.memory_space<vmem>>, vector<1x128x128xf32>,
    %get3A_1175 = arith.constant 7 : index
    %get3A_1176 = arith.constant 384 : index
    %get3A_1177 = vector.load %arg1[%get3A_1175, %get3A_1176] : memref<13x1024xi32, #tpu.memory_space<vmem>>, vector<1x128xi32>
    %broadcast_in_dim3A_1178 = vector.shape_cast %get3A_1177 : vector<1x128xi32> to vector<1x128xi32>
    %broadcast_in_dim3A_1179 = vector.broadcast %broadcast_in_dim3A_1178 : vector<1x128xi32> to vector<96x128xi32>
    %eq3A_1180 = arith.cmpi eq, %iota3A, %broadcast_in_dim3A_1179 : vector<96x128xi32>
    %jit3A_1181 = arith.constant 1.000000e+00 : f32
    %jit3A_1182 = arith.constant 0.000000e+00 : f32
    %broadcast_in_dim3A_1183 = vector.broadcast %jit3A_1181 : f32 to vector<96x128xf32>
    %broadcast_in_dim3A_1184 = vector.broadcast %jit3A_1182 : f32 to vector<96x128xf32>
    %select_n3A_1185 = arith.select %eq3A_1180, %broadcast_in_dim3A_1183, %broadcast_in_dim3A_1184 : vector<96x128xi1>, vector<96x128xf32>
    %dot_general3A_1186 = arith.constant dense<0.000000e+00> : vector<128x128xf32>
    %dot_general3A_1187 = tpu.matmul %get3A_1, %select_n3A_1185, %dot_general3A_1186 {dimension_numbers = #tpu.dot_dimension_numbers<[1], [0], [0], [1], [0, 0, 1, 1], [], []>, transpose_lhs_hint = false} : vector<128x96xf32>, vector<96x128xf32>, vector<128x128xf32> -> vector<128x128xf32>
    %transpose3A_1188 = tpu.transpose %dot_general3A_1187, [1, 0] : vector<128x128xf32> -> vector<128x128xf32>
    %swap3A_1189 = arith.constant 7 : index
    %swap3A_1190 = arith.constant 384 : index
    %swap3A_1191 = arith.constant 0 : index
    %swap3A_1192 = vector.load %arg3[%swap3A_1189, %swap3A_1190, %swap3A_1191] : memref<13x1024x128xf32, #tpu.memory_space<vmem>>, vector<1x128x128xf32>
    %swap3A_1193 = vector.shape_cast %swap3A_1192 : vector<1x128x128xf32> to vector<128x128xf32>
    %swap3A_1194 = vector.shape_cast %transpose3A_1188 : vector<128x128xf32> to vector<1x128x128xf32>
    tpu.vector_store %arg3[%swap3A_1189, %swap3A_1190, %swap3A_1191], %swap3A_1194 {strides = array<i32>} : memref<13x1024x128xf32, #tpu.memory_space<vmem>>, vector<1x128x128xf32>,
    %get3A_1195 = arith.constant 7 : index
    %get3A_1196 = arith.constant 512 : index
    %get3A_1197 = vector.load %arg1[%get3A_1195, %get3A_1196] : memref<13x1024xi32, #tpu.memory_space<vmem>>, vector<1x128xi32>
    %broadcast_in_dim3A_1198 = vector.shape_cast %get3A_1197 : vector<1x128xi32> to vector<1x128xi32>
    %broadcast_in_dim3A_1199 = vector.broadcast %broadcast_in_dim3A_1198 : vector<1x128xi32> to vector<96x128xi32>
    %eq3A_1200 = arith.cmpi eq, %iota3A, %broadcast_in_dim3A_1199 : vector<96x128xi32>
    %jit3A_1201 = arith.constant 1.000000e+00 : f32
    %jit3A_1202 = arith.constant 0.000000e+00 : f32
    %broadcast_in_dim3A_1203 = vector.broadcast %jit3A_1201 : f32 to vector<96x128xf32>
    %broadcast_in_dim3A_1204 = vector.broadcast %jit3A_1202 : f32 to vector<96x128xf32>
    %select_n3A_1205 = arith.select %eq3A_1200, %broadcast_in_dim3A_1203, %broadcast_in_dim3A_1204 : vector<96x128xi1>, vector<96x128xf32>
    %dot_general3A_1206 = arith.constant dense<0.000000e+00> : vector<128x128xf32>
    %dot_general3A_1207 = tpu.matmul %get3A_1, %select_n3A_1205, %dot_general3A_1206 {dimension_numbers = #tpu.dot_dimension_numbers<[1], [0], [0], [1], [0, 0, 1, 1], [], []>, transpose_lhs_hint = false} : vector<128x96xf32>, vector<96x128xf32>, vector<128x128xf32> -> vector<128x128xf32>
    %transpose3A_1208 = tpu.transpose %dot_general3A_1207, [1, 0] : vector<128x128xf32> -> vector<128x128xf32>
    %swap3A_1209 = arith.constant 7 : index
    %swap3A_1210 = arith.constant 512 : index
    %swap3A_1211 = arith.constant 0 : index
    %swap3A_1212 = vector.load %arg3[%swap3A_1209, %swap3A_1210, %swap3A_1211] : memref<13x1024x128xf32, #tpu.memory_space<vmem>>, vector<1x128x128xf32>
    %swap3A_1213 = vector.shape_cast %swap3A_1212 : vector<1x128x128xf32> to vector<128x128xf32>
    %swap3A_1214 = vector.shape_cast %transpose3A_1208 : vector<128x128xf32> to vector<1x128x128xf32>
    tpu.vector_store %arg3[%swap3A_1209, %swap3A_1210, %swap3A_1211], %swap3A_1214 {strides = array<i32>} : memref<13x1024x128xf32, #tpu.memory_space<vmem>>, vector<1x128x128xf32>,
    %get3A_1215 = arith.constant 7 : index
    %get3A_1216 = arith.constant 640 : index
    %get3A_1217 = vector.load %arg1[%get3A_1215, %get3A_1216] : memref<13x1024xi32, #tpu.memory_space<vmem>>, vector<1x128xi32>
    %broadcast_in_dim3A_1218 = vector.shape_cast %get3A_1217 : vector<1x128xi32> to vector<1x128xi32>
    %broadcast_in_dim3A_1219 = vector.broadcast %broadcast_in_dim3A_1218 : vector<1x128xi32> to vector<96x128xi32>
    %eq3A_1220 = arith.cmpi eq, %iota3A, %broadcast_in_dim3A_1219 : vector<96x128xi32>
    %jit3A_1221 = arith.constant 1.000000e+00 : f32
    %jit3A_1222 = arith.constant 0.000000e+00 : f32
    %broadcast_in_dim3A_1223 = vector.broadcast %jit3A_1221 : f32 to vector<96x128xf32>
    %broadcast_in_dim3A_1224 = vector.broadcast %jit3A_1222 : f32 to vector<96x128xf32>
    %select_n3A_1225 = arith.select %eq3A_1220, %broadcast_in_dim3A_1223, %broadcast_in_dim3A_1224 : vector<96x128xi1>, vector<96x128xf32>
    %dot_general3A_1226 = arith.constant dense<0.000000e+00> : vector<128x128xf32>
    %dot_general3A_1227 = tpu.matmul %get3A_1, %select_n3A_1225, %dot_general3A_1226 {dimension_numbers = #tpu.dot_dimension_numbers<[1], [0], [0], [1], [0, 0, 1, 1], [], []>, transpose_lhs_hint = false} : vector<128x96xf32>, vector<96x128xf32>, vector<128x128xf32> -> vector<128x128xf32>
    %transpose3A_1228 = tpu.transpose %dot_general3A_1227, [1, 0] : vector<128x128xf32> -> vector<128x128xf32>
    %swap3A_1229 = arith.constant 7 : index
    %swap3A_1230 = arith.constant 640 : index
    %swap3A_1231 = arith.constant 0 : index
    %swap3A_1232 = vector.load %arg3[%swap3A_1229, %swap3A_1230, %swap3A_1231] : memref<13x1024x128xf32, #tpu.memory_space<vmem>>, vector<1x128x128xf32>
    %swap3A_1233 = vector.shape_cast %swap3A_1232 : vector<1x128x128xf32> to vector<128x128xf32>
    %swap3A_1234 = vector.shape_cast %transpose3A_1228 : vector<128x128xf32> to vector<1x128x128xf32>
    tpu.vector_store %arg3[%swap3A_1229, %swap3A_1230, %swap3A_1231], %swap3A_1234 {strides = array<i32>} : memref<13x1024x128xf32, #tpu.memory_space<vmem>>, vector<1x128x128xf32>,
    %get3A_1235 = arith.constant 7 : index
    %get3A_1236 = arith.constant 768 : index
    %get3A_1237 = vector.load %arg1[%get3A_1235, %get3A_1236] : memref<13x1024xi32, #tpu.memory_space<vmem>>, vector<1x128xi32>
    %broadcast_in_dim3A_1238 = vector.shape_cast %get3A_1237 : vector<1x128xi32> to vector<1x128xi32>
    %broadcast_in_dim3A_1239 = vector.broadcast %broadcast_in_dim3A_1238 : vector<1x128xi32> to vector<96x128xi32>
    %eq3A_1240 = arith.cmpi eq, %iota3A, %broadcast_in_dim3A_1239 : vector<96x128xi32>
    %jit3A_1241 = arith.constant 1.000000e+00 : f32
    %jit3A_1242 = arith.constant 0.000000e+00 : f32
    %broadcast_in_dim3A_1243 = vector.broadcast %jit3A_1241 : f32 to vector<96x128xf32>
    %broadcast_in_dim3A_1244 = vector.broadcast %jit3A_1242 : f32 to vector<96x128xf32>
    %select_n3A_1245 = arith.select %eq3A_1240, %broadcast_in_dim3A_1243, %broadcast_in_dim3A_1244 : vector<96x128xi1>, vector<96x128xf32>
    %dot_general3A_1246 = arith.constant dense<0.000000e+00> : vector<128x128xf32>
    %dot_general3A_1247 = tpu.matmul %get3A_1, %select_n3A_1245, %dot_general3A_1246 {dimension_numbers = #tpu.dot_dimension_numbers<[1], [0], [0], [1], [0, 0, 1, 1], [], []>, transpose_lhs_hint = false} : vector<128x96xf32>, vector<96x128xf32>, vector<128x128xf32> -> vector<128x128xf32>
    %transpose3A_1248 = tpu.transpose %dot_general3A_1247, [1, 0] : vector<128x128xf32> -> vector<128x128xf32>
    %swap3A_1249 = arith.constant 7 : index
    %swap3A_1250 = arith.constant 768 : index
    %swap3A_1251 = arith.constant 0 : index
    %swap3A_1252 = vector.load %arg3[%swap3A_1249, %swap3A_1250, %swap3A_1251] : memref<13x1024x128xf32, #tpu.memory_space<vmem>>, vector<1x128x128xf32>
    %swap3A_1253 = vector.shape_cast %swap3A_1252 : vector<1x128x128xf32> to vector<128x128xf32>
    %swap3A_1254 = vector.shape_cast %transpose3A_1248 : vector<128x128xf32> to vector<1x128x128xf32>
    tpu.vector_store %arg3[%swap3A_1249, %swap3A_1250, %swap3A_1251], %swap3A_1254 {strides = array<i32>} : memref<13x1024x128xf32, #tpu.memory_space<vmem>>, vector<1x128x128xf32>,
    %get3A_1255 = arith.constant 7 : index
    %get3A_1256 = arith.constant 896 : index
    %get3A_1257 = vector.load %arg1[%get3A_1255, %get3A_1256] : memref<13x1024xi32, #tpu.memory_space<vmem>>, vector<1x128xi32>
    %broadcast_in_dim3A_1258 = vector.shape_cast %get3A_1257 : vector<1x128xi32> to vector<1x128xi32>
    %broadcast_in_dim3A_1259 = vector.broadcast %broadcast_in_dim3A_1258 : vector<1x128xi32> to vector<96x128xi32>
    %eq3A_1260 = arith.cmpi eq, %iota3A, %broadcast_in_dim3A_1259 : vector<96x128xi32>
    %jit3A_1261 = arith.constant 1.000000e+00 : f32
    %jit3A_1262 = arith.constant 0.000000e+00 : f32
    %broadcast_in_dim3A_1263 = vector.broadcast %jit3A_1261 : f32 to vector<96x128xf32>
    %broadcast_in_dim3A_1264 = vector.broadcast %jit3A_1262 : f32 to vector<96x128xf32>
    %select_n3A_1265 = arith.select %eq3A_1260, %broadcast_in_dim3A_1263, %broadcast_in_dim3A_1264 : vector<96x128xi1>, vector<96x128xf32>
    %dot_general3A_1266 = arith.constant dense<0.000000e+00> : vector<128x128xf32>
    %dot_general3A_1267 = tpu.matmul %get3A_1, %select_n3A_1265, %dot_general3A_1266 {dimension_numbers = #tpu.dot_dimension_numbers<[1], [0], [0], [1], [0, 0, 1, 1], [], []>, transpose_lhs_hint = false} : vector<128x96xf32>, vector<96x128xf32>, vector<128x128xf32> -> vector<128x128xf32>
    %transpose3A_1268 = tpu.transpose %dot_general3A_1267, [1, 0] : vector<128x128xf32> -> vector<128x128xf32>
    %swap3A_1269 = arith.constant 7 : index
    %swap3A_1270 = arith.constant 896 : index
    %swap3A_1271 = arith.constant 0 : index
    %swap3A_1272 = vector.load %arg3[%swap3A_1269, %swap3A_1270, %swap3A_1271] : memref<13x1024x128xf32, #tpu.memory_space<vmem>>, vector<1x128x128xf32>
    %swap3A_1273 = vector.shape_cast %swap3A_1272 : vector<1x128x128xf32> to vector<128x128xf32>
    %swap3A_1274 = vector.shape_cast %transpose3A_1268 : vector<128x128xf32> to vector<1x128x128xf32>
    tpu.vector_store %arg3[%swap3A_1269, %swap3A_1270, %swap3A_1271], %swap3A_1274 {strides = array<i32>} : memref<13x1024x128xf32, #tpu.memory_space<vmem>>, vector<1x128x128xf32>,
    %get3A_1275 = arith.constant 8 : index
    %get3A_1276 = arith.constant 0 : index
    %get3A_1277 = vector.load %arg1[%get3A_1275, %get3A_1276] : memref<13x1024xi32, #tpu.memory_space<vmem>>, vector<1x128xi32>
    %broadcast_in_dim3A_1278 = vector.shape_cast %get3A_1277 : vector<1x128xi32> to vector<1x128xi32>
    %broadcast_in_dim3A_1279 = vector.broadcast %broadcast_in_dim3A_1278 : vector<1x128xi32> to vector<96x128xi32>
    %eq3A_1280 = arith.cmpi eq, %iota3A, %broadcast_in_dim3A_1279 : vector<96x128xi32>
    %jit3A_1281 = arith.constant 1.000000e+00 : f32
    %jit3A_1282 = arith.constant 0.000000e+00 : f32
    %broadcast_in_dim3A_1283 = vector.broadcast %jit3A_1281 : f32 to vector<96x128xf32>
    %broadcast_in_dim3A_1284 = vector.broadcast %jit3A_1282 : f32 to vector<96x128xf32>
    %select_n3A_1285 = arith.select %eq3A_1280, %broadcast_in_dim3A_1283, %broadcast_in_dim3A_1284 : vector<96x128xi1>, vector<96x128xf32>
    %dot_general3A_1286 = arith.constant dense<0.000000e+00> : vector<128x128xf32>
    %dot_general3A_1287 = tpu.matmul %get3A_1, %select_n3A_1285, %dot_general3A_1286 {dimension_numbers = #tpu.dot_dimension_numbers<[1], [0], [0], [1], [0, 0, 1, 1], [], []>, transpose_lhs_hint = false} : vector<128x96xf32>, vector<96x128xf32>, vector<128x128xf32> -> vector<128x128xf32>
    %transpose3A_1288 = tpu.transpose %dot_general3A_1287, [1, 0] : vector<128x128xf32> -> vector<128x128xf32>
    %swap3A_1289 = arith.constant 8 : index
    %swap3A_1290 = arith.constant 0 : index
    %swap3A_1291 = arith.constant 0 : index
    %swap3A_1292 = vector.load %arg3[%swap3A_1289, %swap3A_1290, %swap3A_1291] : memref<13x1024x128xf32, #tpu.memory_space<vmem>>, vector<1x128x128xf32>
    %swap3A_1293 = vector.shape_cast %swap3A_1292 : vector<1x128x128xf32> to vector<128x128xf32>
    %swap3A_1294 = vector.shape_cast %transpose3A_1288 : vector<128x128xf32> to vector<1x128x128xf32>
    tpu.vector_store %arg3[%swap3A_1289, %swap3A_1290, %swap3A_1291], %swap3A_1294 {strides = array<i32>} : memref<13x1024x128xf32, #tpu.memory_space<vmem>>, vector<1x128x128xf32>,
    %get3A_1295 = arith.constant 8 : index
    %get3A_1296 = arith.constant 128 : index
    %get3A_1297 = vector.load %arg1[%get3A_1295, %get3A_1296] : memref<13x1024xi32, #tpu.memory_space<vmem>>, vector<1x128xi32>
    %broadcast_in_dim3A_1298 = vector.shape_cast %get3A_1297 : vector<1x128xi32> to vector<1x128xi32>
    %broadcast_in_dim3A_1299 = vector.broadcast %broadcast_in_dim3A_1298 : vector<1x128xi32> to vector<96x128xi32>
    %eq3A_1300 = arith.cmpi eq, %iota3A, %broadcast_in_dim3A_1299 : vector<96x128xi32>
    %jit3A_1301 = arith.constant 1.000000e+00 : f32
    %jit3A_1302 = arith.constant 0.000000e+00 : f32
    %broadcast_in_dim3A_1303 = vector.broadcast %jit3A_1301 : f32 to vector<96x128xf32>
    %broadcast_in_dim3A_1304 = vector.broadcast %jit3A_1302 : f32 to vector<96x128xf32>
    %select_n3A_1305 = arith.select %eq3A_1300, %broadcast_in_dim3A_1303, %broadcast_in_dim3A_1304 : vector<96x128xi1>, vector<96x128xf32>
    %dot_general3A_1306 = arith.constant dense<0.000000e+00> : vector<128x128xf32>
    %dot_general3A_1307 = tpu.matmul %get3A_1, %select_n3A_1305, %dot_general3A_1306 {dimension_numbers = #tpu.dot_dimension_numbers<[1], [0], [0], [1], [0, 0, 1, 1], [], []>, transpose_lhs_hint = false} : vector<128x96xf32>, vector<96x128xf32>, vector<128x128xf32> -> vector<128x128xf32>
    %transpose3A_1308 = tpu.transpose %dot_general3A_1307, [1, 0] : vector<128x128xf32> -> vector<128x128xf32>
    %swap3A_1309 = arith.constant 8 : index
    %swap3A_1310 = arith.constant 128 : index
    %swap3A_1311 = arith.constant 0 : index
    %swap3A_1312 = vector.load %arg3[%swap3A_1309, %swap3A_1310, %swap3A_1311] : memref<13x1024x128xf32, #tpu.memory_space<vmem>>, vector<1x128x128xf32>
    %swap3A_1313 = vector.shape_cast %swap3A_1312 : vector<1x128x128xf32> to vector<128x128xf32>
    %swap3A_1314 = vector.shape_cast %transpose3A_1308 : vector<128x128xf32> to vector<1x128x128xf32>
    tpu.vector_store %arg3[%swap3A_1309, %swap3A_1310, %swap3A_1311], %swap3A_1314 {strides = array<i32>} : memref<13x1024x128xf32, #tpu.memory_space<vmem>>, vector<1x128x128xf32>,
    %get3A_1315 = arith.constant 8 : index
    %get3A_1316 = arith.constant 256 : index
    %get3A_1317 = vector.load %arg1[%get3A_1315, %get3A_1316] : memref<13x1024xi32, #tpu.memory_space<vmem>>, vector<1x128xi32>
    %broadcast_in_dim3A_1318 = vector.shape_cast %get3A_1317 : vector<1x128xi32> to vector<1x128xi32>
    %broadcast_in_dim3A_1319 = vector.broadcast %broadcast_in_dim3A_1318 : vector<1x128xi32> to vector<96x128xi32>
    %eq3A_1320 = arith.cmpi eq, %iota3A, %broadcast_in_dim3A_1319 : vector<96x128xi32>
    %jit3A_1321 = arith.constant 1.000000e+00 : f32
    %jit3A_1322 = arith.constant 0.000000e+00 : f32
    %broadcast_in_dim3A_1323 = vector.broadcast %jit3A_1321 : f32 to vector<96x128xf32>
    %broadcast_in_dim3A_1324 = vector.broadcast %jit3A_1322 : f32 to vector<96x128xf32>
    %select_n3A_1325 = arith.select %eq3A_1320, %broadcast_in_dim3A_1323, %broadcast_in_dim3A_1324 : vector<96x128xi1>, vector<96x128xf32>
    %dot_general3A_1326 = arith.constant dense<0.000000e+00> : vector<128x128xf32>
    %dot_general3A_1327 = tpu.matmul %get3A_1, %select_n3A_1325, %dot_general3A_1326 {dimension_numbers = #tpu.dot_dimension_numbers<[1], [0], [0], [1], [0, 0, 1, 1], [], []>, transpose_lhs_hint = false} : vector<128x96xf32>, vector<96x128xf32>, vector<128x128xf32> -> vector<128x128xf32>
    %transpose3A_1328 = tpu.transpose %dot_general3A_1327, [1, 0] : vector<128x128xf32> -> vector<128x128xf32>
    %swap3A_1329 = arith.constant 8 : index
    %swap3A_1330 = arith.constant 256 : index
    %swap3A_1331 = arith.constant 0 : index
    %swap3A_1332 = vector.load %arg3[%swap3A_1329, %swap3A_1330, %swap3A_1331] : memref<13x1024x128xf32, #tpu.memory_space<vmem>>, vector<1x128x128xf32>
    %swap3A_1333 = vector.shape_cast %swap3A_1332 : vector<1x128x128xf32> to vector<128x128xf32>
    %swap3A_1334 = vector.shape_cast %transpose3A_1328 : vector<128x128xf32> to vector<1x128x128xf32>
    tpu.vector_store %arg3[%swap3A_1329, %swap3A_1330, %swap3A_1331], %swap3A_1334 {strides = array<i32>} : memref<13x1024x128xf32, #tpu.memory_space<vmem>>, vector<1x128x128xf32>,
    %get3A_1335 = arith.constant 8 : index
    %get3A_1336 = arith.constant 384 : index
    %get3A_1337 = vector.load %arg1[%get3A_1335, %get3A_1336] : memref<13x1024xi32, #tpu.memory_space<vmem>>, vector<1x128xi32>
    %broadcast_in_dim3A_1338 = vector.shape_cast %get3A_1337 : vector<1x128xi32> to vector<1x128xi32>
    %broadcast_in_dim3A_1339 = vector.broadcast %broadcast_in_dim3A_1338 : vector<1x128xi32> to vector<96x128xi32>
    %eq3A_1340 = arith.cmpi eq, %iota3A, %broadcast_in_dim3A_1339 : vector<96x128xi32>
    %jit3A_1341 = arith.constant 1.000000e+00 : f32
    %jit3A_1342 = arith.constant 0.000000e+00 : f32
    %broadcast_in_dim3A_1343 = vector.broadcast %jit3A_1341 : f32 to vector<96x128xf32>
    %broadcast_in_dim3A_1344 = vector.broadcast %jit3A_1342 : f32 to vector<96x128xf32>
    %select_n3A_1345 = arith.select %eq3A_1340, %broadcast_in_dim3A_1343, %broadcast_in_dim3A_1344 : vector<96x128xi1>, vector<96x128xf32>
    %dot_general3A_1346 = arith.constant dense<0.000000e+00> : vector<128x128xf32>
    %dot_general3A_1347 = tpu.matmul %get3A_1, %select_n3A_1345, %dot_general3A_1346 {dimension_numbers = #tpu.dot_dimension_numbers<[1], [0], [0], [1], [0, 0, 1, 1], [], []>, transpose_lhs_hint = false} : vector<128x96xf32>, vector<96x128xf32>, vector<128x128xf32> -> vector<128x128xf32>
    %transpose3A_1348 = tpu.transpose %dot_general3A_1347, [1, 0] : vector<128x128xf32> -> vector<128x128xf32>
    %swap3A_1349 = arith.constant 8 : index
    %swap3A_1350 = arith.constant 384 : index
    %swap3A_1351 = arith.constant 0 : index
    %swap3A_1352 = vector.load %arg3[%swap3A_1349, %swap3A_1350, %swap3A_1351] : memref<13x1024x128xf32, #tpu.memory_space<vmem>>, vector<1x128x128xf32>
    %swap3A_1353 = vector.shape_cast %swap3A_1352 : vector<1x128x128xf32> to vector<128x128xf32>
    %swap3A_1354 = vector.shape_cast %transpose3A_1348 : vector<128x128xf32> to vector<1x128x128xf32>
    tpu.vector_store %arg3[%swap3A_1349, %swap3A_1350, %swap3A_1351], %swap3A_1354 {strides = array<i32>} : memref<13x1024x128xf32, #tpu.memory_space<vmem>>, vector<1x128x128xf32>,
    %get3A_1355 = arith.constant 8 : index
    %get3A_1356 = arith.constant 512 : index
    %get3A_1357 = vector.load %arg1[%get3A_1355, %get3A_1356] : memref<13x1024xi32, #tpu.memory_space<vmem>>, vector<1x128xi32>
    %broadcast_in_dim3A_1358 = vector.shape_cast %get3A_1357 : vector<1x128xi32> to vector<1x128xi32>
    %broadcast_in_dim3A_1359 = vector.broadcast %broadcast_in_dim3A_1358 : vector<1x128xi32> to vector<96x128xi32>
    %eq3A_1360 = arith.cmpi eq, %iota3A, %broadcast_in_dim3A_1359 : vector<96x128xi32>
    %jit3A_1361 = arith.constant 1.000000e+00 : f32
    %jit3A_1362 = arith.constant 0.000000e+00 : f32
    %broadcast_in_dim3A_1363 = vector.broadcast %jit3A_1361 : f32 to vector<96x128xf32>
    %broadcast_in_dim3A_1364 = vector.broadcast %jit3A_1362 : f32 to vector<96x128xf32>
    %select_n3A_1365 = arith.select %eq3A_1360, %broadcast_in_dim3A_1363, %broadcast_in_dim3A_1364 : vector<96x128xi1>, vector<96x128xf32>
    %dot_general3A_1366 = arith.constant dense<0.000000e+00> : vector<128x128xf32>
    %dot_general3A_1367 = tpu.matmul %get3A_1, %select_n3A_1365, %dot_general3A_1366 {dimension_numbers = #tpu.dot_dimension_numbers<[1], [0], [0], [1], [0, 0, 1, 1], [], []>, transpose_lhs_hint = false} : vector<128x96xf32>, vector<96x128xf32>, vector<128x128xf32> -> vector<128x128xf32>
    %transpose3A_1368 = tpu.transpose %dot_general3A_1367, [1, 0] : vector<128x128xf32> -> vector<128x128xf32>
    %swap3A_1369 = arith.constant 8 : index
    %swap3A_1370 = arith.constant 512 : index
    %swap3A_1371 = arith.constant 0 : index
    %swap3A_1372 = vector.load %arg3[%swap3A_1369, %swap3A_1370, %swap3A_1371] : memref<13x1024x128xf32, #tpu.memory_space<vmem>>, vector<1x128x128xf32>
    %swap3A_1373 = vector.shape_cast %swap3A_1372 : vector<1x128x128xf32> to vector<128x128xf32>
    %swap3A_1374 = vector.shape_cast %transpose3A_1368 : vector<128x128xf32> to vector<1x128x128xf32>
    tpu.vector_store %arg3[%swap3A_1369, %swap3A_1370, %swap3A_1371], %swap3A_1374 {strides = array<i32>} : memref<13x1024x128xf32, #tpu.memory_space<vmem>>, vector<1x128x128xf32>,
    %get3A_1375 = arith.constant 8 : index
    %get3A_1376 = arith.constant 640 : index
    %get3A_1377 = vector.load %arg1[%get3A_1375, %get3A_1376] : memref<13x1024xi32, #tpu.memory_space<vmem>>, vector<1x128xi32>
    %broadcast_in_dim3A_1378 = vector.shape_cast %get3A_1377 : vector<1x128xi32> to vector<1x128xi32>
    %broadcast_in_dim3A_1379 = vector.broadcast %broadcast_in_dim3A_1378 : vector<1x128xi32> to vector<96x128xi32>
    %eq3A_1380 = arith.cmpi eq, %iota3A, %broadcast_in_dim3A_1379 : vector<96x128xi32>
    %jit3A_1381 = arith.constant 1.000000e+00 : f32
    %jit3A_1382 = arith.constant 0.000000e+00 : f32
    %broadcast_in_dim3A_1383 = vector.broadcast %jit3A_1381 : f32 to vector<96x128xf32>
    %broadcast_in_dim3A_1384 = vector.broadcast %jit3A_1382 : f32 to vector<96x128xf32>
    %select_n3A_1385 = arith.select %eq3A_1380, %broadcast_in_dim3A_1383, %broadcast_in_dim3A_1384 : vector<96x128xi1>, vector<96x128xf32>
    %dot_general3A_1386 = arith.constant dense<0.000000e+00> : vector<128x128xf32>
    %dot_general3A_1387 = tpu.matmul %get3A_1, %select_n3A_1385, %dot_general3A_1386 {dimension_numbers = #tpu.dot_dimension_numbers<[1], [0], [0], [1], [0, 0, 1, 1], [], []>, transpose_lhs_hint = false} : vector<128x96xf32>, vector<96x128xf32>, vector<128x128xf32> -> vector<128x128xf32>
    %transpose3A_1388 = tpu.transpose %dot_general3A_1387, [1, 0] : vector<128x128xf32> -> vector<128x128xf32>
    %swap3A_1389 = arith.constant 8 : index
    %swap3A_1390 = arith.constant 640 : index
    %swap3A_1391 = arith.constant 0 : index
    %swap3A_1392 = vector.load %arg3[%swap3A_1389, %swap3A_1390, %swap3A_1391] : memref<13x1024x128xf32, #tpu.memory_space<vmem>>, vector<1x128x128xf32>
    %swap3A_1393 = vector.shape_cast %swap3A_1392 : vector<1x128x128xf32> to vector<128x128xf32>
    %swap3A_1394 = vector.shape_cast %transpose3A_1388 : vector<128x128xf32> to vector<1x128x128xf32>
    tpu.vector_store %arg3[%swap3A_1389, %swap3A_1390, %swap3A_1391], %swap3A_1394 {strides = array<i32>} : memref<13x1024x128xf32, #tpu.memory_space<vmem>>, vector<1x128x128xf32>,
    %get3A_1395 = arith.constant 8 : index
    %get3A_1396 = arith.constant 768 : index
    %get3A_1397 = vector.load %arg1[%get3A_1395, %get3A_1396] : memref<13x1024xi32, #tpu.memory_space<vmem>>, vector<1x128xi32>
    %broadcast_in_dim3A_1398 = vector.shape_cast %get3A_1397 : vector<1x128xi32> to vector<1x128xi32>
    %broadcast_in_dim3A_1399 = vector.broadcast %broadcast_in_dim3A_1398 : vector<1x128xi32> to vector<96x128xi32>
    %eq3A_1400 = arith.cmpi eq, %iota3A, %broadcast_in_dim3A_1399 : vector<96x128xi32>
    %jit3A_1401 = arith.constant 1.000000e+00 : f32
    %jit3A_1402 = arith.constant 0.000000e+00 : f32
    %broadcast_in_dim3A_1403 = vector.broadcast %jit3A_1401 : f32 to vector<96x128xf32>
    %broadcast_in_dim3A_1404 = vector.broadcast %jit3A_1402 : f32 to vector<96x128xf32>
    %select_n3A_1405 = arith.select %eq3A_1400, %broadcast_in_dim3A_1403, %broadcast_in_dim3A_1404 : vector<96x128xi1>, vector<96x128xf32>
    %dot_general3A_1406 = arith.constant dense<0.000000e+00> : vector<128x128xf32>
    %dot_general3A_1407 = tpu.matmul %get3A_1, %select_n3A_1405, %dot_general3A_1406 {dimension_numbers = #tpu.dot_dimension_numbers<[1], [0], [0], [1], [0, 0, 1, 1], [], []>, transpose_lhs_hint = false} : vector<128x96xf32>, vector<96x128xf32>, vector<128x128xf32> -> vector<128x128xf32>
    %transpose3A_1408 = tpu.transpose %dot_general3A_1407, [1, 0] : vector<128x128xf32> -> vector<128x128xf32>
    %swap3A_1409 = arith.constant 8 : index
    %swap3A_1410 = arith.constant 768 : index
    %swap3A_1411 = arith.constant 0 : index
    %swap3A_1412 = vector.load %arg3[%swap3A_1409, %swap3A_1410, %swap3A_1411] : memref<13x1024x128xf32, #tpu.memory_space<vmem>>, vector<1x128x128xf32>
    %swap3A_1413 = vector.shape_cast %swap3A_1412 : vector<1x128x128xf32> to vector<128x128xf32>
    %swap3A_1414 = vector.shape_cast %transpose3A_1408 : vector<128x128xf32> to vector<1x128x128xf32>
    tpu.vector_store %arg3[%swap3A_1409, %swap3A_1410, %swap3A_1411], %swap3A_1414 {strides = array<i32>} : memref<13x1024x128xf32, #tpu.memory_space<vmem>>, vector<1x128x128xf32>,
    %get3A_1415 = arith.constant 8 : index
    %get3A_1416 = arith.constant 896 : index
    %get3A_1417 = vector.load %arg1[%get3A_1415, %get3A_1416] : memref<13x1024xi32, #tpu.memory_space<vmem>>, vector<1x128xi32>
    %broadcast_in_dim3A_1418 = vector.shape_cast %get3A_1417 : vector<1x128xi32> to vector<1x128xi32>
    %broadcast_in_dim3A_1419 = vector.broadcast %broadcast_in_dim3A_1418 : vector<1x128xi32> to vector<96x128xi32>
    %eq3A_1420 = arith.cmpi eq, %iota3A, %broadcast_in_dim3A_1419 : vector<96x128xi32>
    %jit3A_1421 = arith.constant 1.000000e+00 : f32
    %jit3A_1422 = arith.constant 0.000000e+00 : f32
    %broadcast_in_dim3A_1423 = vector.broadcast %jit3A_1421 : f32 to vector<96x128xf32>
    %broadcast_in_dim3A_1424 = vector.broadcast %jit3A_1422 : f32 to vector<96x128xf32>
    %select_n3A_1425 = arith.select %eq3A_1420, %broadcast_in_dim3A_1423, %broadcast_in_dim3A_1424 : vector<96x128xi1>, vector<96x128xf32>
    %dot_general3A_1426 = arith.constant dense<0.000000e+00> : vector<128x128xf32>
    %dot_general3A_1427 = tpu.matmul %get3A_1, %select_n3A_1425, %dot_general3A_1426 {dimension_numbers = #tpu.dot_dimension_numbers<[1], [0], [0], [1], [0, 0, 1, 1], [], []>, transpose_lhs_hint = false} : vector<128x96xf32>, vector<96x128xf32>, vector<128x128xf32> -> vector<128x128xf32>
    %transpose3A_1428 = tpu.transpose %dot_general3A_1427, [1, 0] : vector<128x128xf32> -> vector<128x128xf32>
    %swap3A_1429 = arith.constant 8 : index
    %swap3A_1430 = arith.constant 896 : index
    %swap3A_1431 = arith.constant 0 : index
    %swap3A_1432 = vector.load %arg3[%swap3A_1429, %swap3A_1430, %swap3A_1431] : memref<13x1024x128xf32, #tpu.memory_space<vmem>>, vector<1x128x128xf32>
    %swap3A_1433 = vector.shape_cast %swap3A_1432 : vector<1x128x128xf32> to vector<128x128xf32>
    %swap3A_1434 = vector.shape_cast %transpose3A_1428 : vector<128x128xf32> to vector<1x128x128xf32>
    tpu.vector_store %arg3[%swap3A_1429, %swap3A_1430, %swap3A_1431], %swap3A_1434 {strides = array<i32>} : memref<13x1024x128xf32, #tpu.memory_space<vmem>>, vector<1x128x128xf32>,
    %get3A_1435 = arith.constant 9 : index
    %get3A_1436 = arith.constant 0 : index
    %get3A_1437 = vector.load %arg1[%get3A_1435, %get3A_1436] : memref<13x1024xi32, #tpu.memory_space<vmem>>, vector<1x128xi32>
    %broadcast_in_dim3A_1438 = vector.shape_cast %get3A_1437 : vector<1x128xi32> to vector<1x128xi32>
    %broadcast_in_dim3A_1439 = vector.broadcast %broadcast_in_dim3A_1438 : vector<1x128xi32> to vector<96x128xi32>
    %eq3A_1440 = arith.cmpi eq, %iota3A, %broadcast_in_dim3A_1439 : vector<96x128xi32>
    %jit3A_1441 = arith.constant 1.000000e+00 : f32
    %jit3A_1442 = arith.constant 0.000000e+00 : f32
    %broadcast_in_dim3A_1443 = vector.broadcast %jit3A_1441 : f32 to vector<96x128xf32>
    %broadcast_in_dim3A_1444 = vector.broadcast %jit3A_1442 : f32 to vector<96x128xf32>
    %select_n3A_1445 = arith.select %eq3A_1440, %broadcast_in_dim3A_1443, %broadcast_in_dim3A_1444 : vector<96x128xi1>, vector<96x128xf32>
    %dot_general3A_1446 = arith.constant dense<0.000000e+00> : vector<128x128xf32>
    %dot_general3A_1447 = tpu.matmul %get3A_1, %select_n3A_1445, %dot_general3A_1446 {dimension_numbers = #tpu.dot_dimension_numbers<[1], [0], [0], [1], [0, 0, 1, 1], [], []>, transpose_lhs_hint = false} : vector<128x96xf32>, vector<96x128xf32>, vector<128x128xf32> -> vector<128x128xf32>
    %transpose3A_1448 = tpu.transpose %dot_general3A_1447, [1, 0] : vector<128x128xf32> -> vector<128x128xf32>
    %swap3A_1449 = arith.constant 9 : index
    %swap3A_1450 = arith.constant 0 : index
    %swap3A_1451 = arith.constant 0 : index
    %swap3A_1452 = vector.load %arg3[%swap3A_1449, %swap3A_1450, %swap3A_1451] : memref<13x1024x128xf32, #tpu.memory_space<vmem>>, vector<1x128x128xf32>
    %swap3A_1453 = vector.shape_cast %swap3A_1452 : vector<1x128x128xf32> to vector<128x128xf32>
    %swap3A_1454 = vector.shape_cast %transpose3A_1448 : vector<128x128xf32> to vector<1x128x128xf32>
    tpu.vector_store %arg3[%swap3A_1449, %swap3A_1450, %swap3A_1451], %swap3A_1454 {strides = array<i32>} : memref<13x1024x128xf32, #tpu.memory_space<vmem>>, vector<1x128x128xf32>,
    %get3A_1455 = arith.constant 9 : index
    %get3A_1456 = arith.constant 128 : index
    %get3A_1457 = vector.load %arg1[%get3A_1455, %get3A_1456] : memref<13x1024xi32, #tpu.memory_space<vmem>>, vector<1x128xi32>
    %broadcast_in_dim3A_1458 = vector.shape_cast %get3A_1457 : vector<1x128xi32> to vector<1x128xi32>
    %broadcast_in_dim3A_1459 = vector.broadcast %broadcast_in_dim3A_1458 : vector<1x128xi32> to vector<96x128xi32>
    %eq3A_1460 = arith.cmpi eq, %iota3A, %broadcast_in_dim3A_1459 : vector<96x128xi32>
    %jit3A_1461 = arith.constant 1.000000e+00 : f32
    %jit3A_1462 = arith.constant 0.000000e+00 : f32
    %broadcast_in_dim3A_1463 = vector.broadcast %jit3A_1461 : f32 to vector<96x128xf32>
    %broadcast_in_dim3A_1464 = vector.broadcast %jit3A_1462 : f32 to vector<96x128xf32>
    %select_n3A_1465 = arith.select %eq3A_1460, %broadcast_in_dim3A_1463, %broadcast_in_dim3A_1464 : vector<96x128xi1>, vector<96x128xf32>
    %dot_general3A_1466 = arith.constant dense<0.000000e+00> : vector<128x128xf32>
    %dot_general3A_1467 = tpu.matmul %get3A_1, %select_n3A_1465, %dot_general3A_1466 {dimension_numbers = #tpu.dot_dimension_numbers<[1], [0], [0], [1], [0, 0, 1, 1], [], []>, transpose_lhs_hint = false} : vector<128x96xf32>, vector<96x128xf32>, vector<128x128xf32> -> vector<128x128xf32>
    %transpose3A_1468 = tpu.transpose %dot_general3A_1467, [1, 0] : vector<128x128xf32> -> vector<128x128xf32>
    %swap3A_1469 = arith.constant 9 : index
    %swap3A_1470 = arith.constant 128 : index
    %swap3A_1471 = arith.constant 0 : index
    %swap3A_1472 = vector.load %arg3[%swap3A_1469, %swap3A_1470, %swap3A_1471] : memref<13x1024x128xf32, #tpu.memory_space<vmem>>, vector<1x128x128xf32>
    %swap3A_1473 = vector.shape_cast %swap3A_1472 : vector<1x128x128xf32> to vector<128x128xf32>
    %swap3A_1474 = vector.shape_cast %transpose3A_1468 : vector<128x128xf32> to vector<1x128x128xf32>
    tpu.vector_store %arg3[%swap3A_1469, %swap3A_1470, %swap3A_1471], %swap3A_1474 {strides = array<i32>} : memref<13x1024x128xf32, #tpu.memory_space<vmem>>, vector<1x128x128xf32>,
    %get3A_1475 = arith.constant 9 : index
    %get3A_1476 = arith.constant 256 : index
    %get3A_1477 = vector.load %arg1[%get3A_1475, %get3A_1476] : memref<13x1024xi32, #tpu.memory_space<vmem>>, vector<1x128xi32>
    %broadcast_in_dim3A_1478 = vector.shape_cast %get3A_1477 : vector<1x128xi32> to vector<1x128xi32>
    %broadcast_in_dim3A_1479 = vector.broadcast %broadcast_in_dim3A_1478 : vector<1x128xi32> to vector<96x128xi32>
    %eq3A_1480 = arith.cmpi eq, %iota3A, %broadcast_in_dim3A_1479 : vector<96x128xi32>
    %jit3A_1481 = arith.constant 1.000000e+00 : f32
    %jit3A_1482 = arith.constant 0.000000e+00 : f32
    %broadcast_in_dim3A_1483 = vector.broadcast %jit3A_1481 : f32 to vector<96x128xf32>
    %broadcast_in_dim3A_1484 = vector.broadcast %jit3A_1482 : f32 to vector<96x128xf32>
    %select_n3A_1485 = arith.select %eq3A_1480, %broadcast_in_dim3A_1483, %broadcast_in_dim3A_1484 : vector<96x128xi1>, vector<96x128xf32>
    %dot_general3A_1486 = arith.constant dense<0.000000e+00> : vector<128x128xf32>
    %dot_general3A_1487 = tpu.matmul %get3A_1, %select_n3A_1485, %dot_general3A_1486 {dimension_numbers = #tpu.dot_dimension_numbers<[1], [0], [0], [1], [0, 0, 1, 1], [], []>, transpose_lhs_hint = false} : vector<128x96xf32>, vector<96x128xf32>, vector<128x128xf32> -> vector<128x128xf32>
    %transpose3A_1488 = tpu.transpose %dot_general3A_1487, [1, 0] : vector<128x128xf32> -> vector<128x128xf32>
    %swap3A_1489 = arith.constant 9 : index
    %swap3A_1490 = arith.constant 256 : index
    %swap3A_1491 = arith.constant 0 : index
    %swap3A_1492 = vector.load %arg3[%swap3A_1489, %swap3A_1490, %swap3A_1491] : memref<13x1024x128xf32, #tpu.memory_space<vmem>>, vector<1x128x128xf32>
    %swap3A_1493 = vector.shape_cast %swap3A_1492 : vector<1x128x128xf32> to vector<128x128xf32>
    %swap3A_1494 = vector.shape_cast %transpose3A_1488 : vector<128x128xf32> to vector<1x128x128xf32>
    tpu.vector_store %arg3[%swap3A_1489, %swap3A_1490, %swap3A_1491], %swap3A_1494 {strides = array<i32>} : memref<13x1024x128xf32, #tpu.memory_space<vmem>>, vector<1x128x128xf32>,
    %get3A_1495 = arith.constant 9 : index
    %get3A_1496 = arith.constant 384 : index
    %get3A_1497 = vector.load %arg1[%get3A_1495, %get3A_1496] : memref<13x1024xi32, #tpu.memory_space<vmem>>, vector<1x128xi32>
    %broadcast_in_dim3A_1498 = vector.shape_cast %get3A_1497 : vector<1x128xi32> to vector<1x128xi32>
    %broadcast_in_dim3A_1499 = vector.broadcast %broadcast_in_dim3A_1498 : vector<1x128xi32> to vector<96x128xi32>
    %eq3A_1500 = arith.cmpi eq, %iota3A, %broadcast_in_dim3A_1499 : vector<96x128xi32>
    %jit3A_1501 = arith.constant 1.000000e+00 : f32
    %jit3A_1502 = arith.constant 0.000000e+00 : f32
    %broadcast_in_dim3A_1503 = vector.broadcast %jit3A_1501 : f32 to vector<96x128xf32>
    %broadcast_in_dim3A_1504 = vector.broadcast %jit3A_1502 : f32 to vector<96x128xf32>
    %select_n3A_1505 = arith.select %eq3A_1500, %broadcast_in_dim3A_1503, %broadcast_in_dim3A_1504 : vector<96x128xi1>, vector<96x128xf32>
    %dot_general3A_1506 = arith.constant dense<0.000000e+00> : vector<128x128xf32>
    %dot_general3A_1507 = tpu.matmul %get3A_1, %select_n3A_1505, %dot_general3A_1506 {dimension_numbers = #tpu.dot_dimension_numbers<[1], [0], [0], [1], [0, 0, 1, 1], [], []>, transpose_lhs_hint = false} : vector<128x96xf32>, vector<96x128xf32>, vector<128x128xf32> -> vector<128x128xf32>
    %transpose3A_1508 = tpu.transpose %dot_general3A_1507, [1, 0] : vector<128x128xf32> -> vector<128x128xf32>
    %swap3A_1509 = arith.constant 9 : index
    %swap3A_1510 = arith.constant 384 : index
    %swap3A_1511 = arith.constant 0 : index
    %swap3A_1512 = vector.load %arg3[%swap3A_1509, %swap3A_1510, %swap3A_1511] : memref<13x1024x128xf32, #tpu.memory_space<vmem>>, vector<1x128x128xf32>
    %swap3A_1513 = vector.shape_cast %swap3A_1512 : vector<1x128x128xf32> to vector<128x128xf32>
    %swap3A_1514 = vector.shape_cast %transpose3A_1508 : vector<128x128xf32> to vector<1x128x128xf32>
    tpu.vector_store %arg3[%swap3A_1509, %swap3A_1510, %swap3A_1511], %swap3A_1514 {strides = array<i32>} : memref<13x1024x128xf32, #tpu.memory_space<vmem>>, vector<1x128x128xf32>,
    %get3A_1515 = arith.constant 9 : index
    %get3A_1516 = arith.constant 512 : index
    %get3A_1517 = vector.load %arg1[%get3A_1515, %get3A_1516] : memref<13x1024xi32, #tpu.memory_space<vmem>>, vector<1x128xi32>
    %broadcast_in_dim3A_1518 = vector.shape_cast %get3A_1517 : vector<1x128xi32> to vector<1x128xi32>
    %broadcast_in_dim3A_1519 = vector.broadcast %broadcast_in_dim3A_1518 : vector<1x128xi32> to vector<96x128xi32>
    %eq3A_1520 = arith.cmpi eq, %iota3A, %broadcast_in_dim3A_1519 : vector<96x128xi32>
    %jit3A_1521 = arith.constant 1.000000e+00 : f32
    %jit3A_1522 = arith.constant 0.000000e+00 : f32
    %broadcast_in_dim3A_1523 = vector.broadcast %jit3A_1521 : f32 to vector<96x128xf32>
    %broadcast_in_dim3A_1524 = vector.broadcast %jit3A_1522 : f32 to vector<96x128xf32>
    %select_n3A_1525 = arith.select %eq3A_1520, %broadcast_in_dim3A_1523, %broadcast_in_dim3A_1524 : vector<96x128xi1>, vector<96x128xf32>
    %dot_general3A_1526 = arith.constant dense<0.000000e+00> : vector<128x128xf32>
    %dot_general3A_1527 = tpu.matmul %get3A_1, %select_n3A_1525, %dot_general3A_1526 {dimension_numbers = #tpu.dot_dimension_numbers<[1], [0], [0], [1], [0, 0, 1, 1], [], []>, transpose_lhs_hint = false} : vector<128x96xf32>, vector<96x128xf32>, vector<128x128xf32> -> vector<128x128xf32>
    %transpose3A_1528 = tpu.transpose %dot_general3A_1527, [1, 0] : vector<128x128xf32> -> vector<128x128xf32>
    %swap3A_1529 = arith.constant 9 : index
    %swap3A_1530 = arith.constant 512 : index
    %swap3A_1531 = arith.constant 0 : index
    %swap3A_1532 = vector.load %arg3[%swap3A_1529, %swap3A_1530, %swap3A_1531] : memref<13x1024x128xf32, #tpu.memory_space<vmem>>, vector<1x128x128xf32>
    %swap3A_1533 = vector.shape_cast %swap3A_1532 : vector<1x128x128xf32> to vector<128x128xf32>
    %swap3A_1534 = vector.shape_cast %transpose3A_1528 : vector<128x128xf32> to vector<1x128x128xf32>
    tpu.vector_store %arg3[%swap3A_1529, %swap3A_1530, %swap3A_1531], %swap3A_1534 {strides = array<i32>} : memref<13x1024x128xf32, #tpu.memory_space<vmem>>, vector<1x128x128xf32>,
    %get3A_1535 = arith.constant 9 : index
    %get3A_1536 = arith.constant 640 : index
    %get3A_1537 = vector.load %arg1[%get3A_1535, %get3A_1536] : memref<13x1024xi32, #tpu.memory_space<vmem>>, vector<1x128xi32>
    %broadcast_in_dim3A_1538 = vector.shape_cast %get3A_1537 : vector<1x128xi32> to vector<1x128xi32>
    %broadcast_in_dim3A_1539 = vector.broadcast %broadcast_in_dim3A_1538 : vector<1x128xi32> to vector<96x128xi32>
    %eq3A_1540 = arith.cmpi eq, %iota3A, %broadcast_in_dim3A_1539 : vector<96x128xi32>
    %jit3A_1541 = arith.constant 1.000000e+00 : f32
    %jit3A_1542 = arith.constant 0.000000e+00 : f32
    %broadcast_in_dim3A_1543 = vector.broadcast %jit3A_1541 : f32 to vector<96x128xf32>
    %broadcast_in_dim3A_1544 = vector.broadcast %jit3A_1542 : f32 to vector<96x128xf32>
    %select_n3A_1545 = arith.select %eq3A_1540, %broadcast_in_dim3A_1543, %broadcast_in_dim3A_1544 : vector<96x128xi1>, vector<96x128xf32>
    %dot_general3A_1546 = arith.constant dense<0.000000e+00> : vector<128x128xf32>
    %dot_general3A_1547 = tpu.matmul %get3A_1, %select_n3A_1545, %dot_general3A_1546 {dimension_numbers = #tpu.dot_dimension_numbers<[1], [0], [0], [1], [0, 0, 1, 1], [], []>, transpose_lhs_hint = false} : vector<128x96xf32>, vector<96x128xf32>, vector<128x128xf32> -> vector<128x128xf32>
    %transpose3A_1548 = tpu.transpose %dot_general3A_1547, [1, 0] : vector<128x128xf32> -> vector<128x128xf32>
    %swap3A_1549 = arith.constant 9 : index
    %swap3A_1550 = arith.constant 640 : index
    %swap3A_1551 = arith.constant 0 : index
    %swap3A_1552 = vector.load %arg3[%swap3A_1549, %swap3A_1550, %swap3A_1551] : memref<13x1024x128xf32, #tpu.memory_space<vmem>>, vector<1x128x128xf32>
    %swap3A_1553 = vector.shape_cast %swap3A_1552 : vector<1x128x128xf32> to vector<128x128xf32>
    %swap3A_1554 = vector.shape_cast %transpose3A_1548 : vector<128x128xf32> to vector<1x128x128xf32>
    tpu.vector_store %arg3[%swap3A_1549, %swap3A_1550, %swap3A_1551], %swap3A_1554 {strides = array<i32>} : memref<13x1024x128xf32, #tpu.memory_space<vmem>>, vector<1x128x128xf32>,
    %get3A_1555 = arith.constant 9 : index
    %get3A_1556 = arith.constant 768 : index
    %get3A_1557 = vector.load %arg1[%get3A_1555, %get3A_1556] : memref<13x1024xi32, #tpu.memory_space<vmem>>, vector<1x128xi32>
    %broadcast_in_dim3A_1558 = vector.shape_cast %get3A_1557 : vector<1x128xi32> to vector<1x128xi32>
    %broadcast_in_dim3A_1559 = vector.broadcast %broadcast_in_dim3A_1558 : vector<1x128xi32> to vector<96x128xi32>
    %eq3A_1560 = arith.cmpi eq, %iota3A, %broadcast_in_dim3A_1559 : vector<96x128xi32>
    %jit3A_1561 = arith.constant 1.000000e+00 : f32
    %jit3A_1562 = arith.constant 0.000000e+00 : f32
    %broadcast_in_dim3A_1563 = vector.broadcast %jit3A_1561 : f32 to vector<96x128xf32>
    %broadcast_in_dim3A_1564 = vector.broadcast %jit3A_1562 : f32 to vector<96x128xf32>
    %select_n3A_1565 = arith.select %eq3A_1560, %broadcast_in_dim3A_1563, %broadcast_in_dim3A_1564 : vector<96x128xi1>, vector<96x128xf32>
    %dot_general3A_1566 = arith.constant dense<0.000000e+00> : vector<128x128xf32>
    %dot_general3A_1567 = tpu.matmul %get3A_1, %select_n3A_1565, %dot_general3A_1566 {dimension_numbers = #tpu.dot_dimension_numbers<[1], [0], [0], [1], [0, 0, 1, 1], [], []>, transpose_lhs_hint = false} : vector<128x96xf32>, vector<96x128xf32>, vector<128x128xf32> -> vector<128x128xf32>
    %transpose3A_1568 = tpu.transpose %dot_general3A_1567, [1, 0] : vector<128x128xf32> -> vector<128x128xf32>
    %swap3A_1569 = arith.constant 9 : index
    %swap3A_1570 = arith.constant 768 : index
    %swap3A_1571 = arith.constant 0 : index
    %swap3A_1572 = vector.load %arg3[%swap3A_1569, %swap3A_1570, %swap3A_1571] : memref<13x1024x128xf32, #tpu.memory_space<vmem>>, vector<1x128x128xf32>
    %swap3A_1573 = vector.shape_cast %swap3A_1572 : vector<1x128x128xf32> to vector<128x128xf32>
    %swap3A_1574 = vector.shape_cast %transpose3A_1568 : vector<128x128xf32> to vector<1x128x128xf32>
    tpu.vector_store %arg3[%swap3A_1569, %swap3A_1570, %swap3A_1571], %swap3A_1574 {strides = array<i32>} : memref<13x1024x128xf32, #tpu.memory_space<vmem>>, vector<1x128x128xf32>,
    %get3A_1575 = arith.constant 9 : index
    %get3A_1576 = arith.constant 896 : index
    %get3A_1577 = vector.load %arg1[%get3A_1575, %get3A_1576] : memref<13x1024xi32, #tpu.memory_space<vmem>>, vector<1x128xi32>
    %broadcast_in_dim3A_1578 = vector.shape_cast %get3A_1577 : vector<1x128xi32> to vector<1x128xi32>
    %broadcast_in_dim3A_1579 = vector.broadcast %broadcast_in_dim3A_1578 : vector<1x128xi32> to vector<96x128xi32>
    %eq3A_1580 = arith.cmpi eq, %iota3A, %broadcast_in_dim3A_1579 : vector<96x128xi32>
    %jit3A_1581 = arith.constant 1.000000e+00 : f32
    %jit3A_1582 = arith.constant 0.000000e+00 : f32
    %broadcast_in_dim3A_1583 = vector.broadcast %jit3A_1581 : f32 to vector<96x128xf32>
    %broadcast_in_dim3A_1584 = vector.broadcast %jit3A_1582 : f32 to vector<96x128xf32>
    %select_n3A_1585 = arith.select %eq3A_1580, %broadcast_in_dim3A_1583, %broadcast_in_dim3A_1584 : vector<96x128xi1>, vector<96x128xf32>
    %dot_general3A_1586 = arith.constant dense<0.000000e+00> : vector<128x128xf32>
    %dot_general3A_1587 = tpu.matmul %get3A_1, %select_n3A_1585, %dot_general3A_1586 {dimension_numbers = #tpu.dot_dimension_numbers<[1], [0], [0], [1], [0, 0, 1, 1], [], []>, transpose_lhs_hint = false} : vector<128x96xf32>, vector<96x128xf32>, vector<128x128xf32> -> vector<128x128xf32>
    %transpose3A_1588 = tpu.transpose %dot_general3A_1587, [1, 0] : vector<128x128xf32> -> vector<128x128xf32>
    %swap3A_1589 = arith.constant 9 : index
    %swap3A_1590 = arith.constant 896 : index
    %swap3A_1591 = arith.constant 0 : index
    %swap3A_1592 = vector.load %arg3[%swap3A_1589, %swap3A_1590, %swap3A_1591] : memref<13x1024x128xf32, #tpu.memory_space<vmem>>, vector<1x128x128xf32>
    %swap3A_1593 = vector.shape_cast %swap3A_1592 : vector<1x128x128xf32> to vector<128x128xf32>
    %swap3A_1594 = vector.shape_cast %transpose3A_1588 : vector<128x128xf32> to vector<1x128x128xf32>
    tpu.vector_store %arg3[%swap3A_1589, %swap3A_1590, %swap3A_1591], %swap3A_1594 {strides = array<i32>} : memref<13x1024x128xf32, #tpu.memory_space<vmem>>, vector<1x128x128xf32>,
    %get3A_1595 = arith.constant 10 : index
    %get3A_1596 = arith.constant 0 : index
    %get3A_1597 = vector.load %arg1[%get3A_1595, %get3A_1596] : memref<13x1024xi32, #tpu.memory_space<vmem>>, vector<1x128xi32>
    %broadcast_in_dim3A_1598 = vector.shape_cast %get3A_1597 : vector<1x128xi32> to vector<1x128xi32>
    %broadcast_in_dim3A_1599 = vector.broadcast %broadcast_in_dim3A_1598 : vector<1x128xi32> to vector<96x128xi32>
    %eq3A_1600 = arith.cmpi eq, %iota3A, %broadcast_in_dim3A_1599 : vector<96x128xi32>
    %jit3A_1601 = arith.constant 1.000000e+00 : f32
    %jit3A_1602 = arith.constant 0.000000e+00 : f32
    %broadcast_in_dim3A_1603 = vector.broadcast %jit3A_1601 : f32 to vector<96x128xf32>
    %broadcast_in_dim3A_1604 = vector.broadcast %jit3A_1602 : f32 to vector<96x128xf32>
    %select_n3A_1605 = arith.select %eq3A_1600, %broadcast_in_dim3A_1603, %broadcast_in_dim3A_1604 : vector<96x128xi1>, vector<96x128xf32>
    %dot_general3A_1606 = arith.constant dense<0.000000e+00> : vector<128x128xf32>
    %dot_general3A_1607 = tpu.matmul %get3A_1, %select_n3A_1605, %dot_general3A_1606 {dimension_numbers = #tpu.dot_dimension_numbers<[1], [0], [0], [1], [0, 0, 1, 1], [], []>, transpose_lhs_hint = false} : vector<128x96xf32>, vector<96x128xf32>, vector<128x128xf32> -> vector<128x128xf32>
    %transpose3A_1608 = tpu.transpose %dot_general3A_1607, [1, 0] : vector<128x128xf32> -> vector<128x128xf32>
    %swap3A_1609 = arith.constant 10 : index
    %swap3A_1610 = arith.constant 0 : index
    %swap3A_1611 = arith.constant 0 : index
    %swap3A_1612 = vector.load %arg3[%swap3A_1609, %swap3A_1610, %swap3A_1611] : memref<13x1024x128xf32, #tpu.memory_space<vmem>>, vector<1x128x128xf32>
    %swap3A_1613 = vector.shape_cast %swap3A_1612 : vector<1x128x128xf32> to vector<128x128xf32>
    %swap3A_1614 = vector.shape_cast %transpose3A_1608 : vector<128x128xf32> to vector<1x128x128xf32>
    tpu.vector_store %arg3[%swap3A_1609, %swap3A_1610, %swap3A_1611], %swap3A_1614 {strides = array<i32>} : memref<13x1024x128xf32, #tpu.memory_space<vmem>>, vector<1x128x128xf32>,
    %get3A_1615 = arith.constant 10 : index
    %get3A_1616 = arith.constant 128 : index
    %get3A_1617 = vector.load %arg1[%get3A_1615, %get3A_1616] : memref<13x1024xi32, #tpu.memory_space<vmem>>, vector<1x128xi32>
    %broadcast_in_dim3A_1618 = vector.shape_cast %get3A_1617 : vector<1x128xi32> to vector<1x128xi32>
    %broadcast_in_dim3A_1619 = vector.broadcast %broadcast_in_dim3A_1618 : vector<1x128xi32> to vector<96x128xi32>
    %eq3A_1620 = arith.cmpi eq, %iota3A, %broadcast_in_dim3A_1619 : vector<96x128xi32>
    %jit3A_1621 = arith.constant 1.000000e+00 : f32
    %jit3A_1622 = arith.constant 0.000000e+00 : f32
    %broadcast_in_dim3A_1623 = vector.broadcast %jit3A_1621 : f32 to vector<96x128xf32>
    %broadcast_in_dim3A_1624 = vector.broadcast %jit3A_1622 : f32 to vector<96x128xf32>
    %select_n3A_1625 = arith.select %eq3A_1620, %broadcast_in_dim3A_1623, %broadcast_in_dim3A_1624 : vector<96x128xi1>, vector<96x128xf32>
    %dot_general3A_1626 = arith.constant dense<0.000000e+00> : vector<128x128xf32>
    %dot_general3A_1627 = tpu.matmul %get3A_1, %select_n3A_1625, %dot_general3A_1626 {dimension_numbers = #tpu.dot_dimension_numbers<[1], [0], [0], [1], [0, 0, 1, 1], [], []>, transpose_lhs_hint = false} : vector<128x96xf32>, vector<96x128xf32>, vector<128x128xf32> -> vector<128x128xf32>
    %transpose3A_1628 = tpu.transpose %dot_general3A_1627, [1, 0] : vector<128x128xf32> -> vector<128x128xf32>
    %swap3A_1629 = arith.constant 10 : index
    %swap3A_1630 = arith.constant 128 : index
    %swap3A_1631 = arith.constant 0 : index
    %swap3A_1632 = vector.load %arg3[%swap3A_1629, %swap3A_1630, %swap3A_1631] : memref<13x1024x128xf32, #tpu.memory_space<vmem>>, vector<1x128x128xf32>
    %swap3A_1633 = vector.shape_cast %swap3A_1632 : vector<1x128x128xf32> to vector<128x128xf32>
    %swap3A_1634 = vector.shape_cast %transpose3A_1628 : vector<128x128xf32> to vector<1x128x128xf32>
    tpu.vector_store %arg3[%swap3A_1629, %swap3A_1630, %swap3A_1631], %swap3A_1634 {strides = array<i32>} : memref<13x1024x128xf32, #tpu.memory_space<vmem>>, vector<1x128x128xf32>,
    %get3A_1635 = arith.constant 10 : index
    %get3A_1636 = arith.constant 256 : index
    %get3A_1637 = vector.load %arg1[%get3A_1635, %get3A_1636] : memref<13x1024xi32, #tpu.memory_space<vmem>>, vector<1x128xi32>
    %broadcast_in_dim3A_1638 = vector.shape_cast %get3A_1637 : vector<1x128xi32> to vector<1x128xi32>
    %broadcast_in_dim3A_1639 = vector.broadcast %broadcast_in_dim3A_1638 : vector<1x128xi32> to vector<96x128xi32>
    %eq3A_1640 = arith.cmpi eq, %iota3A, %broadcast_in_dim3A_1639 : vector<96x128xi32>
    %jit3A_1641 = arith.constant 1.000000e+00 : f32
    %jit3A_1642 = arith.constant 0.000000e+00 : f32
    %broadcast_in_dim3A_1643 = vector.broadcast %jit3A_1641 : f32 to vector<96x128xf32>
    %broadcast_in_dim3A_1644 = vector.broadcast %jit3A_1642 : f32 to vector<96x128xf32>
    %select_n3A_1645 = arith.select %eq3A_1640, %broadcast_in_dim3A_1643, %broadcast_in_dim3A_1644 : vector<96x128xi1>, vector<96x128xf32>
    %dot_general3A_1646 = arith.constant dense<0.000000e+00> : vector<128x128xf32>
    %dot_general3A_1647 = tpu.matmul %get3A_1, %select_n3A_1645, %dot_general3A_1646 {dimension_numbers = #tpu.dot_dimension_numbers<[1], [0], [0], [1], [0, 0, 1, 1], [], []>, transpose_lhs_hint = false} : vector<128x96xf32>, vector<96x128xf32>, vector<128x128xf32> -> vector<128x128xf32>
    %transpose3A_1648 = tpu.transpose %dot_general3A_1647, [1, 0] : vector<128x128xf32> -> vector<128x128xf32>
    %swap3A_1649 = arith.constant 10 : index
    %swap3A_1650 = arith.constant 256 : index
    %swap3A_1651 = arith.constant 0 : index
    %swap3A_1652 = vector.load %arg3[%swap3A_1649, %swap3A_1650, %swap3A_1651] : memref<13x1024x128xf32, #tpu.memory_space<vmem>>, vector<1x128x128xf32>
    %swap3A_1653 = vector.shape_cast %swap3A_1652 : vector<1x128x128xf32> to vector<128x128xf32>
    %swap3A_1654 = vector.shape_cast %transpose3A_1648 : vector<128x128xf32> to vector<1x128x128xf32>
    tpu.vector_store %arg3[%swap3A_1649, %swap3A_1650, %swap3A_1651], %swap3A_1654 {strides = array<i32>} : memref<13x1024x128xf32, #tpu.memory_space<vmem>>, vector<1x128x128xf32>,
    %get3A_1655 = arith.constant 10 : index
    %get3A_1656 = arith.constant 384 : index
    %get3A_1657 = vector.load %arg1[%get3A_1655, %get3A_1656] : memref<13x1024xi32, #tpu.memory_space<vmem>>, vector<1x128xi32>
    %broadcast_in_dim3A_1658 = vector.shape_cast %get3A_1657 : vector<1x128xi32> to vector<1x128xi32>
    %broadcast_in_dim3A_1659 = vector.broadcast %broadcast_in_dim3A_1658 : vector<1x128xi32> to vector<96x128xi32>
    %eq3A_1660 = arith.cmpi eq, %iota3A, %broadcast_in_dim3A_1659 : vector<96x128xi32>
    %jit3A_1661 = arith.constant 1.000000e+00 : f32
    %jit3A_1662 = arith.constant 0.000000e+00 : f32
    %broadcast_in_dim3A_1663 = vector.broadcast %jit3A_1661 : f32 to vector<96x128xf32>
    %broadcast_in_dim3A_1664 = vector.broadcast %jit3A_1662 : f32 to vector<96x128xf32>
    %select_n3A_1665 = arith.select %eq3A_1660, %broadcast_in_dim3A_1663, %broadcast_in_dim3A_1664 : vector<96x128xi1>, vector<96x128xf32>
    %dot_general3A_1666 = arith.constant dense<0.000000e+00> : vector<128x128xf32>
    %dot_general3A_1667 = tpu.matmul %get3A_1, %select_n3A_1665, %dot_general3A_1666 {dimension_numbers = #tpu.dot_dimension_numbers<[1], [0], [0], [1], [0, 0, 1, 1], [], []>, transpose_lhs_hint = false} : vector<128x96xf32>, vector<96x128xf32>, vector<128x128xf32> -> vector<128x128xf32>
    %transpose3A_1668 = tpu.transpose %dot_general3A_1667, [1, 0] : vector<128x128xf32> -> vector<128x128xf32>
    %swap3A_1669 = arith.constant 10 : index
    %swap3A_1670 = arith.constant 384 : index
    %swap3A_1671 = arith.constant 0 : index
    %swap3A_1672 = vector.load %arg3[%swap3A_1669, %swap3A_1670, %swap3A_1671] : memref<13x1024x128xf32, #tpu.memory_space<vmem>>, vector<1x128x128xf32>
    %swap3A_1673 = vector.shape_cast %swap3A_1672 : vector<1x128x128xf32> to vector<128x128xf32>
    %swap3A_1674 = vector.shape_cast %transpose3A_1668 : vector<128x128xf32> to vector<1x128x128xf32>
    tpu.vector_store %arg3[%swap3A_1669, %swap3A_1670, %swap3A_1671], %swap3A_1674 {strides = array<i32>} : memref<13x1024x128xf32, #tpu.memory_space<vmem>>, vector<1x128x128xf32>,
    %get3A_1675 = arith.constant 10 : index
    %get3A_1676 = arith.constant 512 : index
    %get3A_1677 = vector.load %arg1[%get3A_1675, %get3A_1676] : memref<13x1024xi32, #tpu.memory_space<vmem>>, vector<1x128xi32>
    %broadcast_in_dim3A_1678 = vector.shape_cast %get3A_1677 : vector<1x128xi32> to vector<1x128xi32>
    %broadcast_in_dim3A_1679 = vector.broadcast %broadcast_in_dim3A_1678 : vector<1x128xi32> to vector<96x128xi32>
    %eq3A_1680 = arith.cmpi eq, %iota3A, %broadcast_in_dim3A_1679 : vector<96x128xi32>
    %jit3A_1681 = arith.constant 1.000000e+00 : f32
    %jit3A_1682 = arith.constant 0.000000e+00 : f32
    %broadcast_in_dim3A_1683 = vector.broadcast %jit3A_1681 : f32 to vector<96x128xf32>
    %broadcast_in_dim3A_1684 = vector.broadcast %jit3A_1682 : f32 to vector<96x128xf32>
    %select_n3A_1685 = arith.select %eq3A_1680, %broadcast_in_dim3A_1683, %broadcast_in_dim3A_1684 : vector<96x128xi1>, vector<96x128xf32>
    %dot_general3A_1686 = arith.constant dense<0.000000e+00> : vector<128x128xf32>
    %dot_general3A_1687 = tpu.matmul %get3A_1, %select_n3A_1685, %dot_general3A_1686 {dimension_numbers = #tpu.dot_dimension_numbers<[1], [0], [0], [1], [0, 0, 1, 1], [], []>, transpose_lhs_hint = false} : vector<128x96xf32>, vector<96x128xf32>, vector<128x128xf32> -> vector<128x128xf32>
    %transpose3A_1688 = tpu.transpose %dot_general3A_1687, [1, 0] : vector<128x128xf32> -> vector<128x128xf32>
    %swap3A_1689 = arith.constant 10 : index
    %swap3A_1690 = arith.constant 512 : index
    %swap3A_1691 = arith.constant 0 : index
    %swap3A_1692 = vector.load %arg3[%swap3A_1689, %swap3A_1690, %swap3A_1691] : memref<13x1024x128xf32, #tpu.memory_space<vmem>>, vector<1x128x128xf32>
    %swap3A_1693 = vector.shape_cast %swap3A_1692 : vector<1x128x128xf32> to vector<128x128xf32>
    %swap3A_1694 = vector.shape_cast %transpose3A_1688 : vector<128x128xf32> to vector<1x128x128xf32>
    tpu.vector_store %arg3[%swap3A_1689, %swap3A_1690, %swap3A_1691], %swap3A_1694 {strides = array<i32>} : memref<13x1024x128xf32, #tpu.memory_space<vmem>>, vector<1x128x128xf32>,
    %get3A_1695 = arith.constant 10 : index
    %get3A_1696 = arith.constant 640 : index
    %get3A_1697 = vector.load %arg1[%get3A_1695, %get3A_1696] : memref<13x1024xi32, #tpu.memory_space<vmem>>, vector<1x128xi32>
    %broadcast_in_dim3A_1698 = vector.shape_cast %get3A_1697 : vector<1x128xi32> to vector<1x128xi32>
    %broadcast_in_dim3A_1699 = vector.broadcast %broadcast_in_dim3A_1698 : vector<1x128xi32> to vector<96x128xi32>
    %eq3A_1700 = arith.cmpi eq, %iota3A, %broadcast_in_dim3A_1699 : vector<96x128xi32>
    %jit3A_1701 = arith.constant 1.000000e+00 : f32
    %jit3A_1702 = arith.constant 0.000000e+00 : f32
    %broadcast_in_dim3A_1703 = vector.broadcast %jit3A_1701 : f32 to vector<96x128xf32>
    %broadcast_in_dim3A_1704 = vector.broadcast %jit3A_1702 : f32 to vector<96x128xf32>
    %select_n3A_1705 = arith.select %eq3A_1700, %broadcast_in_dim3A_1703, %broadcast_in_dim3A_1704 : vector<96x128xi1>, vector<96x128xf32>
    %dot_general3A_1706 = arith.constant dense<0.000000e+00> : vector<128x128xf32>
    %dot_general3A_1707 = tpu.matmul %get3A_1, %select_n3A_1705, %dot_general3A_1706 {dimension_numbers = #tpu.dot_dimension_numbers<[1], [0], [0], [1], [0, 0, 1, 1], [], []>, transpose_lhs_hint = false} : vector<128x96xf32>, vector<96x128xf32>, vector<128x128xf32> -> vector<128x128xf32>
    %transpose3A_1708 = tpu.transpose %dot_general3A_1707, [1, 0] : vector<128x128xf32> -> vector<128x128xf32>
    %swap3A_1709 = arith.constant 10 : index
    %swap3A_1710 = arith.constant 640 : index
    %swap3A_1711 = arith.constant 0 : index
    %swap3A_1712 = vector.load %arg3[%swap3A_1709, %swap3A_1710, %swap3A_1711] : memref<13x1024x128xf32, #tpu.memory_space<vmem>>, vector<1x128x128xf32>
    %swap3A_1713 = vector.shape_cast %swap3A_1712 : vector<1x128x128xf32> to vector<128x128xf32>
    %swap3A_1714 = vector.shape_cast %transpose3A_1708 : vector<128x128xf32> to vector<1x128x128xf32>
    tpu.vector_store %arg3[%swap3A_1709, %swap3A_1710, %swap3A_1711], %swap3A_1714 {strides = array<i32>} : memref<13x1024x128xf32, #tpu.memory_space<vmem>>, vector<1x128x128xf32>,
    %get3A_1715 = arith.constant 10 : index
    %get3A_1716 = arith.constant 768 : index
    %get3A_1717 = vector.load %arg1[%get3A_1715, %get3A_1716] : memref<13x1024xi32, #tpu.memory_space<vmem>>, vector<1x128xi32>
    %broadcast_in_dim3A_1718 = vector.shape_cast %get3A_1717 : vector<1x128xi32> to vector<1x128xi32>
    %broadcast_in_dim3A_1719 = vector.broadcast %broadcast_in_dim3A_1718 : vector<1x128xi32> to vector<96x128xi32>
    %eq3A_1720 = arith.cmpi eq, %iota3A, %broadcast_in_dim3A_1719 : vector<96x128xi32>
    %jit3A_1721 = arith.constant 1.000000e+00 : f32
    %jit3A_1722 = arith.constant 0.000000e+00 : f32
    %broadcast_in_dim3A_1723 = vector.broadcast %jit3A_1721 : f32 to vector<96x128xf32>
    %broadcast_in_dim3A_1724 = vector.broadcast %jit3A_1722 : f32 to vector<96x128xf32>
    %select_n3A_1725 = arith.select %eq3A_1720, %broadcast_in_dim3A_1723, %broadcast_in_dim3A_1724 : vector<96x128xi1>, vector<96x128xf32>
    %dot_general3A_1726 = arith.constant dense<0.000000e+00> : vector<128x128xf32>
    %dot_general3A_1727 = tpu.matmul %get3A_1, %select_n3A_1725, %dot_general3A_1726 {dimension_numbers = #tpu.dot_dimension_numbers<[1], [0], [0], [1], [0, 0, 1, 1], [], []>, transpose_lhs_hint = false} : vector<128x96xf32>, vector<96x128xf32>, vector<128x128xf32> -> vector<128x128xf32>
    %transpose3A_1728 = tpu.transpose %dot_general3A_1727, [1, 0] : vector<128x128xf32> -> vector<128x128xf32>
    %swap3A_1729 = arith.constant 10 : index
    %swap3A_1730 = arith.constant 768 : index
    %swap3A_1731 = arith.constant 0 : index
    %swap3A_1732 = vector.load %arg3[%swap3A_1729, %swap3A_1730, %swap3A_1731] : memref<13x1024x128xf32, #tpu.memory_space<vmem>>, vector<1x128x128xf32>
    %swap3A_1733 = vector.shape_cast %swap3A_1732 : vector<1x128x128xf32> to vector<128x128xf32>
    %swap3A_1734 = vector.shape_cast %transpose3A_1728 : vector<128x128xf32> to vector<1x128x128xf32>
    tpu.vector_store %arg3[%swap3A_1729, %swap3A_1730, %swap3A_1731], %swap3A_1734 {strides = array<i32>} : memref<13x1024x128xf32, #tpu.memory_space<vmem>>, vector<1x128x128xf32>,
    %get3A_1735 = arith.constant 10 : index
    %get3A_1736 = arith.constant 896 : index
    %get3A_1737 = vector.load %arg1[%get3A_1735, %get3A_1736] : memref<13x1024xi32, #tpu.memory_space<vmem>>, vector<1x128xi32>
    %broadcast_in_dim3A_1738 = vector.shape_cast %get3A_1737 : vector<1x128xi32> to vector<1x128xi32>
    %broadcast_in_dim3A_1739 = vector.broadcast %broadcast_in_dim3A_1738 : vector<1x128xi32> to vector<96x128xi32>
    %eq3A_1740 = arith.cmpi eq, %iota3A, %broadcast_in_dim3A_1739 : vector<96x128xi32>
    %jit3A_1741 = arith.constant 1.000000e+00 : f32
    %jit3A_1742 = arith.constant 0.000000e+00 : f32
    %broadcast_in_dim3A_1743 = vector.broadcast %jit3A_1741 : f32 to vector<96x128xf32>
    %broadcast_in_dim3A_1744 = vector.broadcast %jit3A_1742 : f32 to vector<96x128xf32>
    %select_n3A_1745 = arith.select %eq3A_1740, %broadcast_in_dim3A_1743, %broadcast_in_dim3A_1744 : vector<96x128xi1>, vector<96x128xf32>
    %dot_general3A_1746 = arith.constant dense<0.000000e+00> : vector<128x128xf32>
    %dot_general3A_1747 = tpu.matmul %get3A_1, %select_n3A_1745, %dot_general3A_1746 {dimension_numbers = #tpu.dot_dimension_numbers<[1], [0], [0], [1], [0, 0, 1, 1], [], []>, transpose_lhs_hint = false} : vector<128x96xf32>, vector<96x128xf32>, vector<128x128xf32> -> vector<128x128xf32>
    %transpose3A_1748 = tpu.transpose %dot_general3A_1747, [1, 0] : vector<128x128xf32> -> vector<128x128xf32>
    %swap3A_1749 = arith.constant 10 : index
    %swap3A_1750 = arith.constant 896 : index
    %swap3A_1751 = arith.constant 0 : index
    %swap3A_1752 = vector.load %arg3[%swap3A_1749, %swap3A_1750, %swap3A_1751] : memref<13x1024x128xf32, #tpu.memory_space<vmem>>, vector<1x128x128xf32>
    %swap3A_1753 = vector.shape_cast %swap3A_1752 : vector<1x128x128xf32> to vector<128x128xf32>
    %swap3A_1754 = vector.shape_cast %transpose3A_1748 : vector<128x128xf32> to vector<1x128x128xf32>
    tpu.vector_store %arg3[%swap3A_1749, %swap3A_1750, %swap3A_1751], %swap3A_1754 {strides = array<i32>} : memref<13x1024x128xf32, #tpu.memory_space<vmem>>, vector<1x128x128xf32>,
    %get3A_1755 = arith.constant 11 : index
    %get3A_1756 = arith.constant 0 : index
    %get3A_1757 = vector.load %arg1[%get3A_1755, %get3A_1756] : memref<13x1024xi32, #tpu.memory_space<vmem>>, vector<1x128xi32>
    %broadcast_in_dim3A_1758 = vector.shape_cast %get3A_1757 : vector<1x128xi32> to vector<1x128xi32>
    %broadcast_in_dim3A_1759 = vector.broadcast %broadcast_in_dim3A_1758 : vector<1x128xi32> to vector<96x128xi32>
    %eq3A_1760 = arith.cmpi eq, %iota3A, %broadcast_in_dim3A_1759 : vector<96x128xi32>
    %jit3A_1761 = arith.constant 1.000000e+00 : f32
    %jit3A_1762 = arith.constant 0.000000e+00 : f32
    %broadcast_in_dim3A_1763 = vector.broadcast %jit3A_1761 : f32 to vector<96x128xf32>
    %broadcast_in_dim3A_1764 = vector.broadcast %jit3A_1762 : f32 to vector<96x128xf32>
    %select_n3A_1765 = arith.select %eq3A_1760, %broadcast_in_dim3A_1763, %broadcast_in_dim3A_1764 : vector<96x128xi1>, vector<96x128xf32>
    %dot_general3A_1766 = arith.constant dense<0.000000e+00> : vector<128x128xf32>
    %dot_general3A_1767 = tpu.matmul %get3A_1, %select_n3A_1765, %dot_general3A_1766 {dimension_numbers = #tpu.dot_dimension_numbers<[1], [0], [0], [1], [0, 0, 1, 1], [], []>, transpose_lhs_hint = false} : vector<128x96xf32>, vector<96x128xf32>, vector<128x128xf32> -> vector<128x128xf32>
    %transpose3A_1768 = tpu.transpose %dot_general3A_1767, [1, 0] : vector<128x128xf32> -> vector<128x128xf32>
    %swap3A_1769 = arith.constant 11 : index
    %swap3A_1770 = arith.constant 0 : index
    %swap3A_1771 = arith.constant 0 : index
    %swap3A_1772 = vector.load %arg3[%swap3A_1769, %swap3A_1770, %swap3A_1771] : memref<13x1024x128xf32, #tpu.memory_space<vmem>>, vector<1x128x128xf32>
    %swap3A_1773 = vector.shape_cast %swap3A_1772 : vector<1x128x128xf32> to vector<128x128xf32>
    %swap3A_1774 = vector.shape_cast %transpose3A_1768 : vector<128x128xf32> to vector<1x128x128xf32>
    tpu.vector_store %arg3[%swap3A_1769, %swap3A_1770, %swap3A_1771], %swap3A_1774 {strides = array<i32>} : memref<13x1024x128xf32, #tpu.memory_space<vmem>>, vector<1x128x128xf32>,
    %get3A_1775 = arith.constant 11 : index
    %get3A_1776 = arith.constant 128 : index
    %get3A_1777 = vector.load %arg1[%get3A_1775, %get3A_1776] : memref<13x1024xi32, #tpu.memory_space<vmem>>, vector<1x128xi32>
    %broadcast_in_dim3A_1778 = vector.shape_cast %get3A_1777 : vector<1x128xi32> to vector<1x128xi32>
    %broadcast_in_dim3A_1779 = vector.broadcast %broadcast_in_dim3A_1778 : vector<1x128xi32> to vector<96x128xi32>
    %eq3A_1780 = arith.cmpi eq, %iota3A, %broadcast_in_dim3A_1779 : vector<96x128xi32>
    %jit3A_1781 = arith.constant 1.000000e+00 : f32
    %jit3A_1782 = arith.constant 0.000000e+00 : f32
    %broadcast_in_dim3A_1783 = vector.broadcast %jit3A_1781 : f32 to vector<96x128xf32>
    %broadcast_in_dim3A_1784 = vector.broadcast %jit3A_1782 : f32 to vector<96x128xf32>
    %select_n3A_1785 = arith.select %eq3A_1780, %broadcast_in_dim3A_1783, %broadcast_in_dim3A_1784 : vector<96x128xi1>, vector<96x128xf32>
    %dot_general3A_1786 = arith.constant dense<0.000000e+00> : vector<128x128xf32>
    %dot_general3A_1787 = tpu.matmul %get3A_1, %select_n3A_1785, %dot_general3A_1786 {dimension_numbers = #tpu.dot_dimension_numbers<[1], [0], [0], [1], [0, 0, 1, 1], [], []>, transpose_lhs_hint = false} : vector<128x96xf32>, vector<96x128xf32>, vector<128x128xf32> -> vector<128x128xf32>
    %transpose3A_1788 = tpu.transpose %dot_general3A_1787, [1, 0] : vector<128x128xf32> -> vector<128x128xf32>
    %swap3A_1789 = arith.constant 11 : index
    %swap3A_1790 = arith.constant 128 : index
    %swap3A_1791 = arith.constant 0 : index
    %swap3A_1792 = vector.load %arg3[%swap3A_1789, %swap3A_1790, %swap3A_1791] : memref<13x1024x128xf32, #tpu.memory_space<vmem>>, vector<1x128x128xf32>
    %swap3A_1793 = vector.shape_cast %swap3A_1792 : vector<1x128x128xf32> to vector<128x128xf32>
    %swap3A_1794 = vector.shape_cast %transpose3A_1788 : vector<128x128xf32> to vector<1x128x128xf32>
    tpu.vector_store %arg3[%swap3A_1789, %swap3A_1790, %swap3A_1791], %swap3A_1794 {strides = array<i32>} : memref<13x1024x128xf32, #tpu.memory_space<vmem>>, vector<1x128x128xf32>,
    %get3A_1795 = arith.constant 11 : index
    %get3A_1796 = arith.constant 256 : index
    %get3A_1797 = vector.load %arg1[%get3A_1795, %get3A_1796] : memref<13x1024xi32, #tpu.memory_space<vmem>>, vector<1x128xi32>
    %broadcast_in_dim3A_1798 = vector.shape_cast %get3A_1797 : vector<1x128xi32> to vector<1x128xi32>
    %broadcast_in_dim3A_1799 = vector.broadcast %broadcast_in_dim3A_1798 : vector<1x128xi32> to vector<96x128xi32>
    %eq3A_1800 = arith.cmpi eq, %iota3A, %broadcast_in_dim3A_1799 : vector<96x128xi32>
    %jit3A_1801 = arith.constant 1.000000e+00 : f32
    %jit3A_1802 = arith.constant 0.000000e+00 : f32
    %broadcast_in_dim3A_1803 = vector.broadcast %jit3A_1801 : f32 to vector<96x128xf32>
    %broadcast_in_dim3A_1804 = vector.broadcast %jit3A_1802 : f32 to vector<96x128xf32>
    %select_n3A_1805 = arith.select %eq3A_1800, %broadcast_in_dim3A_1803, %broadcast_in_dim3A_1804 : vector<96x128xi1>, vector<96x128xf32>
    %dot_general3A_1806 = arith.constant dense<0.000000e+00> : vector<128x128xf32>
    %dot_general3A_1807 = tpu.matmul %get3A_1, %select_n3A_1805, %dot_general3A_1806 {dimension_numbers = #tpu.dot_dimension_numbers<[1], [0], [0], [1], [0, 0, 1, 1], [], []>, transpose_lhs_hint = false} : vector<128x96xf32>, vector<96x128xf32>, vector<128x128xf32> -> vector<128x128xf32>
    %transpose3A_1808 = tpu.transpose %dot_general3A_1807, [1, 0] : vector<128x128xf32> -> vector<128x128xf32>
    %swap3A_1809 = arith.constant 11 : index
    %swap3A_1810 = arith.constant 256 : index
    %swap3A_1811 = arith.constant 0 : index
    %swap3A_1812 = vector.load %arg3[%swap3A_1809, %swap3A_1810, %swap3A_1811] : memref<13x1024x128xf32, #tpu.memory_space<vmem>>, vector<1x128x128xf32>
    %swap3A_1813 = vector.shape_cast %swap3A_1812 : vector<1x128x128xf32> to vector<128x128xf32>
    %swap3A_1814 = vector.shape_cast %transpose3A_1808 : vector<128x128xf32> to vector<1x128x128xf32>
    tpu.vector_store %arg3[%swap3A_1809, %swap3A_1810, %swap3A_1811], %swap3A_1814 {strides = array<i32>} : memref<13x1024x128xf32, #tpu.memory_space<vmem>>, vector<1x128x128xf32>,
    %get3A_1815 = arith.constant 11 : index
    %get3A_1816 = arith.constant 384 : index
    %get3A_1817 = vector.load %arg1[%get3A_1815, %get3A_1816] : memref<13x1024xi32, #tpu.memory_space<vmem>>, vector<1x128xi32>
    %broadcast_in_dim3A_1818 = vector.shape_cast %get3A_1817 : vector<1x128xi32> to vector<1x128xi32>
    %broadcast_in_dim3A_1819 = vector.broadcast %broadcast_in_dim3A_1818 : vector<1x128xi32> to vector<96x128xi32>
    %eq3A_1820 = arith.cmpi eq, %iota3A, %broadcast_in_dim3A_1819 : vector<96x128xi32>
    %jit3A_1821 = arith.constant 1.000000e+00 : f32
    %jit3A_1822 = arith.constant 0.000000e+00 : f32
    %broadcast_in_dim3A_1823 = vector.broadcast %jit3A_1821 : f32 to vector<96x128xf32>
    %broadcast_in_dim3A_1824 = vector.broadcast %jit3A_1822 : f32 to vector<96x128xf32>
    %select_n3A_1825 = arith.select %eq3A_1820, %broadcast_in_dim3A_1823, %broadcast_in_dim3A_1824 : vector<96x128xi1>, vector<96x128xf32>
    %dot_general3A_1826 = arith.constant dense<0.000000e+00> : vector<128x128xf32>
    %dot_general3A_1827 = tpu.matmul %get3A_1, %select_n3A_1825, %dot_general3A_1826 {dimension_numbers = #tpu.dot_dimension_numbers<[1], [0], [0], [1], [0, 0, 1, 1], [], []>, transpose_lhs_hint = false} : vector<128x96xf32>, vector<96x128xf32>, vector<128x128xf32> -> vector<128x128xf32>
    %transpose3A_1828 = tpu.transpose %dot_general3A_1827, [1, 0] : vector<128x128xf32> -> vector<128x128xf32>
    %swap3A_1829 = arith.constant 11 : index
    %swap3A_1830 = arith.constant 384 : index
    %swap3A_1831 = arith.constant 0 : index
    %swap3A_1832 = vector.load %arg3[%swap3A_1829, %swap3A_1830, %swap3A_1831] : memref<13x1024x128xf32, #tpu.memory_space<vmem>>, vector<1x128x128xf32>
    %swap3A_1833 = vector.shape_cast %swap3A_1832 : vector<1x128x128xf32> to vector<128x128xf32>
    %swap3A_1834 = vector.shape_cast %transpose3A_1828 : vector<128x128xf32> to vector<1x128x128xf32>
    tpu.vector_store %arg3[%swap3A_1829, %swap3A_1830, %swap3A_1831], %swap3A_1834 {strides = array<i32>} : memref<13x1024x128xf32, #tpu.memory_space<vmem>>, vector<1x128x128xf32>,
    %get3A_1835 = arith.constant 11 : index
    %get3A_1836 = arith.constant 512 : index
    %get3A_1837 = vector.load %arg1[%get3A_1835, %get3A_1836] : memref<13x1024xi32, #tpu.memory_space<vmem>>, vector<1x128xi32>
    %broadcast_in_dim3A_1838 = vector.shape_cast %get3A_1837 : vector<1x128xi32> to vector<1x128xi32>
    %broadcast_in_dim3A_1839 = vector.broadcast %broadcast_in_dim3A_1838 : vector<1x128xi32> to vector<96x128xi32>
    %eq3A_1840 = arith.cmpi eq, %iota3A, %broadcast_in_dim3A_1839 : vector<96x128xi32>
    %jit3A_1841 = arith.constant 1.000000e+00 : f32
    %jit3A_1842 = arith.constant 0.000000e+00 : f32
    %broadcast_in_dim3A_1843 = vector.broadcast %jit3A_1841 : f32 to vector<96x128xf32>
    %broadcast_in_dim3A_1844 = vector.broadcast %jit3A_1842 : f32 to vector<96x128xf32>
    %select_n3A_1845 = arith.select %eq3A_1840, %broadcast_in_dim3A_1843, %broadcast_in_dim3A_1844 : vector<96x128xi1>, vector<96x128xf32>
    %dot_general3A_1846 = arith.constant dense<0.000000e+00> : vector<128x128xf32>
    %dot_general3A_1847 = tpu.matmul %get3A_1, %select_n3A_1845, %dot_general3A_1846 {dimension_numbers = #tpu.dot_dimension_numbers<[1], [0], [0], [1], [0, 0, 1, 1], [], []>, transpose_lhs_hint = false} : vector<128x96xf32>, vector<96x128xf32>, vector<128x128xf32> -> vector<128x128xf32>
    %transpose3A_1848 = tpu.transpose %dot_general3A_1847, [1, 0] : vector<128x128xf32> -> vector<128x128xf32>
    %swap3A_1849 = arith.constant 11 : index
    %swap3A_1850 = arith.constant 512 : index
    %swap3A_1851 = arith.constant 0 : index
    %swap3A_1852 = vector.load %arg3[%swap3A_1849, %swap3A_1850, %swap3A_1851] : memref<13x1024x128xf32, #tpu.memory_space<vmem>>, vector<1x128x128xf32>
    %swap3A_1853 = vector.shape_cast %swap3A_1852 : vector<1x128x128xf32> to vector<128x128xf32>
    %swap3A_1854 = vector.shape_cast %transpose3A_1848 : vector<128x128xf32> to vector<1x128x128xf32>
    tpu.vector_store %arg3[%swap3A_1849, %swap3A_1850, %swap3A_1851], %swap3A_1854 {strides = array<i32>} : memref<13x1024x128xf32, #tpu.memory_space<vmem>>, vector<1x128x128xf32>,
    %get3A_1855 = arith.constant 11 : index
    %get3A_1856 = arith.constant 640 : index
    %get3A_1857 = vector.load %arg1[%get3A_1855, %get3A_1856] : memref<13x1024xi32, #tpu.memory_space<vmem>>, vector<1x128xi32>
    %broadcast_in_dim3A_1858 = vector.shape_cast %get3A_1857 : vector<1x128xi32> to vector<1x128xi32>
    %broadcast_in_dim3A_1859 = vector.broadcast %broadcast_in_dim3A_1858 : vector<1x128xi32> to vector<96x128xi32>
    %eq3A_1860 = arith.cmpi eq, %iota3A, %broadcast_in_dim3A_1859 : vector<96x128xi32>
    %jit3A_1861 = arith.constant 1.000000e+00 : f32
    %jit3A_1862 = arith.constant 0.000000e+00 : f32
    %broadcast_in_dim3A_1863 = vector.broadcast %jit3A_1861 : f32 to vector<96x128xf32>
    %broadcast_in_dim3A_1864 = vector.broadcast %jit3A_1862 : f32 to vector<96x128xf32>
    %select_n3A_1865 = arith.select %eq3A_1860, %broadcast_in_dim3A_1863, %broadcast_in_dim3A_1864 : vector<96x128xi1>, vector<96x128xf32>
    %dot_general3A_1866 = arith.constant dense<0.000000e+00> : vector<128x128xf32>
    %dot_general3A_1867 = tpu.matmul %get3A_1, %select_n3A_1865, %dot_general3A_1866 {dimension_numbers = #tpu.dot_dimension_numbers<[1], [0], [0], [1], [0, 0, 1, 1], [], []>, transpose_lhs_hint = false} : vector<128x96xf32>, vector<96x128xf32>, vector<128x128xf32> -> vector<128x128xf32>
    %transpose3A_1868 = tpu.transpose %dot_general3A_1867, [1, 0] : vector<128x128xf32> -> vector<128x128xf32>
    %swap3A_1869 = arith.constant 11 : index
    %swap3A_1870 = arith.constant 640 : index
    %swap3A_1871 = arith.constant 0 : index
    %swap3A_1872 = vector.load %arg3[%swap3A_1869, %swap3A_1870, %swap3A_1871] : memref<13x1024x128xf32, #tpu.memory_space<vmem>>, vector<1x128x128xf32>
    %swap3A_1873 = vector.shape_cast %swap3A_1872 : vector<1x128x128xf32> to vector<128x128xf32>
    %swap3A_1874 = vector.shape_cast %transpose3A_1868 : vector<128x128xf32> to vector<1x128x128xf32>
    tpu.vector_store %arg3[%swap3A_1869, %swap3A_1870, %swap3A_1871], %swap3A_1874 {strides = array<i32>} : memref<13x1024x128xf32, #tpu.memory_space<vmem>>, vector<1x128x128xf32>,
    %get3A_1875 = arith.constant 11 : index
    %get3A_1876 = arith.constant 768 : index
    %get3A_1877 = vector.load %arg1[%get3A_1875, %get3A_1876] : memref<13x1024xi32, #tpu.memory_space<vmem>>, vector<1x128xi32>
    %broadcast_in_dim3A_1878 = vector.shape_cast %get3A_1877 : vector<1x128xi32> to vector<1x128xi32>
    %broadcast_in_dim3A_1879 = vector.broadcast %broadcast_in_dim3A_1878 : vector<1x128xi32> to vector<96x128xi32>
    %eq3A_1880 = arith.cmpi eq, %iota3A, %broadcast_in_dim3A_1879 : vector<96x128xi32>
    %jit3A_1881 = arith.constant 1.000000e+00 : f32
    %jit3A_1882 = arith.constant 0.000000e+00 : f32
    %broadcast_in_dim3A_1883 = vector.broadcast %jit3A_1881 : f32 to vector<96x128xf32>
    %broadcast_in_dim3A_1884 = vector.broadcast %jit3A_1882 : f32 to vector<96x128xf32>
    %select_n3A_1885 = arith.select %eq3A_1880, %broadcast_in_dim3A_1883, %broadcast_in_dim3A_1884 : vector<96x128xi1>, vector<96x128xf32>
    %dot_general3A_1886 = arith.constant dense<0.000000e+00> : vector<128x128xf32>
    %dot_general3A_1887 = tpu.matmul %get3A_1, %select_n3A_1885, %dot_general3A_1886 {dimension_numbers = #tpu.dot_dimension_numbers<[1], [0], [0], [1], [0, 0, 1, 1], [], []>, transpose_lhs_hint = false} : vector<128x96xf32>, vector<96x128xf32>, vector<128x128xf32> -> vector<128x128xf32>
    %transpose3A_1888 = tpu.transpose %dot_general3A_1887, [1, 0] : vector<128x128xf32> -> vector<128x128xf32>
    %swap3A_1889 = arith.constant 11 : index
    %swap3A_1890 = arith.constant 768 : index
    %swap3A_1891 = arith.constant 0 : index
    %swap3A_1892 = vector.load %arg3[%swap3A_1889, %swap3A_1890, %swap3A_1891] : memref<13x1024x128xf32, #tpu.memory_space<vmem>>, vector<1x128x128xf32>
    %swap3A_1893 = vector.shape_cast %swap3A_1892 : vector<1x128x128xf32> to vector<128x128xf32>
    %swap3A_1894 = vector.shape_cast %transpose3A_1888 : vector<128x128xf32> to vector<1x128x128xf32>
    tpu.vector_store %arg3[%swap3A_1889, %swap3A_1890, %swap3A_1891], %swap3A_1894 {strides = array<i32>} : memref<13x1024x128xf32, #tpu.memory_space<vmem>>, vector<1x128x128xf32>,
    %get3A_1895 = arith.constant 11 : index
    %get3A_1896 = arith.constant 896 : index
    %get3A_1897 = vector.load %arg1[%get3A_1895, %get3A_1896] : memref<13x1024xi32, #tpu.memory_space<vmem>>, vector<1x128xi32>
    %broadcast_in_dim3A_1898 = vector.shape_cast %get3A_1897 : vector<1x128xi32> to vector<1x128xi32>
    %broadcast_in_dim3A_1899 = vector.broadcast %broadcast_in_dim3A_1898 : vector<1x128xi32> to vector<96x128xi32>
    %eq3A_1900 = arith.cmpi eq, %iota3A, %broadcast_in_dim3A_1899 : vector<96x128xi32>
    %jit3A_1901 = arith.constant 1.000000e+00 : f32
    %jit3A_1902 = arith.constant 0.000000e+00 : f32
    %broadcast_in_dim3A_1903 = vector.broadcast %jit3A_1901 : f32 to vector<96x128xf32>
    %broadcast_in_dim3A_1904 = vector.broadcast %jit3A_1902 : f32 to vector<96x128xf32>
    %select_n3A_1905 = arith.select %eq3A_1900, %broadcast_in_dim3A_1903, %broadcast_in_dim3A_1904 : vector<96x128xi1>, vector<96x128xf32>
    %dot_general3A_1906 = arith.constant dense<0.000000e+00> : vector<128x128xf32>
    %dot_general3A_1907 = tpu.matmul %get3A_1, %select_n3A_1905, %dot_general3A_1906 {dimension_numbers = #tpu.dot_dimension_numbers<[1], [0], [0], [1], [0, 0, 1, 1], [], []>, transpose_lhs_hint = false} : vector<128x96xf32>, vector<96x128xf32>, vector<128x128xf32> -> vector<128x128xf32>
    %transpose3A_1908 = tpu.transpose %dot_general3A_1907, [1, 0] : vector<128x128xf32> -> vector<128x128xf32>
    %swap3A_1909 = arith.constant 11 : index
    %swap3A_1910 = arith.constant 896 : index
    %swap3A_1911 = arith.constant 0 : index
    %swap3A_1912 = vector.load %arg3[%swap3A_1909, %swap3A_1910, %swap3A_1911] : memref<13x1024x128xf32, #tpu.memory_space<vmem>>, vector<1x128x128xf32>
    %swap3A_1913 = vector.shape_cast %swap3A_1912 : vector<1x128x128xf32> to vector<128x128xf32>
    %swap3A_1914 = vector.shape_cast %transpose3A_1908 : vector<128x128xf32> to vector<1x128x128xf32>
    tpu.vector_store %arg3[%swap3A_1909, %swap3A_1910, %swap3A_1911], %swap3A_1914 {strides = array<i32>} : memref<13x1024x128xf32, #tpu.memory_space<vmem>>, vector<1x128x128xf32>,
    %get3A_1915 = arith.constant 12 : index
    %get3A_1916 = arith.constant 0 : index
    %get3A_1917 = vector.load %arg1[%get3A_1915, %get3A_1916] : memref<13x1024xi32, #tpu.memory_space<vmem>>, vector<1x128xi32>
    %broadcast_in_dim3A_1918 = vector.shape_cast %get3A_1917 : vector<1x128xi32> to vector<1x128xi32>
    %broadcast_in_dim3A_1919 = vector.broadcast %broadcast_in_dim3A_1918 : vector<1x128xi32> to vector<96x128xi32>
    %eq3A_1920 = arith.cmpi eq, %iota3A, %broadcast_in_dim3A_1919 : vector<96x128xi32>
    %jit3A_1921 = arith.constant 1.000000e+00 : f32
    %jit3A_1922 = arith.constant 0.000000e+00 : f32
    %broadcast_in_dim3A_1923 = vector.broadcast %jit3A_1921 : f32 to vector<96x128xf32>
    %broadcast_in_dim3A_1924 = vector.broadcast %jit3A_1922 : f32 to vector<96x128xf32>
    %select_n3A_1925 = arith.select %eq3A_1920, %broadcast_in_dim3A_1923, %broadcast_in_dim3A_1924 : vector<96x128xi1>, vector<96x128xf32>
    %dot_general3A_1926 = arith.constant dense<0.000000e+00> : vector<128x128xf32>
    %dot_general3A_1927 = tpu.matmul %get3A_1, %select_n3A_1925, %dot_general3A_1926 {dimension_numbers = #tpu.dot_dimension_numbers<[1], [0], [0], [1], [0, 0, 1, 1], [], []>, transpose_lhs_hint = false} : vector<128x96xf32>, vector<96x128xf32>, vector<128x128xf32> -> vector<128x128xf32>
    %transpose3A_1928 = tpu.transpose %dot_general3A_1927, [1, 0] : vector<128x128xf32> -> vector<128x128xf32>
    %swap3A_1929 = arith.constant 12 : index
    %swap3A_1930 = arith.constant 0 : index
    %swap3A_1931 = arith.constant 0 : index
    %swap3A_1932 = vector.load %arg3[%swap3A_1929, %swap3A_1930, %swap3A_1931] : memref<13x1024x128xf32, #tpu.memory_space<vmem>>, vector<1x128x128xf32>
    %swap3A_1933 = vector.shape_cast %swap3A_1932 : vector<1x128x128xf32> to vector<128x128xf32>
    %swap3A_1934 = vector.shape_cast %transpose3A_1928 : vector<128x128xf32> to vector<1x128x128xf32>
    tpu.vector_store %arg3[%swap3A_1929, %swap3A_1930, %swap3A_1931], %swap3A_1934 {strides = array<i32>} : memref<13x1024x128xf32, #tpu.memory_space<vmem>>, vector<1x128x128xf32>,
    %get3A_1935 = arith.constant 12 : index
    %get3A_1936 = arith.constant 128 : index
    %get3A_1937 = vector.load %arg1[%get3A_1935, %get3A_1936] : memref<13x1024xi32, #tpu.memory_space<vmem>>, vector<1x128xi32>
    %broadcast_in_dim3A_1938 = vector.shape_cast %get3A_1937 : vector<1x128xi32> to vector<1x128xi32>
    %broadcast_in_dim3A_1939 = vector.broadcast %broadcast_in_dim3A_1938 : vector<1x128xi32> to vector<96x128xi32>
    %eq3A_1940 = arith.cmpi eq, %iota3A, %broadcast_in_dim3A_1939 : vector<96x128xi32>
    %jit3A_1941 = arith.constant 1.000000e+00 : f32
    %jit3A_1942 = arith.constant 0.000000e+00 : f32
    %broadcast_in_dim3A_1943 = vector.broadcast %jit3A_1941 : f32 to vector<96x128xf32>
    %broadcast_in_dim3A_1944 = vector.broadcast %jit3A_1942 : f32 to vector<96x128xf32>
    %select_n3A_1945 = arith.select %eq3A_1940, %broadcast_in_dim3A_1943, %broadcast_in_dim3A_1944 : vector<96x128xi1>, vector<96x128xf32>
    %dot_general3A_1946 = arith.constant dense<0.000000e+00> : vector<128x128xf32>
    %dot_general3A_1947 = tpu.matmul %get3A_1, %select_n3A_1945, %dot_general3A_1946 {dimension_numbers = #tpu.dot_dimension_numbers<[1], [0], [0], [1], [0, 0, 1, 1], [], []>, transpose_lhs_hint = false} : vector<128x96xf32>, vector<96x128xf32>, vector<128x128xf32> -> vector<128x128xf32>
    %transpose3A_1948 = tpu.transpose %dot_general3A_1947, [1, 0] : vector<128x128xf32> -> vector<128x128xf32>
    %swap3A_1949 = arith.constant 12 : index
    %swap3A_1950 = arith.constant 128 : index
    %swap3A_1951 = arith.constant 0 : index
    %swap3A_1952 = vector.load %arg3[%swap3A_1949, %swap3A_1950, %swap3A_1951] : memref<13x1024x128xf32, #tpu.memory_space<vmem>>, vector<1x128x128xf32>
    %swap3A_1953 = vector.shape_cast %swap3A_1952 : vector<1x128x128xf32> to vector<128x128xf32>
    %swap3A_1954 = vector.shape_cast %transpose3A_1948 : vector<128x128xf32> to vector<1x128x128xf32>
    tpu.vector_store %arg3[%swap3A_1949, %swap3A_1950, %swap3A_1951], %swap3A_1954 {strides = array<i32>} : memref<13x1024x128xf32, #tpu.memory_space<vmem>>, vector<1x128x128xf32>,
    %get3A_1955 = arith.constant 12 : index
    %get3A_1956 = arith.constant 256 : index
    %get3A_1957 = vector.load %arg1[%get3A_1955, %get3A_1956] : memref<13x1024xi32, #tpu.memory_space<vmem>>, vector<1x128xi32>
    %broadcast_in_dim3A_1958 = vector.shape_cast %get3A_1957 : vector<1x128xi32> to vector<1x128xi32>
    %broadcast_in_dim3A_1959 = vector.broadcast %broadcast_in_dim3A_1958 : vector<1x128xi32> to vector<96x128xi32>
    %eq3A_1960 = arith.cmpi eq, %iota3A, %broadcast_in_dim3A_1959 : vector<96x128xi32>
    %jit3A_1961 = arith.constant 1.000000e+00 : f32
    %jit3A_1962 = arith.constant 0.000000e+00 : f32
    %broadcast_in_dim3A_1963 = vector.broadcast %jit3A_1961 : f32 to vector<96x128xf32>
    %broadcast_in_dim3A_1964 = vector.broadcast %jit3A_1962 : f32 to vector<96x128xf32>
    %select_n3A_1965 = arith.select %eq3A_1960, %broadcast_in_dim3A_1963, %broadcast_in_dim3A_1964 : vector<96x128xi1>, vector<96x128xf32>
    %dot_general3A_1966 = arith.constant dense<0.000000e+00> : vector<128x128xf32>
    %dot_general3A_1967 = tpu.matmul %get3A_1, %select_n3A_1965, %dot_general3A_1966 {dimension_numbers = #tpu.dot_dimension_numbers<[1], [0], [0], [1], [0, 0, 1, 1], [], []>, transpose_lhs_hint = false} : vector<128x96xf32>, vector<96x128xf32>, vector<128x128xf32> -> vector<128x128xf32>
    %transpose3A_1968 = tpu.transpose %dot_general3A_1967, [1, 0] : vector<128x128xf32> -> vector<128x128xf32>
    %swap3A_1969 = arith.constant 12 : index
    %swap3A_1970 = arith.constant 256 : index
    %swap3A_1971 = arith.constant 0 : index
    %swap3A_1972 = vector.load %arg3[%swap3A_1969, %swap3A_1970, %swap3A_1971] : memref<13x1024x128xf32, #tpu.memory_space<vmem>>, vector<1x128x128xf32>
    %swap3A_1973 = vector.shape_cast %swap3A_1972 : vector<1x128x128xf32> to vector<128x128xf32>
    %swap3A_1974 = vector.shape_cast %transpose3A_1968 : vector<128x128xf32> to vector<1x128x128xf32>
    tpu.vector_store %arg3[%swap3A_1969, %swap3A_1970, %swap3A_1971], %swap3A_1974 {strides = array<i32>} : memref<13x1024x128xf32, #tpu.memory_space<vmem>>, vector<1x128x128xf32>,
    %get3A_1975 = arith.constant 12 : index
    %get3A_1976 = arith.constant 384 : index
    %get3A_1977 = vector.load %arg1[%get3A_1975, %get3A_1976] : memref<13x1024xi32, #tpu.memory_space<vmem>>, vector<1x128xi32>
    %broadcast_in_dim3A_1978 = vector.shape_cast %get3A_1977 : vector<1x128xi32> to vector<1x128xi32>
    %broadcast_in_dim3A_1979 = vector.broadcast %broadcast_in_dim3A_1978 : vector<1x128xi32> to vector<96x128xi32>
    %eq3A_1980 = arith.cmpi eq, %iota3A, %broadcast_in_dim3A_1979 : vector<96x128xi32>
    %jit3A_1981 = arith.constant 1.000000e+00 : f32
    %jit3A_1982 = arith.constant 0.000000e+00 : f32
    %broadcast_in_dim3A_1983 = vector.broadcast %jit3A_1981 : f32 to vector<96x128xf32>
    %broadcast_in_dim3A_1984 = vector.broadcast %jit3A_1982 : f32 to vector<96x128xf32>
    %select_n3A_1985 = arith.select %eq3A_1980, %broadcast_in_dim3A_1983, %broadcast_in_dim3A_1984 : vector<96x128xi1>, vector<96x128xf32>
    %dot_general3A_1986 = arith.constant dense<0.000000e+00> : vector<128x128xf32>
    %dot_general3A_1987 = tpu.matmul %get3A_1, %select_n3A_1985, %dot_general3A_1986 {dimension_numbers = #tpu.dot_dimension_numbers<[1], [0], [0], [1], [0, 0, 1, 1], [], []>, transpose_lhs_hint = false} : vector<128x96xf32>, vector<96x128xf32>, vector<128x128xf32> -> vector<128x128xf32>
    %transpose3A_1988 = tpu.transpose %dot_general3A_1987, [1, 0] : vector<128x128xf32> -> vector<128x128xf32>
    %swap3A_1989 = arith.constant 12 : index
    %swap3A_1990 = arith.constant 384 : index
    %swap3A_1991 = arith.constant 0 : index
    %swap3A_1992 = vector.load %arg3[%swap3A_1989, %swap3A_1990, %swap3A_1991] : memref<13x1024x128xf32, #tpu.memory_space<vmem>>, vector<1x128x128xf32>
    %swap3A_1993 = vector.shape_cast %swap3A_1992 : vector<1x128x128xf32> to vector<128x128xf32>
    %swap3A_1994 = vector.shape_cast %transpose3A_1988 : vector<128x128xf32> to vector<1x128x128xf32>
    tpu.vector_store %arg3[%swap3A_1989, %swap3A_1990, %swap3A_1991], %swap3A_1994 {strides = array<i32>} : memref<13x1024x128xf32, #tpu.memory_space<vmem>>, vector<1x128x128xf32>,
    %get3A_1995 = arith.constant 12 : index
    %get3A_1996 = arith.constant 512 : index
    %get3A_1997 = vector.load %arg1[%get3A_1995, %get3A_1996] : memref<13x1024xi32, #tpu.memory_space<vmem>>, vector<1x128xi32>
    %broadcast_in_dim3A_1998 = vector.shape_cast %get3A_1997 : vector<1x128xi32> to vector<1x128xi32>
    %broadcast_in_dim3A_1999 = vector.broadcast %broadcast_in_dim3A_1998 : vector<1x128xi32> to vector<96x128xi32>
    %eq3A_2000 = arith.cmpi eq, %iota3A, %broadcast_in_dim3A_1999 : vector<96x128xi32>
    %jit3A_2001 = arith.constant 1.000000e+00 : f32
    %jit3A_2002 = arith.constant 0.000000e+00 : f32
    %broadcast_in_dim3A_2003 = vector.broadcast %jit3A_2001 : f32 to vector<96x128xf32>
    %broadcast_in_dim3A_2004 = vector.broadcast %jit3A_2002 : f32 to vector<96x128xf32>
    %select_n3A_2005 = arith.select %eq3A_2000, %broadcast_in_dim3A_2003, %broadcast_in_dim3A_2004 : vector<96x128xi1>, vector<96x128xf32>
    %dot_general3A_2006 = arith.constant dense<0.000000e+00> : vector<128x128xf32>
    %dot_general3A_2007 = tpu.matmul %get3A_1, %select_n3A_2005, %dot_general3A_2006 {dimension_numbers = #tpu.dot_dimension_numbers<[1], [0], [0], [1], [0, 0, 1, 1], [], []>, transpose_lhs_hint = false} : vector<128x96xf32>, vector<96x128xf32>, vector<128x128xf32> -> vector<128x128xf32>
    %transpose3A_2008 = tpu.transpose %dot_general3A_2007, [1, 0] : vector<128x128xf32> -> vector<128x128xf32>
    %swap3A_2009 = arith.constant 12 : index
    %swap3A_2010 = arith.constant 512 : index
    %swap3A_2011 = arith.constant 0 : index
    %swap3A_2012 = vector.load %arg3[%swap3A_2009, %swap3A_2010, %swap3A_2011] : memref<13x1024x128xf32, #tpu.memory_space<vmem>>, vector<1x128x128xf32>
    %swap3A_2013 = vector.shape_cast %swap3A_2012 : vector<1x128x128xf32> to vector<128x128xf32>
    %swap3A_2014 = vector.shape_cast %transpose3A_2008 : vector<128x128xf32> to vector<1x128x128xf32>
    tpu.vector_store %arg3[%swap3A_2009, %swap3A_2010, %swap3A_2011], %swap3A_2014 {strides = array<i32>} : memref<13x1024x128xf32, #tpu.memory_space<vmem>>, vector<1x128x128xf32>,
    %get3A_2015 = arith.constant 12 : index
    %get3A_2016 = arith.constant 640 : index
    %get3A_2017 = vector.load %arg1[%get3A_2015, %get3A_2016] : memref<13x1024xi32, #tpu.memory_space<vmem>>, vector<1x128xi32>
    %broadcast_in_dim3A_2018 = vector.shape_cast %get3A_2017 : vector<1x128xi32> to vector<1x128xi32>
    %broadcast_in_dim3A_2019 = vector.broadcast %broadcast_in_dim3A_2018 : vector<1x128xi32> to vector<96x128xi32>
    %eq3A_2020 = arith.cmpi eq, %iota3A, %broadcast_in_dim3A_2019 : vector<96x128xi32>
    %jit3A_2021 = arith.constant 1.000000e+00 : f32
    %jit3A_2022 = arith.constant 0.000000e+00 : f32
    %broadcast_in_dim3A_2023 = vector.broadcast %jit3A_2021 : f32 to vector<96x128xf32>
    %broadcast_in_dim3A_2024 = vector.broadcast %jit3A_2022 : f32 to vector<96x128xf32>
    %select_n3A_2025 = arith.select %eq3A_2020, %broadcast_in_dim3A_2023, %broadcast_in_dim3A_2024 : vector<96x128xi1>, vector<96x128xf32>
    %dot_general3A_2026 = arith.constant dense<0.000000e+00> : vector<128x128xf32>
    %dot_general3A_2027 = tpu.matmul %get3A_1, %select_n3A_2025, %dot_general3A_2026 {dimension_numbers = #tpu.dot_dimension_numbers<[1], [0], [0], [1], [0, 0, 1, 1], [], []>, transpose_lhs_hint = false} : vector<128x96xf32>, vector<96x128xf32>, vector<128x128xf32> -> vector<128x128xf32>
    %transpose3A_2028 = tpu.transpose %dot_general3A_2027, [1, 0] : vector<128x128xf32> -> vector<128x128xf32>
    %swap3A_2029 = arith.constant 12 : index
    %swap3A_2030 = arith.constant 640 : index
    %swap3A_2031 = arith.constant 0 : index
    %swap3A_2032 = vector.load %arg3[%swap3A_2029, %swap3A_2030, %swap3A_2031] : memref<13x1024x128xf32, #tpu.memory_space<vmem>>, vector<1x128x128xf32>
    %swap3A_2033 = vector.shape_cast %swap3A_2032 : vector<1x128x128xf32> to vector<128x128xf32>
    %swap3A_2034 = vector.shape_cast %transpose3A_2028 : vector<128x128xf32> to vector<1x128x128xf32>
    tpu.vector_store %arg3[%swap3A_2029, %swap3A_2030, %swap3A_2031], %swap3A_2034 {strides = array<i32>} : memref<13x1024x128xf32, #tpu.memory_space<vmem>>, vector<1x128x128xf32>,
    %get3A_2035 = arith.constant 12 : index
    %get3A_2036 = arith.constant 768 : index
    %get3A_2037 = vector.load %arg1[%get3A_2035, %get3A_2036] : memref<13x1024xi32, #tpu.memory_space<vmem>>, vector<1x128xi32>
    %broadcast_in_dim3A_2038 = vector.shape_cast %get3A_2037 : vector<1x128xi32> to vector<1x128xi32>
    %broadcast_in_dim3A_2039 = vector.broadcast %broadcast_in_dim3A_2038 : vector<1x128xi32> to vector<96x128xi32>
    %eq3A_2040 = arith.cmpi eq, %iota3A, %broadcast_in_dim3A_2039 : vector<96x128xi32>
    %jit3A_2041 = arith.constant 1.000000e+00 : f32
    %jit3A_2042 = arith.constant 0.000000e+00 : f32
    %broadcast_in_dim3A_2043 = vector.broadcast %jit3A_2041 : f32 to vector<96x128xf32>
    %broadcast_in_dim3A_2044 = vector.broadcast %jit3A_2042 : f32 to vector<96x128xf32>
    %select_n3A_2045 = arith.select %eq3A_2040, %broadcast_in_dim3A_2043, %broadcast_in_dim3A_2044 : vector<96x128xi1>, vector<96x128xf32>
    %dot_general3A_2046 = arith.constant dense<0.000000e+00> : vector<128x128xf32>
    %dot_general3A_2047 = tpu.matmul %get3A_1, %select_n3A_2045, %dot_general3A_2046 {dimension_numbers = #tpu.dot_dimension_numbers<[1], [0], [0], [1], [0, 0, 1, 1], [], []>, transpose_lhs_hint = false} : vector<128x96xf32>, vector<96x128xf32>, vector<128x128xf32> -> vector<128x128xf32>
    %transpose3A_2048 = tpu.transpose %dot_general3A_2047, [1, 0] : vector<128x128xf32> -> vector<128x128xf32>
    %swap3A_2049 = arith.constant 12 : index
    %swap3A_2050 = arith.constant 768 : index
    %swap3A_2051 = arith.constant 0 : index
    %swap3A_2052 = vector.load %arg3[%swap3A_2049, %swap3A_2050, %swap3A_2051] : memref<13x1024x128xf32, #tpu.memory_space<vmem>>, vector<1x128x128xf32>
    %swap3A_2053 = vector.shape_cast %swap3A_2052 : vector<1x128x128xf32> to vector<128x128xf32>
    %swap3A_2054 = vector.shape_cast %transpose3A_2048 : vector<128x128xf32> to vector<1x128x128xf32>
    tpu.vector_store %arg3[%swap3A_2049, %swap3A_2050, %swap3A_2051], %swap3A_2054 {strides = array<i32>} : memref<13x1024x128xf32, #tpu.memory_space<vmem>>, vector<1x128x128xf32>,
    %get3A_2055 = arith.constant 12 : index
    %get3A_2056 = arith.constant 896 : index
    %get3A_2057 = vector.load %arg1[%get3A_2055, %get3A_2056] : memref<13x1024xi32, #tpu.memory_space<vmem>>, vector<1x128xi32>
    %broadcast_in_dim3A_2058 = vector.shape_cast %get3A_2057 : vector<1x128xi32> to vector<1x128xi32>
    %broadcast_in_dim3A_2059 = vector.broadcast %broadcast_in_dim3A_2058 : vector<1x128xi32> to vector<96x128xi32>
    %eq3A_2060 = arith.cmpi eq, %iota3A, %broadcast_in_dim3A_2059 : vector<96x128xi32>
    %jit3A_2061 = arith.constant 1.000000e+00 : f32
    %jit3A_2062 = arith.constant 0.000000e+00 : f32
    %broadcast_in_dim3A_2063 = vector.broadcast %jit3A_2061 : f32 to vector<96x128xf32>
    %broadcast_in_dim3A_2064 = vector.broadcast %jit3A_2062 : f32 to vector<96x128xf32>
    %select_n3A_2065 = arith.select %eq3A_2060, %broadcast_in_dim3A_2063, %broadcast_in_dim3A_2064 : vector<96x128xi1>, vector<96x128xf32>
    %dot_general3A_2066 = arith.constant dense<0.000000e+00> : vector<128x128xf32>
    %dot_general3A_2067 = tpu.matmul %get3A_1, %select_n3A_2065, %dot_general3A_2066 {dimension_numbers = #tpu.dot_dimension_numbers<[1], [0], [0], [1], [0, 0, 1, 1], [], []>, transpose_lhs_hint = false} : vector<128x96xf32>, vector<96x128xf32>, vector<128x128xf32> -> vector<128x128xf32>
    %transpose3A_2068 = tpu.transpose %dot_general3A_2067, [1, 0] : vector<128x128xf32> -> vector<128x128xf32>
    %swap3A_2069 = arith.constant 12 : index
    %swap3A_2070 = arith.constant 896 : index
    %swap3A_2071 = arith.constant 0 : index
    %swap3A_2072 = vector.load %arg3[%swap3A_2069, %swap3A_2070, %swap3A_2071] : memref<13x1024x128xf32, #tpu.memory_space<vmem>>, vector<1x128x128xf32>
    %swap3A_2073 = vector.shape_cast %swap3A_2072 : vector<1x128x128xf32> to vector<128x128xf32>
    %swap3A_2074 = vector.shape_cast %transpose3A_2068 : vector<128x128xf32> to vector<1x128x128xf32>
    tpu.vector_store %arg3[%swap3A_2069, %swap3A_2070, %swap3A_2071], %swap3A_2074 {strides = array<i32>} : memref<13x1024x128xf32, #tpu.memory_space<vmem>>, vector<1x128x128xf32>,
    return
  }
  func.func @transform_0(%arg0: i32) -> (i32, i32) {
    %c0_i32 = arith.constant 0 : i32
    %c0_i32_0 = arith.constant 0 : i32
    return %c0_i32, %arg0 : i32, i32
  }
  func.func @transform_1(%arg0: i32) -> (i32, i32) {
    %c0_i32 = arith.constant 0 : i32
    %c0_i32_0 = arith.constant 0 : i32
    %c0_i32_1 = arith.constant 0 : i32
    return %c0_i32, %c0_i32_0 : i32, i32
  }
  func.func @transform_2(%arg0: i32) -> (i32, i32, i32) {
    %c0_i32 = arith.constant 0 : i32
    %c0_i32_0 = arith.constant 0 : i32
    %c0_i32_1 = arith.constant 0 : i32
    return %c0_i32, %arg0, %c0_i32_0 : i32, i32, i32
  }
}

</mosaic_0001>

<sc_bundles>
// kernel: kernel.5.cloned.1.call-start
scs
__scs_entry_jumppad:
0x0: {  	(pc) =	sbr.rel $0x88, $3  }
0x1: {  	(tag) =	ssettag $0x0;
	lr =	simm.s32 $0x1  }
0x2: {  	[smem:$0x3F93] =	sst lr;
	_ =	strace $0xD0000000  }
0x3: {  	_ = 	snop  }
0x4: {  	_ = 	snop  }
0x5: {  	_ = 	snop  }
0x6: {  	_ = 	snop  }
0x7: {  	_ = 	snop  }
__scs_overlays_trampoline_lowered:
0x8: {  	[smem:$0x3FA2] =	sst s0  }
0x9: {  	[smem:$0x3FA3] =	sst s1  }
0xa: {  	[smem:$0x3FA4] =	sst s2  }
0xb: {  	[smem:$0x3FA5] =	sst s3  }
0xc: {  	[smem:$0x3FA6] =	sst s4  }
0xd: {  	[smem:$0x3FA7] =	sst s5  }
0xe: {  	[smem:$0x3FA8] =	sst s6  }
0xf: {  	[smem:$0x3FA9] =	sst s7  }
0x10: {  	[smem:$0x3FAA] =	sst s8  }
0x11: {  	[smem:$0x3FAB] =	sst s9;
	s0 =	simm.s32 @!p0 $0x0  }
0x12: {  	s1 =	sld [smem:$0x3F91];
	s0 =	simm.s32 @p0 $0x1  }
0x13: {  	[smem:$0x3FAC] =	sst s0;
	s0 =	simm.s32 @!p1 $0x0  }
0x14: {  	s2 =	sld [smem:$0x3F90];
	s0 =	simm.s32 @p1 $0x1  }
0x15: {  	[smem:$0x3FAD] =	sst s0;
	s0 =	simm.s32 @!p2 $0x0  }
0x16: {  	s3 =	sld [smem:$0x3FDB];
	s0 =	simm.s32 @p2 $0x1  }
0x17: {  	s4 =	simm.s32 $0x1BF5;
	[smem:$0x3FAF] =	sst s0  }
0x18: {  	s0 =	sld [smem:$0x3F92];
	_ =	swait.ge [sflag:s4], $0x0  }
0x19: {  	s7 =	sld [smem:$0x3F93]  }
0x1a: {  	s8 =	sadd.s32 $0xFFFFE003, lr  }
0x1b: {  	s9 =	sadd.s32 $0xFFFFFEF7, lr;
	s5 =	simm.s32 $0xFFFFFFFF;
	p2 =	slt.u32 s8, $0xFFFFF086  }
0x1c: {  	p1 =	slt.u32 s9, $0xF7A;
	s5 =	simm.s32 @!p2 $0x0  }
0x1d: {  	s5 =	simm.s32 @p1 $0x1;
	p0 =	seq.s32 s7, s2  }
0x1e: {  	s7 =	smul.u32 @!p0 $0xF7A, s2;
	p2 =	seq.s32 @!p0 s5, $0x0  }
0x1f: {  	s9 =	smul.u32 $0xF7A, s1;
	s8 =	simm.s32 @!p0 $0x1BF5;
	p2 =	por !p2, p0  }
0x20: {  	[sflag:s8] =	ssyncset.s32 @!p0 $0xFFFFF086;
	s6 =	sadd.s32 @!p0 s3, s7;
	s7 =	simm.s32 @!p0 $0x108  }
0x21: {  	s3 =	sadd.s32 s3, s9;
	s6 =	sadd.s32 @!p0 $0x88, s6;
	s7 =	simm.s32 @p2 $0x1082  }
0x22: {  	[simem:s7], [sflag:s8] =	dma.local @!p0 [hbm:s6], $0xF7A  }
0x23: {  	s9 =	sor.u32 $0xD0000000, s2;
	s6 =	simm.s32 $0x108;
	_ =	swait.ge @!p0 [sflag:s8], $0x0  }
0x24: {  	s3 =	sadd.s32 $0x88, s3;
	s6 =	simm.s32 @!p1 $0x1082;
	[sflag:s4] =	ssyncset.s32 $0xFFFFF086  }
0x25: {  	[simem:s6], [sflag:s4] =	dma.local [hbm:s3], $0xF7A  }
0x26: {  	[smem:$0x3F93] =	sst s1;
	(tag) =	ssettag s2;
	_ =	strace s9  }
0x27: {  	s1 =	sld [smem:$0x3FA3]  }
0x28: {  	s2 =	sld [smem:$0x3FA4]  }
0x29: {  	s4 =	sld [smem:$0x3FA6]  }
0x2a: {  	p0 =	seq.s32 s5, $0x0;
	s5 =	sld [smem:$0x3FA7]  }
0x2b: {  	s6 =	sld [smem:$0x3FA8]  }
0x2c: {  	s7 =	sld [smem:$0x3FA9]  }
0x2d: {  	s3 =	simm.s32 $0x108;
	s8 =	sld [smem:$0x3FAA]  }
0x2e: {  	s3 =	simm.s32 @!p0 $0x1082;
	s9 =	sld [smem:$0x3FAB]  }
0x2f: {  	lr =	sadd.s32 s0, s3;
	s0 =	sld [smem:$0x3FA2]  }
0x30: {  	s3 =	sld [smem:$0x3FA5]  }
0x31: {  	[smem:$0x3FAE] =	sst s10  }
0x32: {  	s10 =	sld [smem:$0x3FAC];
	_ =	sdelay $0x3  }
0x33: {  	p0 =	seq.s32 s10, $0x1;
	s10 =	sld [smem:$0x3FAE];
	_ =	sdelay $0x3  }
0x34: {  	[smem:$0x3FAE] =	sst s10  }
0x35: {  	s10 =	sld [smem:$0x3FAD];
	_ =	sdelay $0x3  }
0x36: {  	p1 =	seq.s32 s10, $0x1;
	s10 =	sld [smem:$0x3FAE];
	_ =	sdelay $0x3  }
0x37: {  	[smem:$0x3FAE] =	sst s10  }
0x38: {  	s10 =	sld [smem:$0x3FAF]  }
0x39: {  	_ = 	snop;
	(pc) =	sbr.ind lr, $3  }
0x3a: {  	_ = 	snop  }
0x3b: {  	_ = 	snop  }
0x3c: {  	p2 =	seq.s32 s10, $0x1;
	s10 =	sld [smem:$0x3FAE]  }
0x3d: {  	_ =	shalt  }
0x3e: {  	_ =	shalt  }
0x3f: {  	_ =	shalt  }
0x40: {  	_ =	shalt  }
0x41: {  	_ =	shalt  }
0x42: {  	_ =	shalt  }
0x43: {  	_ =	shalt  }
0x44: {  	_ =	shalt  }
0x45: {  	_ =	shalt  }
0x46: {  	_ =	shalt  }
0x47: {  	_ =	shalt  }
0x48: {  	_ =	shalt  }
0x49: {  	_ =	shalt  }
0x4a: {  	_ =	shalt  }
0x4b: {  	_ =	shalt  }
0x4c: {  	_ =	shalt  }
0x4d: {  	_ =	shalt  }
0x4e: {  	_ =	shalt  }
0x4f: {  	_ =	shalt  }
0x50: {  	_ =	shalt  }
0x51: {  	_ =	shalt  }
0x52: {  	_ =	shalt  }
0x53: {  	_ =	shalt  }
0x54: {  	_ =	shalt  }
0x55: {  	_ =	shalt  }
0x56: {  	_ =	shalt  }
0x57: {  	_ =	shalt  }
0x58: {  	_ =	shalt  }
0x59: {  	_ =	shalt  }
0x5a: {  	_ =	shalt  }
0x5b: {  	_ =	shalt  }
0x5c: {  	_ =	shalt  }
0x5d: {  	_ =	shalt  }
0x5e: {  	_ =	shalt  }
0x5f: {  	_ =	shalt  }
0x60: {  	_ =	shalt  }
0x61: {  	_ =	shalt  }
0x62: {  	_ =	shalt  }
0x63: {  	_ =	shalt  }
0x64: {  	_ =	shalt  }
0x65: {  	_ =	shalt  }
0x66: {  	_ =	shalt  }
0x67: {  	_ =	shalt  }
0x68: {  	_ =	shalt  }
0x69: {  	_ =	shalt  }
0x6a: {  	_ =	shalt  }
0x6b: {  	_ =	shalt  }
0x6c: {  	_ =	shalt  }
0x6d: {  	_ =	shalt  }
0x6e: {  	_ =	shalt  }
0x6f: {  	_ =	shalt  }
0x70: {  	_ =	shalt  }
0x71: {  	_ =	shalt  }
0x72: {  	_ =	shalt  }
0x73: {  	_ =	shalt  }
0x74: {  	_ =	shalt  }
0x75: {  	_ =	shalt  }
0x76: {  	_ =	shalt  }
0x77: {  	_ =	shalt  }
0x78: {  	_ =	shalt  }
0x79: {  	_ =	shalt  }
0x7a: {  	_ =	shalt  }
0x7b: {  	_ =	shalt  }
0x7c: {  	_ =	shalt  }
0x7d: {  	_ =	shalt  }
0x7e: {  	_ =	shalt  }
0x7f: {  	_ =	shalt  }
0x80: {  	_ =	shalt  }
0x81: {  	_ =	shalt  }
0x82: {  	_ =	shalt  }
0x83: {  	_ =	shalt  }
0x84: {  	_ =	shalt  }
0x85: {  	_ =	shalt  }
0x86: {  	_ =	shalt  }
0x87: {  	_ =	shalt  }
.Lfunc_end0:
.L_simem_size_0:
called_computation_lowered:
.L_overlay_start_0:
0x88: {  	s2 =	sld [smem:$0x3FD9]  }
0x89: {  	s3 =	sld [smem:$0x3FFE];
	_ =	sdelay $0x1  }
0x8a: {  	s1 =	srdreg.scid  }
0x8b: {  	s0 =	sand.u32 $0x1, s1  }
0x8c: {  	s14 =	sshll.u32 s0, $0xA;
	s2 =	sadd.s32 s3, s2  }
0x8d: {  	s2 =	sadd.s32 s2, s14  }
0x8e: {  	[smem:$0x3FBA] =	sst s2  }
0x8f: {  	_ = 	snop  }
0x90: {  	s2 =	sld [smem:$0x3FD0];
	_ =	sdelay $0x2  }
0x91: {  	s15 =	simm.s32 $0xA;
	s4 =	simm.s32 $0x10  }
0x92: {  	[smem:s4], [sflag:s15] =	dma.local [hbm:s2], $0x1  }
0x93: {  	_ =	swait.eq [sflag:s15], $0x1  }
0x94: {  	[sflag:s15] =	ssyncset.done $0x0  }
0x95: {  	s16 =	sld [smem:$0x10];
	[sflag:s15] =	ssyncadd.s32 $0xFFFFFFFF  }
0x96: {  	s17 =	sld [smem:$0x11];
	(tm) =	ssettm $0x1  }
0x97: {  	s18 =	sld [smem:$0x3FFB];
	_ =	sdelay $0x3  }
0x98: {  	_ =	strace s18  }
0x99: {  	s4 =	sld [smem:$0x3FFC];
	_ =	sdelay $0x3  }
0x9a: {  	_ =	strace s4  }
0x9b: {  	s4 =	sld [smem:$0x3FFD];
	_ =	sdelay $0x3  }
0x9c: {  	_ =	strace s4  }
0x9d: {  	_ =	strace $0x8FFFFFFF  }
0x9e: {  	s19 =	sld [smem:$0x3FDB];
	_ =	sdelay $0x1  }
0x9f: {  	s5 =	simm.s32 $_scs_section_size  }
0xa0: {  	s6 =	simm.s32 $_size__tile_overlayer_lowered;
	s7 =	simm.s32 $_tile_overlayer_lowered  }
0xa1: {  	s22 =	simm.s32 $0x1BFF;
	s21 =	sshll.u32 s7, $0x1;
	s4 =	sadd.s32 s5, s19  }
0xa2: {  	s8 =	simm.s32 $0x0;
	s20 =	sshll.u32 s6, $0x1;
	s6 =	sadd.s32 s21, s4  }
0xa3: {  	[timem:s8], [sflag:s22] =	dma.local [hbm:s6], s20  }
0xa4: {  	_ =	swait.ge [sflag:s22], s20  }
0xa5: {  	s5 =	ssub.s32 $0x0, s20;
	[sflag:s22] =	ssyncset.done $0x0  }
0xa6: {  	[sflag:s22] =	ssyncadd.s32 s5;
	_ =	sdelay $0x1  }
0xa7: {  	s23 =	simm.s32 $0x1B8B  }
0xa8: {  	_ =	swait.ge [sflag:s23], $0x1  }
0xa9: {  	[sflag:s23] =	ssyncset.done $0x0  }
0xaa: {  	s25 =	simm.s32 $0x1B8E;
	s24 =	sld [smem:$0x3FFE];
	[sflag:s23] =	ssyncadd.s32 $0xFFFFFFFF  }
0xab: {  	s26 =	simm.s32 $execute0_lowered;
	[smem:$0x3FD2] =	sst s25  }
0xac: {  	s6 =	sshll.u32 s26, $0x1;
	_ =	strace $0x80000046;
	[dreg:$0x1] =	wrdreg $0xFFFFFFFF  }
0xad: {  	s28 =	simm.s32 $_size_execute0_lowered;
	s4 =	sadd.s32 s4, s6;
	[dreg:$0x0] =	wrdreg $0x0  }
0xae: {  	s6 =	sshll.u32 s28, $0x1;
	[dreg:$0x2] =	wrdreg s4  }
0xaf: {  	[dreg:$0x3] =	wrdreg s6  }
0xb0: {  	[dreg:$0x4] =	wrdreg $0xC0  }
0xb1: {  	_ =	task [dreg:s8], $0x5FFFF  }
0xb2: {  	[dreg:$0x1] =	wrdreg $0xFFFFFFFF  }
0xb3: {  	[dreg:$0x0] =	wrdreg $0x60  }
0xb4: {  	[dreg:$0x2] =	wrdreg s17  }
0xb5: {  	[dreg:$0x3] =	wrdreg s24  }
0xb6: {  	[dreg:$0x4] =	wrdreg s16  }
0xb7: {  	[dreg:$0x5] =	wrdreg $0x10000  }
0xb8: {  	[dreg:$0x6] =	wrdreg $0x9  }
0xb9: {  	_ =	task.clear_ibuf [dreg:s8], $0x7FFFF;
	_ =	strace $0x90000046  }
0xba: {  	s29 =	simm.s32 $0x9;
	_ =	strace $0x80000048  }
0xbb: {  	_ =	swait.ge [sflag:s29], $0x1  }
0xbc: {  	[sflag:s29] =	ssyncadd.s32 $0xFFFFFFFF  }
0xbd: {  	_ =	strace $0x90000048  }
0xbe: {  	_ =	sfence  }
0xbf: {  	s30 =	sld [smem:$0x0];
	_ =	sdelay $0x2  }
0xc0: {  	s31 =	sshll.u32 s1, $0xD;
	s1 =	sshrl.u32 s1, $0x2  }
0xc1: {  	s3 =	sand.u32 $0x4000, s31;
	s1 =	sadd.s32 s1, s30  }
0xc2: {  	s0 =	sor.u32 s3, s0;
	s1 =	sshll.u32 s1, $0x11  }
0xc3: {  	s0 =	sor.u32 s1, s0  }
0xc4: {  	s0 =	sadd.s32 $0x8F2B, s0  }
0xc5: {  	[sflag:s0] =	ssyncadd.remote.s32 $0x1  }
0xc6: {  	_ =	sfence.sel $0xFFFF  }
0xc7: {  	[dreg:$0x0] =	wrdreg $0xFFFFFFFF;
	(pc) =	sbr.abs _section_cstart, $3  }
0xc8: {  	[dreg:$0x1] =	wrdreg $0xFFFFFFFF  }
0xc9: {  	_ =	task.clear_ibuf [dreg:s8], $0x2FFFF;
	_ =	strace $0x9FFFFFFF  }
0xca: {  	(tm) =	ssettm $0x7FFFFFFF  }
0xcb: {  	_ =	shalt  }
tec
execute0_lowered:
.L_overlay_start_1:
0x0: {  	(tag) =	ssettag $0x1  }
0x1: {  	s0 =	rddreg [dreg:$0x0]  }
0x2: {  	s4 =	rddreg [dreg:$0x1]  }
0x3: {  	s6 =	rddreg [dreg:$0x2];
	s1 =	srdreg.scid  }
0x4: {  	s2 =	rddreg [dreg:$0x3];
	s7 =	stileid.u32;
	s3 =	simm.s32 $0x0  }
0x5: {  	s12 =	simm.s32 $0x1300;
	s13 =	simm.s32 $0x5300;
	s14 =	simm.s32 $0x1  }
0x6: {  	s15 =	simm.s32 $0x3;
	s16 =	simm.s32 $0x2;
	s17 =	simm.s32 $0x4  }
0x7: {  	s18 =	simm.s32 $0x0;
	s8 =	sand.u32 $0x1, s1;
	s1 =	rddreg [dreg:$0x4]  }
0x8: {  	s5 =	sshll.u32 s7, $0xD;
	[smem:$0x7FF] =	sst s3;
	s31 =	sshll.u32 s7, $0x11  }
0x9: {  	p0 =	sne.s32 s7, $0x0;
	s9 =	sshll.u32 s8, $0xC;
	s30 =	ssub.s32 $0x2, s8  }
0xa: {  	_ =	strace $0x80000047;
	s5 =	sor.u32 s9, s5;
	s11 =	sshrl.u32 s30, $0x1  }
0xb: {  	s8 =	sshll.u32 s8, $0x10;
	s10 =	sshrl.u32 s5, $0x3;
	s9 =	ssub.s32 s30, s11  }
0xc: {  	s5 =	sshll.u32 s5, $0x4;
	s11 =	simm.s32 $0x80;
	s4 =	sadd.s32 s10, s4  }
0xd: {  	s5 =	sadd.s32 s6, s5;
	s10 =	sadd.s32 s31, s6;
	s7 =	smax.u32 s9, $0x1  }
0xe: {  	s9 =	sshrl.u32 @!p0 s2, $0x3;
	s4 =	sadd.s32 $0x2200, s4;
	s8 =	sadd.s32 s8, s10  }
0xf: {  	s6 =	sadd.s32 $0xF800, s5;
	s10 =	simm.s32 $0x5;
	s8 =	sadd.s32 $0x800, s8  }
.LBB2_1:
0x10: {  	s19 =	simm.s32 @!p0 $0x1C05  }
0x11: {  	[spmem:s9], [sflag:s19] =	dma.local @!p0 [hbm:s0], $0x600  }
0x12: {  	s19 =	simm.s32 @!p0 $0x5  }
0x13: {  	_ =	swait.ge @!p0 [sflag:s19], $0x600  }
0x14: {  	[sflag:s19] =	ssyncset.done @!p0 $0x0  }
0x15: {  	[sflag:s19] =	ssyncadd.s32 @!p0 $0xFFFFFA00  }
0x16: {  	[bflag:$0x0] =	sbarrier.arrive $0xFFFF  }
0x17: {  	[tilespmem:s3], [sflag:$0x5] =	stream.linear.gather [hbm4b:s4+s3], $0x1000, $0x38;
	[tilespmem:$0x9300] =	vst v63  }
0x18: {  	_ =	swait.ge [sflag:s10], $0x1000  }
0x19: {  	[sflag:s10] =	ssyncset.done $0x0  }
0x1a: {  	[sflag:s10] =	ssyncadd.s32 $0xFFFFF000  }
0x1b: {  	[tilespmem:s12], [sflag:$0x1] =	stream.indirect.gather [spmem:s2], $0x80, s3, s11, $0xb8;
	[tilespmem:$0x9300] =	vst v63  }
0x1c: {  	_ = 	snop  }
0x1d: {  	[tilespmem:s13], [sflag:$0x2] =	stream.indirect.gather [spmem:s2], $0x80, s11, s11, $0xb8;
	[tilespmem:$0x9300] =	vst v63  }
0x1e: {  	_ =	swait.ge [sflag:s14], $0x4000  }
0x1f: {  	[sflag:s14] =	ssyncset.done $0x0  }
0x20: {  	[sflag:s14] =	ssyncadd.s32 $0xFFFFC000  }
0x21: {  	[hbm4b:s5+s3] =	stream.linear.scatter [tilespmem:s12], [sflag:$0x3], $0x4000, $0x38;
	[tilespmem:$0x9300] =	vst v63  }
0x22: {  	_ =	swait.ge [sflag:s15], $0x4000  }
0x23: {  	[sflag:s15] =	ssyncset.done $0x0  }
0x24: {  	s30 =	simm.s32 $0x100;
	[sflag:s15] =	ssyncadd.s32 $0xFFFFC000  }
0x25: {  	[tilespmem:s12], [sflag:$0x1] =	stream.indirect.gather [spmem:s2], $0x80, s30, s11, $0xb8;
	[tilespmem:$0x9300] =	vst v63  }
0x26: {  	_ =	swait.ge [sflag:s16], $0x4000  }
0x27: {  	[sflag:s16] =	ssyncset.done $0x0  }
0x28: {  	[sflag:s16] =	ssyncadd.s32 $0xFFFFC000  }
0x29: {  	[hbm4b:s8+s3] =	stream.linear.scatter [tilespmem:s13], [sflag:$0x4], $0x4000, $0x38;
	[tilespmem:$0x9300] =	vst v63  }
0x2a: {  	_ =	swait.ge [sflag:s17], $0x4000  }
0x2b: {  	[sflag:s17] =	ssyncset.done $0x0  }
0x2c: {  	s31 =	simm.s32 $0x180;
	[sflag:s17] =	ssyncadd.s32 $0xFFFFC000  }
0x2d: {  	[tilespmem:s13], [sflag:$0x2] =	stream.indirect.gather [spmem:s2], $0x80, s31, s11, $0xb8;
	[tilespmem:$0x9300] =	vst v63  }
0x2e: {  	_ =	swait.ge [sflag:s14], $0x4000  }
0x2f: {  	s21 =	sadd.s32 $0x800, s8;
	[sflag:s14] =	ssyncset.done $0x0  }
0x30: {  	s20 =	sadd.s32 $0x1000, s8;
	s19 =	simm.s32 $0x400;
	[sflag:s14] =	ssyncadd.s32 $0xFFFFC000  }
.LBB2_2:
0x31: {  	[hbm4b:s21+s3] =	stream.linear.scatter [tilespmem:s12], [sflag:$0x3], $0x4000, $0x38;
	[tilespmem:$0x9300] =	vst v63  }
0x32: {  	s21 =	smov.u32 s19  }
0x33: {  	p1 =	sne.s32 s19, $0x3800;
	s19 =	sadd.s32 $0x400, s19;
	_ =	swait.ge [sflag:s15], $0x4000  }
0x34: {  	s21 =	sshra.s32 s21, $0x2;
	[sflag:s15] =	ssyncset.done $0x0  }
0x35: {  	s22 =	sadd.s32 $0x100, s21;
	[sflag:s15] =	ssyncadd.s32 $0xFFFFC000  }
0x36: {  	[tilespmem:s12], [sflag:$0x1] =	stream.indirect.gather [spmem:s2], $0x80, s22, s11, $0xb8;
	[tilespmem:$0x9300] =	vst v63  }
0x37: {  	_ =	swait.ge [sflag:s16], $0x4000  }
0x38: {  	[sflag:s16] =	ssyncset.done $0x0  }
0x39: {  	[sflag:s16] =	ssyncadd.s32 $0xFFFFC000  }
0x3a: {  	[hbm4b:s20+s3] =	stream.linear.scatter [tilespmem:s13], [sflag:$0x4], $0x4000, $0x38;
	[tilespmem:$0x9300] =	vst v63  }
0x3b: {  	_ =	swait.ge [sflag:s17], $0x4000  }
0x3c: {  	[sflag:s17] =	ssyncset.done $0x0  }
.Ltmp0:
0x3d: {  	s21 =	sadd.s32 $0x180, s21;
	[sflag:s17] =	ssyncadd.s32 $0xFFFFC000;
	(pc) =	sbr.rel @p1 .LBB2_2-.Ltmp0, $4  }
0x3e: {  	[tilespmem:s13], [sflag:$0x2] =	stream.indirect.gather [spmem:s2], $0x80, s21, s11, $0xb8;
	[tilespmem:$0x9300] =	vst v63  }
0x3f: {  	_ =	swait.ge [sflag:s14], $0x4000  }
0x40: {  	[sflag:s14] =	ssyncset.done $0x0  }
0x41: {  	s21 =	sadd.s32 $0x800, s20;
	s20 =	sadd.s32 $0x1000, s20;
	[sflag:s14] =	ssyncadd.s32 $0xFFFFC000  }
0x42: {  	[hbm4b:s21+s3] =	stream.linear.scatter [tilespmem:s12], [sflag:$0x3], $0x4000, $0x38;
	[tilespmem:$0x9300] =	vst v63  }
0x43: {  	_ =	swait.ge [sflag:s16], $0x4000  }
0x44: {  	[sflag:s16] =	ssyncset.done $0x0  }
0x45: {  	s18 =	sadd.s32 $0x1, s18;
	[sflag:s16] =	ssyncadd.s32 $0xFFFFC000  }
0x46: {  	[hbm4b:s6+s3] =	stream.linear.scatter [tilespmem:s13], [sflag:$0x4], $0x4000, $0x38;
	[tilespmem:$0x9300] =	vst v63  }
0x47: {  	p1 =	sne.s32 s18, s7;
	_ =	swait.ge [sflag:s15], $0x4000  }
.Ltmp1:
0x48: {  	[sflag:s15] =	ssyncset.done $0x0;
	(pc) =	sbr.rel @p1 .LBB2_1-.Ltmp1, $4  }
0x49: {  	[sflag:s15] =	ssyncadd.s32 $0xFFFFC000  }
0x4a: {  	_ =	swait.ge [sflag:s17], $0x4000  }
0x4b: {  	[sflag:s17] =	ssyncset.done $0x0  }
0x4c: {  	[sflag:s17] =	ssyncadd.s32 $0xFFFFC000  }
0x4d: {  	_ =	sfence.sel $0x180000  }
0x4e: {  	[bflag:$0x0] =	sbarrier.arrive $0xFFFF  }
0x4f: {  	_ =	strace $0x90000047  }
0x50: {  	s0 =	sadd.s32 @!p0 $0x100000, s1;
	[bflag:$0x2] =	sbarrier.arrive $0xFFFF  }
0x51: {  	[sflag:s0] =	ssyncadd.tile.s32 @!p0 $0x1;
	_ =	shalt  }
.Lfunc_end2:
_tile_overlayer_lowered:
.L_overlay_start_2:
0x52: {  	(tag) =	ssettag $0x2  }
0x53: {  	s0 =	rddreg [dreg:$0x0];
	s2 =	stileid.u32  }
0x54: {  	s1 =	rddreg [dreg:$0x1];
	p0 =	sne.s32 s2, $0x0  }
0x55: {  	s3 =	rddreg [dreg:$0x2];
	[bflag:$0x3] =	sbarrier.arrive $0xFFFF;
	s2 =	simm.s32 @!p0 $0x1C05  }
0x56: {  	[timem:s3], [sflag:s2] =	dma.local @!p0 [hbm:s0], s1  }
0x57: {  	s0 =	simm.s32 @!p0 $0x5  }
0x58: {  	_ =	swait.ge @!p0 [sflag:s0], s1  }
0x59: {  	s1 =	ssub.s32 @!p0 $0x0, s1;
	[sflag:s0] =	ssyncset.done @!p0 $0x0  }
0x5a: {  	[sflag:s0] =	ssyncadd.s32 @!p0 s1  }
0x5b: {  	[bflag:$0x3] =	sbarrier.arrive $0xFFFF  }
0x5c: {  	_ =	shalt  }

</sc_bundles>
